<compile_context>
chip_gen: v7x
topology: tpu7x:2x2x1
jax: 0.10.2.dev20260603
libtpu: 0.0.44.dev20260713+nightly
codegen_flags: <defaults>
</compile_context>

<pallas_src>
import functools

import jax
import jax.numpy as jnp
from jax import lax
from jax.experimental import pallas as pl
from jax.experimental.pallas import tpu as pltpu
from jax.experimental.pallas import tpu_sc as plsc

_LAMBDA_2 = 0.01

_B = 16384
_D = 64
_V = 100000
_L = 16
_NC = 2
_NS = 16
_NW = _NC * _NS
_DPW = _D // _NW
_NBLK = 4
_BLK = _B // _NBLK
_OUTW = 128
_UNROLL = 4
_NACC = 2

_mesh = plsc.VectorSubcoreMesh(core_axis_name="c", subcore_axis_name="s")


@functools.partial(
    pl.kernel,
    mesh=_mesh,
    compiler_params=pltpu.CompilerParams(needs_layout_passes=False),
    out_type=jax.ShapeDtypeStruct((2, _NW, _OUTW), jnp.float32),
    scratch_types=[
        pltpu.VMEM((_V,), jnp.float32),
        pltpu.VMEM((2, _BLK), jnp.int32),
        pltpu.VMEM((2, _BLK), jnp.int32),
        pltpu.VMEM((2, _BLK), jnp.float32),
        pltpu.VMEM((_OUTW,), jnp.float32),
        pltpu.VMEM((_OUTW,), jnp.float32),
        pltpu.SemaphoreType.DMA,
        [pltpu.SemaphoreType.DMA] * 2,
    ],
)
def _phi_partials(wt_hbm, coo_hbm, idx1_hbm, idx2_hbm, out_hbm,
                  row_v, idx1_v, idx2_v, coo_v, sq_v, abs_v, rowsem, sems):
    wid = lax.axis_index("c") * _NS + lax.axis_index("s")

    def fire_blk(blk):
        buf = blk % 2
        return (
            pltpu.async_copy(idx1_hbm.at[pl.ds(blk * _BLK, _BLK)],
                             idx1_v.at[buf], sems[buf]),
            pltpu.async_copy(idx2_hbm.at[pl.ds(blk * _BLK, _BLK)],
                             idx2_v.at[buf], sems[buf]),
            pltpu.async_copy(coo_hbm.at[pl.ds(blk * _BLK, _BLK)],
                             coo_v.at[buf], sems[buf]),
        )

    zero = jnp.zeros((_L,), jnp.float32)
    accs = tuple((zero, zero) for _ in range(_NACC))
    for p in range(_DPW):
        d = wid * _DPW + p
        row_cp = pltpu.async_copy(wt_hbm.at[d], row_v, rowsem)
        pending = {0: fire_blk(0), 1: fire_blk(1)}
        for blk in range(_NBLK):
            buf = blk % 2
            for cp in pending.pop(blk):
                cp.wait()
            if blk == 0:
                row_cp.wait()

            def body(i, carry, buf=buf):
                out = []
                for u, (a_sq, a_abs) in enumerate(carry):
                    off = pl.ds(i + u * _L, _L)
                    i1 = idx1_v[buf, off]
                    i2 = idx2_v[buf, off]
                    cvec = coo_v[buf, off]
                    g1 = plsc.load_gather(row_v, [i1])
                    g2 = plsc.load_gather(row_v, [i2])
                    dd = cvec - g1 * g2
                    out.append((a_sq + dd * dd,
                                a_abs + jnp.abs(g1) + jnp.abs(g2)))
                return tuple(out)

            accs = plsc.parallel_loop(
                0, _BLK, step=_L * _NACC, unroll=_UNROLL,
                carry=accs)(body)
            if blk + 2 < _NBLK:
                pending[blk + 2] = fire_blk(blk + 2)

    acc_sq = zero
    acc_abs = zero
    for a_sq, a_abs in accs:
        acc_sq = acc_sq + a_sq
        acc_abs = acc_abs + a_abs

    for t in range(_OUTW // _L):
        sq_v[pl.ds(t * _L, _L)] = acc_sq if t == 0 else zero
        abs_v[pl.ds(t * _L, _L)] = acc_abs if t == 0 else zero
    pltpu.sync_copy(sq_v, out_hbm.at[0, wid])
    pltpu.sync_copy(abs_v, out_hbm.at[1, wid])


def kernel(w, cooccur, feature_idx1, feature_idx2):
    wt = w.T
    idx1 = feature_idx1.astype(jnp.int32)
    idx2 = feature_idx2.astype(jnp.int32)
    coo = cooccur.reshape(_B)
    parts = _phi_partials(wt, coo, idx1, idx2)
    return (jnp.sqrt(jnp.sum(parts[0]))
            + (_LAMBDA_2 / 2.0) * jnp.sum(parts[1]))

# --- scband reference (transcript-rebuilt; emitter-appended) ---
"""Pipeline reference for scband-phi-model-35433480192067 (READ-ONLY COPY).

The authoritative reference and input builder live on the scoring server;
editing this copy changes nothing except your own understanding.
"""

import jax, jax.numpy as jnp
import numpy as np

LAMBDA_2 = 0.01

def setup_inputs(seed: int = 0) -> dict:
    key = jax.random.key(seed)
    k1, k2, k3, k4 = jax.random.split(key, 4)
    feature_size = 100000
    embedding_size = 64
    batch = 16384
    feature_idx1 = jax.random.randint(k1, (batch,), 0, feature_size, dtype=jnp.int64 if jax.config.jax_enable_x64 else jnp.int32)
    feature_idx2 = jax.random.randint(k2, (batch,), 0, feature_size, dtype=jnp.int64 if jax.config.jax_enable_x64 else jnp.int32)
    cooccur = jax.random.uniform(k3, (batch, 1), dtype=jnp.float32)
    # embedding table initialized uniform(-1, 1) as in the torch module
    w = jax.random.uniform(k4, (feature_size, embedding_size), dtype=jnp.float32, minval=-1.0, maxval=1.0)
    return {"w": w, "cooccur": cooccur, "feature_idx1": feature_idx1, "feature_idx2": feature_idx2}

def reference(w, cooccur, feature_idx1, feature_idx2):
    # embedding lookups (gather)
    w1 = jnp.take(w, feature_idx1, axis=0)  # [B, D]
    w2 = jnp.take(w, feature_idx2, axis=0)  # [B, D]
    # torch.norm(x, p='fro') == sqrt(sum(x**2)); torch.norm(x, p=1) == sum(abs(x))
    diff = cooccur - w1 * w2  # cooccur [B,1] broadcasts over D
    fro = jnp.sqrt(jnp.sum(diff * diff))
    l1 = jnp.sum(jnp.abs(w1)) + jnp.sum(jnp.abs(w2))
    loss = fro + (LAMBDA_2 / 2.0) * l1
    return loss

if __name__ == "__main__":
    import jax
    _d = setup_inputs()
    print(jax.jit(kernel)(*tuple(_d.values())))

</pallas_src>

<mosaic_0001>
#map = affine_map<(d0, d1) -> (0, 0)>
#map1 = affine_map<(d0, d1) -> (0)>
#map2 = affine_map<(d0, d1) -> (0, 0, 0)>
module attributes {stable_mosaic.version = 14 : i64} {
  func.func @_phi_partials(%arg0: i32, %arg1: i32, %arg2: memref<64x100000xf32, #tpu.memory_space<hbm>>, %arg3: memref<16384xf32, #tpu.memory_space<hbm>>, %arg4: memref<16384xi32, #tpu.memory_space<hbm>>, %arg5: memref<16384xi32, #tpu.memory_space<hbm>>, %arg6: memref<2x32x128xf32, #tpu.memory_space<hbm>>, %arg7: memref<100000xf32, #tpu.memory_space<vmem>>, %arg8: memref<2x4096xi32, #tpu.memory_space<vmem>>, %arg9: memref<2x4096xi32, #tpu.memory_space<vmem>>, %arg10: memref<2x4096xf32, #tpu.memory_space<vmem>>, %arg11: memref<128xf32, #tpu.memory_space<vmem>>, %arg12: memref<128xf32, #tpu.memory_space<vmem>>, %arg13: memref<!tpu.dma_semaphore, #tpu.memory_space<semaphore_mem>>, %arg14: memref<!tpu.dma_semaphore, #tpu.memory_space<semaphore_mem>>, %arg15: memref<!tpu.dma_semaphore, #tpu.memory_space<semaphore_mem>>) attributes {dimension_semantics = [#tpu.dimension_semantics<core_parallel>, #tpu.dimension_semantics<subcore_parallel>], iteration_bounds = array<i64: 2, 16>, scalar_prefetch = 0 : i64, scratch_operands = 9 : i64, tpu.core_type = #tpu.core_type<sc_vector_subcore>, window_params = [{transform_indices = #map}, {transform_indices = #map1}, {transform_indices = #map1}, {transform_indices = #map1}, {transform_indices = #map2}]} {
    %mul3A = arith.constant 16 : i32
    %mul3A_0 = arith.muli %arg0, %mul3A : i32
    %add3A = arith.addi %mul3A_0, %arg1 : i32
    %broadcast_in_dim3A = arith.constant 0.000000e+00 : f32
    %broadcast_in_dim3A_1 = vector.broadcast %broadcast_in_dim3A : f32 to vector<16xf32>
    %mul3A_2 = arith.constant 2 : i32
    %mul3A_3 = arith.muli %add3A, %mul3A_2 : i32
    %add3A_4 = arith.constant 0 : i32
    %add3A_5 = arith.addi %mul3A_3, %add3A_4 : i32
    %dma_start3A = arith.constant 0 : i32
    %dma_start3A_6 = tpu.memref_slice %arg2[%add3A_5, %dma_start3A] : memref<64x100000xf32, #tpu.memory_space<hbm>> -> memref<1x100000xf32, #tpu.memory_space<hbm>>
    %dma_start3A_7 = tpu.memref_squeeze %dma_start3A_6 : memref<1x100000xf32, #tpu.memory_space<hbm>> -> memref<100000xf32, #tpu.memory_space<hbm>>
    %dma_start3A_8 = arith.constant 0 : i32
    %dma_start3A_9 = tpu.memref_slice %arg2[%add3A_5, %dma_start3A_8] : memref<64x100000xf32, #tpu.memory_space<hbm>> -> memref<1x100000xf32, #tpu.memory_space<hbm>>
    %dma_start3A_10 = tpu.memref_squeeze %dma_start3A_9 : memref<1x100000xf32, #tpu.memory_space<hbm>> -> memref<100000xf32, #tpu.memory_space<hbm>>
    tpu.enqueue_dma source(%dma_start3A_10 : memref<100000xf32, #tpu.memory_space<hbm>>) target(%arg7 : memref<100000xf32, #tpu.memory_space<vmem>>) target_semaphore(%arg13 : memref<!tpu.dma_semaphore, #tpu.memory_space<semaphore_mem>>)
    %dma_start3A_11 = arith.constant 0 : i32
    %dma_start3A_12 = arith.constant 0 : i32
    %dma_start3A_13 = tpu.memref_slice %arg8[%dma_start3A_11, %dma_start3A_12] : memref<2x4096xi32, #tpu.memory_space<vmem>> -> memref<1x4096xi32, #tpu.memory_space<vmem>>
    %dma_start3A_14 = tpu.memref_squeeze %dma_start3A_13 : memref<1x4096xi32, #tpu.memory_space<vmem>> -> memref<4096xi32, #tpu.memory_space<vmem>>
    %dma_start3A_15 = arith.constant 0 : i32
    %dma_start3A_16 = tpu.memref_slice %arg4[%dma_start3A_15] : memref<16384xi32, #tpu.memory_space<hbm>> -> memref<4096xi32, #tpu.memory_space<hbm>>
    %dma_start3A_17 = arith.constant 0 : i32
    %dma_start3A_18 = tpu.memref_slice %arg8[%dma_start3A_11, %dma_start3A_17] : memref<2x4096xi32, #tpu.memory_space<vmem>> -> memref<1x4096xi32, #tpu.memory_space<vmem>>
    %dma_start3A_19 = tpu.memref_squeeze %dma_start3A_18 : memref<1x4096xi32, #tpu.memory_space<vmem>> -> memref<4096xi32, #tpu.memory_space<vmem>>
    %dma_start3A_20 = arith.constant 0 : i32
    %dma_start3A_21 = tpu.memref_slice %arg4[%dma_start3A_20] : memref<16384xi32, #tpu.memory_space<hbm>> -> memref<4096xi32, #tpu.memory_space<hbm>>
    tpu.enqueue_dma source(%dma_start3A_21 : memref<4096xi32, #tpu.memory_space<hbm>>) target(%dma_start3A_19 : memref<4096xi32, #tpu.memory_space<vmem>>) target_semaphore(%arg14 : memref<!tpu.dma_semaphore, #tpu.memory_space<semaphore_mem>>)
    %dma_start3A_22 = arith.constant 0 : i32
    %dma_start3A_23 = arith.constant 0 : i32
    %dma_start3A_24 = tpu.memref_slice %arg9[%dma_start3A_22, %dma_start3A_23] : memref<2x4096xi32, #tpu.memory_space<vmem>> -> memref<1x4096xi32, #tpu.memory_space<vmem>>
    %dma_start3A_25 = tpu.memref_squeeze %dma_start3A_24 : memref<1x4096xi32, #tpu.memory_space<vmem>> -> memref<4096xi32, #tpu.memory_space<vmem>>
    %dma_start3A_26 = arith.constant 0 : i32
    %dma_start3A_27 = tpu.memref_slice %arg5[%dma_start3A_26] : memref<16384xi32, #tpu.memory_space<hbm>> -> memref<4096xi32, #tpu.memory_space<hbm>>
    %dma_start3A_28 = arith.constant 0 : i32
    %dma_start3A_29 = tpu.memref_slice %arg9[%dma_start3A_22, %dma_start3A_28] : memref<2x4096xi32, #tpu.memory_space<vmem>> -> memref<1x4096xi32, #tpu.memory_space<vmem>>
    %dma_start3A_30 = tpu.memref_squeeze %dma_start3A_29 : memref<1x4096xi32, #tpu.memory_space<vmem>> -> memref<4096xi32, #tpu.memory_space<vmem>>
    %dma_start3A_31 = arith.constant 0 : i32
    %dma_start3A_32 = tpu.memref_slice %arg5[%dma_start3A_31] : memref<16384xi32, #tpu.memory_space<hbm>> -> memref<4096xi32, #tpu.memory_space<hbm>>
    tpu.enqueue_dma source(%dma_start3A_32 : memref<4096xi32, #tpu.memory_space<hbm>>) target(%dma_start3A_30 : memref<4096xi32, #tpu.memory_space<vmem>>) target_semaphore(%arg14 : memref<!tpu.dma_semaphore, #tpu.memory_space<semaphore_mem>>)
    %dma_start3A_33 = arith.constant 0 : i32
    %dma_start3A_34 = arith.constant 0 : i32
    %dma_start3A_35 = tpu.memref_slice %arg10[%dma_start3A_33, %dma_start3A_34] : memref<2x4096xf32, #tpu.memory_space<vmem>> -> memref<1x4096xf32, #tpu.memory_space<vmem>>
    %dma_start3A_36 = tpu.memref_squeeze %dma_start3A_35 : memref<1x4096xf32, #tpu.memory_space<vmem>> -> memref<4096xf32, #tpu.memory_space<vmem>>
    %dma_start3A_37 = arith.constant 0 : i32
    %dma_start3A_38 = tpu.memref_slice %arg3[%dma_start3A_37] : memref<16384xf32, #tpu.memory_space<hbm>> -> memref<4096xf32, #tpu.memory_space<hbm>>
    %dma_start3A_39 = arith.constant 0 : i32
    %dma_start3A_40 = tpu.memref_slice %arg10[%dma_start3A_33, %dma_start3A_39] : memref<2x4096xf32, #tpu.memory_space<vmem>> -> memref<1x4096xf32, #tpu.memory_space<vmem>>
    %dma_start3A_41 = tpu.memref_squeeze %dma_start3A_40 : memref<1x4096xf32, #tpu.memory_space<vmem>> -> memref<4096xf32, #tpu.memory_space<vmem>>
    %dma_start3A_42 = arith.constant 0 : i32
    %dma_start3A_43 = tpu.memref_slice %arg3[%dma_start3A_42] : memref<16384xf32, #tpu.memory_space<hbm>> -> memref<4096xf32, #tpu.memory_space<hbm>>
    tpu.enqueue_dma source(%dma_start3A_43 : memref<4096xf32, #tpu.memory_space<hbm>>) target(%dma_start3A_41 : memref<4096xf32, #tpu.memory_space<vmem>>) target_semaphore(%arg14 : memref<!tpu.dma_semaphore, #tpu.memory_space<semaphore_mem>>)
    %dma_start3A_44 = arith.constant 1 : i32
    %dma_start3A_45 = arith.constant 0 : i32
    %dma_start3A_46 = tpu.memref_slice %arg8[%dma_start3A_44, %dma_start3A_45] : memref<2x4096xi32, #tpu.memory_space<vmem>> -> memref<1x4096xi32, #tpu.memory_space<vmem>>
    %dma_start3A_47 = tpu.memref_squeeze %dma_start3A_46 : memref<1x4096xi32, #tpu.memory_space<vmem>> -> memref<4096xi32, #tpu.memory_space<vmem>>
    %dma_start3A_48 = arith.constant 4096 : i32
    %dma_start3A_49 = tpu.memref_slice %arg4[%dma_start3A_48] : memref<16384xi32, #tpu.memory_space<hbm>> -> memref<4096xi32, #tpu.memory_space<hbm>>
    %dma_start3A_50 = arith.constant 0 : i32
    %dma_start3A_51 = tpu.memref_slice %arg8[%dma_start3A_44, %dma_start3A_50] : memref<2x4096xi32, #tpu.memory_space<vmem>> -> memref<1x4096xi32, #tpu.memory_space<vmem>>
    %dma_start3A_52 = tpu.memref_squeeze %dma_start3A_51 : memref<1x4096xi32, #tpu.memory_space<vmem>> -> memref<4096xi32, #tpu.memory_space<vmem>>
    %dma_start3A_53 = arith.constant 4096 : i32
    %dma_start3A_54 = tpu.memref_slice %arg4[%dma_start3A_53] : memref<16384xi32, #tpu.memory_space<hbm>> -> memref<4096xi32, #tpu.memory_space<hbm>>
    tpu.enqueue_dma source(%dma_start3A_54 : memref<4096xi32, #tpu.memory_space<hbm>>) target(%dma_start3A_52 : memref<4096xi32, #tpu.memory_space<vmem>>) target_semaphore(%arg15 : memref<!tpu.dma_semaphore, #tpu.memory_space<semaphore_mem>>)
    %dma_start3A_55 = arith.constant 1 : i32
    %dma_start3A_56 = arith.constant 0 : i32
    %dma_start3A_57 = tpu.memref_slice %arg9[%dma_start3A_55, %dma_start3A_56] : memref<2x4096xi32, #tpu.memory_space<vmem>> -> memref<1x4096xi32, #tpu.memory_space<vmem>>
    %dma_start3A_58 = tpu.memref_squeeze %dma_start3A_57 : memref<1x4096xi32, #tpu.memory_space<vmem>> -> memref<4096xi32, #tpu.memory_space<vmem>>
    %dma_start3A_59 = arith.constant 4096 : i32
    %dma_start3A_60 = tpu.memref_slice %arg5[%dma_start3A_59] : memref<16384xi32, #tpu.memory_space<hbm>> -> memref<4096xi32, #tpu.memory_space<hbm>>
    %dma_start3A_61 = arith.constant 0 : i32
    %dma_start3A_62 = tpu.memref_slice %arg9[%dma_start3A_55, %dma_start3A_61] : memref<2x4096xi32, #tpu.memory_space<vmem>> -> memref<1x4096xi32, #tpu.memory_space<vmem>>
    %dma_start3A_63 = tpu.memref_squeeze %dma_start3A_62 : memref<1x4096xi32, #tpu.memory_space<vmem>> -> memref<4096xi32, #tpu.memory_space<vmem>>
    %dma_start3A_64 = arith.constant 4096 : i32
    %dma_start3A_65 = tpu.memref_slice %arg5[%dma_start3A_64] : memref<16384xi32, #tpu.memory_space<hbm>> -> memref<4096xi32, #tpu.memory_space<hbm>>
    tpu.enqueue_dma source(%dma_start3A_65 : memref<4096xi32, #tpu.memory_space<hbm>>) target(%dma_start3A_63 : memref<4096xi32, #tpu.memory_space<vmem>>) target_semaphore(%arg15 : memref<!tpu.dma_semaphore, #tpu.memory_space<semaphore_mem>>)
    %dma_start3A_66 = arith.constant 1 : i32
    %dma_start3A_67 = arith.constant 0 : i32
    %dma_start3A_68 = tpu.memref_slice %arg10[%dma_start3A_66, %dma_start3A_67] : memref<2x4096xf32, #tpu.memory_space<vmem>> -> memref<1x4096xf32, #tpu.memory_space<vmem>>
    %dma_start3A_69 = tpu.memref_squeeze %dma_start3A_68 : memref<1x4096xf32, #tpu.memory_space<vmem>> -> memref<4096xf32, #tpu.memory_space<vmem>>
    %dma_start3A_70 = arith.constant 4096 : i32
    %dma_start3A_71 = tpu.memref_slice %arg3[%dma_start3A_70] : memref<16384xf32, #tpu.memory_space<hbm>> -> memref<4096xf32, #tpu.memory_space<hbm>>
    %dma_start3A_72 = arith.constant 0 : i32
    %dma_start3A_73 = tpu.memref_slice %arg10[%dma_start3A_66, %dma_start3A_72] : memref<2x4096xf32, #tpu.memory_space<vmem>> -> memref<1x4096xf32, #tpu.memory_space<vmem>>
    %dma_start3A_74 = tpu.memref_squeeze %dma_start3A_73 : memref<1x4096xf32, #tpu.memory_space<vmem>> -> memref<4096xf32, #tpu.memory_space<vmem>>
    %dma_start3A_75 = arith.constant 4096 : i32
    %dma_start3A_76 = tpu.memref_slice %arg3[%dma_start3A_75] : memref<16384xf32, #tpu.memory_space<hbm>> -> memref<4096xf32, #tpu.memory_space<hbm>>
    tpu.enqueue_dma source(%dma_start3A_76 : memref<4096xf32, #tpu.memory_space<hbm>>) target(%dma_start3A_74 : memref<4096xf32, #tpu.memory_space<vmem>>) target_semaphore(%arg15 : memref<!tpu.dma_semaphore, #tpu.memory_space<semaphore_mem>>)
    %dma_wait3A = arith.constant 0 : i32
    %dma_wait3A_77 = arith.constant 0 : i32
    %dma_wait3A_78 = tpu.memref_slice %arg8[%dma_wait3A, %dma_wait3A_77] : memref<2x4096xi32, #tpu.memory_space<vmem>> -> memref<1x4096xi32, #tpu.memory_space<vmem>>
    %dma_wait3A_79 = tpu.memref_squeeze %dma_wait3A_78 : memref<1x4096xi32, #tpu.memory_space<vmem>> -> memref<4096xi32, #tpu.memory_space<vmem>>
    %dma_wait3A_80 = arith.constant 0 : i32
    %dma_wait3A_81 = tpu.memref_slice %arg4[%dma_wait3A_80] : memref<16384xi32, #tpu.memory_space<hbm>> -> memref<4096xi32, #tpu.memory_space<hbm>>
    %dma_wait3A_82 = arith.constant 0 : i32
    %dma_wait3A_83 = tpu.memref_slice %arg8[%dma_wait3A, %dma_wait3A_82] : memref<2x4096xi32, #tpu.memory_space<vmem>> -> memref<1x4096xi32, #tpu.memory_space<vmem>>
    %dma_wait3A_84 = tpu.memref_squeeze %dma_wait3A_83 : memref<1x4096xi32, #tpu.memory_space<vmem>> -> memref<4096xi32, #tpu.memory_space<vmem>>
    %dma_wait3A_85 = arith.constant 0 : i32
    %dma_wait3A_86 = tpu.memref_slice %arg4[%dma_wait3A_85] : memref<16384xi32, #tpu.memory_space<hbm>> -> memref<4096xi32, #tpu.memory_space<hbm>>
    tpu.wait_dma2 semaphore(%arg14 : memref<!tpu.dma_semaphore, #tpu.memory_space<semaphore_mem>>) src(%dma_wait3A_86 : memref<4096xi32, #tpu.memory_space<hbm>>) dst(%dma_wait3A_84 : memref<4096xi32, #tpu.memory_space<vmem>>)
    %dma_wait3A_87 = arith.constant 0 : i32
    %dma_wait3A_88 = arith.constant 0 : i32
    %dma_wait3A_89 = tpu.memref_slice %arg9[%dma_wait3A_87, %dma_wait3A_88] : memref<2x4096xi32, #tpu.memory_space<vmem>> -> memref<1x4096xi32, #tpu.memory_space<vmem>>
    %dma_wait3A_90 = tpu.memref_squeeze %dma_wait3A_89 : memref<1x4096xi32, #tpu.memory_space<vmem>> -> memref<4096xi32, #tpu.memory_space<vmem>>
    %dma_wait3A_91 = arith.constant 0 : i32
    %dma_wait3A_92 = tpu.memref_slice %arg5[%dma_wait3A_91] : memref<16384xi32, #tpu.memory_space<hbm>> -> memref<4096xi32, #tpu.memory_space<hbm>>
    %dma_wait3A_93 = arith.constant 0 : i32
    %dma_wait3A_94 = tpu.memref_slice %arg9[%dma_wait3A_87, %dma_wait3A_93] : memref<2x4096xi32, #tpu.memory_space<vmem>> -> memref<1x4096xi32, #tpu.memory_space<vmem>>
    %dma_wait3A_95 = tpu.memref_squeeze %dma_wait3A_94 : memref<1x4096xi32, #tpu.memory_space<vmem>> -> memref<4096xi32, #tpu.memory_space<vmem>>
    %dma_wait3A_96 = arith.constant 0 : i32
    %dma_wait3A_97 = tpu.memref_slice %arg5[%dma_wait3A_96] : memref<16384xi32, #tpu.memory_space<hbm>> -> memref<4096xi32, #tpu.memory_space<hbm>>
    tpu.wait_dma2 semaphore(%arg14 : memref<!tpu.dma_semaphore, #tpu.memory_space<semaphore_mem>>) src(%dma_wait3A_97 : memref<4096xi32, #tpu.memory_space<hbm>>) dst(%dma_wait3A_95 : memref<4096xi32, #tpu.memory_space<vmem>>)
    %dma_wait3A_98 = arith.constant 0 : i32
    %dma_wait3A_99 = arith.constant 0 : i32
    %dma_wait3A_100 = tpu.memref_slice %arg10[%dma_wait3A_98, %dma_wait3A_99] : memref<2x4096xf32, #tpu.memory_space<vmem>> -> memref<1x4096xf32, #tpu.memory_space<vmem>>
    %dma_wait3A_101 = tpu.memref_squeeze %dma_wait3A_100 : memref<1x4096xf32, #tpu.memory_space<vmem>> -> memref<4096xf32, #tpu.memory_space<vmem>>
    %dma_wait3A_102 = arith.constant 0 : i32
    %dma_wait3A_103 = tpu.memref_slice %arg3[%dma_wait3A_102] : memref<16384xf32, #tpu.memory_space<hbm>> -> memref<4096xf32, #tpu.memory_space<hbm>>
    %dma_wait3A_104 = arith.constant 0 : i32
    %dma_wait3A_105 = tpu.memref_slice %arg10[%dma_wait3A_98, %dma_wait3A_104] : memref<2x4096xf32, #tpu.memory_space<vmem>> -> memref<1x4096xf32, #tpu.memory_space<vmem>>
    %dma_wait3A_106 = tpu.memref_squeeze %dma_wait3A_105 : memref<1x4096xf32, #tpu.memory_space<vmem>> -> memref<4096xf32, #tpu.memory_space<vmem>>
    %dma_wait3A_107 = arith.constant 0 : i32
    %dma_wait3A_108 = tpu.memref_slice %arg3[%dma_wait3A_107] : memref<16384xf32, #tpu.memory_space<hbm>> -> memref<4096xf32, #tpu.memory_space<hbm>>
    tpu.wait_dma2 semaphore(%arg14 : memref<!tpu.dma_semaphore, #tpu.memory_space<semaphore_mem>>) src(%dma_wait3A_108 : memref<4096xf32, #tpu.memory_space<hbm>>) dst(%dma_wait3A_106 : memref<4096xf32, #tpu.memory_space<vmem>>)
    %dma_wait3A_109 = arith.constant 0 : i32
    %dma_wait3A_110 = tpu.memref_slice %arg2[%add3A_5, %dma_wait3A_109] : memref<64x100000xf32, #tpu.memory_space<hbm>> -> memref<1x100000xf32, #tpu.memory_space<hbm>>
    %dma_wait3A_111 = tpu.memref_squeeze %dma_wait3A_110 : memref<1x100000xf32, #tpu.memory_space<hbm>> -> memref<100000xf32, #tpu.memory_space<hbm>>
    %dma_wait3A_112 = arith.constant 0 : i32
    %dma_wait3A_113 = tpu.memref_slice %arg2[%add3A_5, %dma_wait3A_112] : memref<64x100000xf32, #tpu.memory_space<hbm>> -> memref<1x100000xf32, #tpu.memory_space<hbm>>
    %dma_wait3A_114 = tpu.memref_squeeze %dma_wait3A_113 : memref<1x100000xf32, #tpu.memory_space<hbm>> -> memref<100000xf32, #tpu.memory_space<hbm>>
    tpu.wait_dma2 semaphore(%arg13 : memref<!tpu.dma_semaphore, #tpu.memory_space<semaphore_mem>>) src(%dma_wait3A_114 : memref<100000xf32, #tpu.memory_space<hbm>>) dst(%arg7 : memref<100000xf32, #tpu.memory_space<vmem>>)
    %parallel_loop3A = arith.constant 0 : i32
    %parallel_loop3A_115 = arith.constant 4096 : i32
    %parallel_loop3A_116 = arith.constant 32 : i32
    %parallel_loop3A_117:4 = scf.for %parallel_loop3A_627 = %parallel_loop3A to %parallel_loop3A_115 step %parallel_loop3A_116 iter_args(%parallel_loop3A_628 = %broadcast_in_dim3A_1, %parallel_loop3A_629 = %broadcast_in_dim3A_1, %parallel_loop3A_630 = %broadcast_in_dim3A_1, %parallel_loop3A_631 = %broadcast_in_dim3A_1) -> (vector<16xf32>, vector<16xf32>, vector<16xf32>, vector<16xf32>)  : i32 {
      %parallel_loop3A_632 = arith.constant 0 : i32
      %parallel_loop3A_633 = arith.addi %parallel_loop3A_627, %parallel_loop3A_632 : i32
      %parallel_loop3A_634 = arith.constant 0 : i32
      %parallel_loop3A_635 = arith.index_cast %parallel_loop3A_634 : i32 to index
      %parallel_loop3A_636 = arith.index_cast %parallel_loop3A_633 : i32 to index
      %parallel_loop3A_637 = tpu.vector_load %arg8[%parallel_loop3A_635, %parallel_loop3A_636] {strides = array<i32>} : memref<2x4096xi32, #tpu.memory_space<vmem>>, vector<16xi32>,
      %parallel_loop3A_638 = arith.constant 0 : i32
      %parallel_loop3A_639 = arith.index_cast %parallel_loop3A_638 : i32 to index
      %parallel_loop3A_640 = arith.index_cast %parallel_loop3A_633 : i32 to index
      %parallel_loop3A_641 = tpu.vector_load %arg9[%parallel_loop3A_639, %parallel_loop3A_640] {strides = array<i32>} : memref<2x4096xi32, #tpu.memory_space<vmem>>, vector<16xi32>,
      %parallel_loop3A_642 = arith.constant 0 : i32
      %parallel_loop3A_643 = arith.index_cast %parallel_loop3A_642 : i32 to index
      %parallel_loop3A_644 = arith.index_cast %parallel_loop3A_633 : i32 to index
      %parallel_loop3A_645 = tpu.vector_load %arg10[%parallel_loop3A_643, %parallel_loop3A_644] {strides = array<i32>} : memref<2x4096xf32, #tpu.memory_space<vmem>>, vector<16xf32>,
      %parallel_loop3A_646 = tpu.vector_load_idx %arg7[%parallel_loop3A_637] : memref<100000xf32, #tpu.memory_space<vmem>>[vector<16xi32>], vector<16xf32>,
      %parallel_loop3A_647 = tpu.vector_load_idx %arg7[%parallel_loop3A_641] : memref<100000xf32, #tpu.memory_space<vmem>>[vector<16xi32>], vector<16xf32>,
      %parallel_loop3A_648 = arith.mulf %parallel_loop3A_646, %parallel_loop3A_647 : vector<16xf32>
      %parallel_loop3A_649 = arith.subf %parallel_loop3A_645, %parallel_loop3A_648 : vector<16xf32>
      %parallel_loop3A_650 = arith.mulf %parallel_loop3A_649, %parallel_loop3A_649 : vector<16xf32>
      %parallel_loop3A_651 = arith.addf %parallel_loop3A_628, %parallel_loop3A_650 : vector<16xf32>
      %parallel_loop3A_652 = math.absf %parallel_loop3A_646 : vector<16xf32>
      %parallel_loop3A_653 = arith.addf %parallel_loop3A_629, %parallel_loop3A_652 : vector<16xf32>
      %parallel_loop3A_654 = math.absf %parallel_loop3A_647 : vector<16xf32>
      %parallel_loop3A_655 = arith.addf %parallel_loop3A_653, %parallel_loop3A_654 : vector<16xf32>
      %parallel_loop3A_656 = arith.constant 16 : i32
      %parallel_loop3A_657 = arith.addi %parallel_loop3A_627, %parallel_loop3A_656 : i32
      %parallel_loop3A_658 = arith.constant 0 : i32
      %parallel_loop3A_659 = arith.index_cast %parallel_loop3A_658 : i32 to index
      %parallel_loop3A_660 = arith.index_cast %parallel_loop3A_657 : i32 to index
      %parallel_loop3A_661 = tpu.vector_load %arg8[%parallel_loop3A_659, %parallel_loop3A_660] {strides = array<i32>} : memref<2x4096xi32, #tpu.memory_space<vmem>>, vector<16xi32>,
      %parallel_loop3A_662 = arith.constant 0 : i32
      %parallel_loop3A_663 = arith.index_cast %parallel_loop3A_662 : i32 to index
      %parallel_loop3A_664 = arith.index_cast %parallel_loop3A_657 : i32 to index
      %parallel_loop3A_665 = tpu.vector_load %arg9[%parallel_loop3A_663, %parallel_loop3A_664] {strides = array<i32>} : memref<2x4096xi32, #tpu.memory_space<vmem>>, vector<16xi32>,
      %parallel_loop3A_666 = arith.constant 0 : i32
      %parallel_loop3A_667 = arith.index_cast %parallel_loop3A_666 : i32 to index
      %parallel_loop3A_668 = arith.index_cast %parallel_loop3A_657 : i32 to index
      %parallel_loop3A_669 = tpu.vector_load %arg10[%parallel_loop3A_667, %parallel_loop3A_668] {strides = array<i32>} : memref<2x4096xf32, #tpu.memory_space<vmem>>, vector<16xf32>,
      %parallel_loop3A_670 = tpu.vector_load_idx %arg7[%parallel_loop3A_661] : memref<100000xf32, #tpu.memory_space<vmem>>[vector<16xi32>], vector<16xf32>,
      %parallel_loop3A_671 = tpu.vector_load_idx %arg7[%parallel_loop3A_665] : memref<100000xf32, #tpu.memory_space<vmem>>[vector<16xi32>], vector<16xf32>,
      %parallel_loop3A_672 = arith.mulf %parallel_loop3A_670, %parallel_loop3A_671 : vector<16xf32>
      %parallel_loop3A_673 = arith.subf %parallel_loop3A_669, %parallel_loop3A_672 : vector<16xf32>
      %parallel_loop3A_674 = arith.mulf %parallel_loop3A_673, %parallel_loop3A_673 : vector<16xf32>
      %parallel_loop3A_675 = arith.addf %parallel_loop3A_630, %parallel_loop3A_674 : vector<16xf32>
      %parallel_loop3A_676 = math.absf %parallel_loop3A_670 : vector<16xf32>
      %parallel_loop3A_677 = arith.addf %parallel_loop3A_631, %parallel_loop3A_676 : vector<16xf32>
      %parallel_loop3A_678 = math.absf %parallel_loop3A_671 : vector<16xf32>
      %parallel_loop3A_679 = arith.addf %parallel_loop3A_677, %parallel_loop3A_678 : vector<16xf32>
      scf.yield %parallel_loop3A_651, %parallel_loop3A_655, %parallel_loop3A_675, %parallel_loop3A_679 : vector<16xf32>, vector<16xf32>, vector<16xf32>, vector<16xf32>
    } {sc.loop_unroll_factor = 4 : i64, sc.parallel_access}
    %dma_start3A_118 = arith.constant 0 : i32
    %dma_start3A_119 = arith.constant 0 : i32
    %dma_start3A_120 = tpu.memref_slice %arg8[%dma_start3A_118, %dma_start3A_119] : memref<2x4096xi32, #tpu.memory_space<vmem>> -> memref<1x4096xi32, #tpu.memory_space<vmem>>
    %dma_start3A_121 = tpu.memref_squeeze %dma_start3A_120 : memref<1x4096xi32, #tpu.memory_space<vmem>> -> memref<4096xi32, #tpu.memory_space<vmem>>
    %dma_start3A_122 = arith.constant 8192 : i32
    %dma_start3A_123 = tpu.memref_slice %arg4[%dma_start3A_122] : memref<16384xi32, #tpu.memory_space<hbm>> -> memref<4096xi32, #tpu.memory_space<hbm>>
    %dma_start3A_124 = arith.constant 0 : i32
    %dma_start3A_125 = tpu.memref_slice %arg8[%dma_start3A_118, %dma_start3A_124] : memref<2x4096xi32, #tpu.memory_space<vmem>> -> memref<1x4096xi32, #tpu.memory_space<vmem>>
    %dma_start3A_126 = tpu.memref_squeeze %dma_start3A_125 : memref<1x4096xi32, #tpu.memory_space<vmem>> -> memref<4096xi32, #tpu.memory_space<vmem>>
    %dma_start3A_127 = arith.constant 8192 : i32
    %dma_start3A_128 = tpu.memref_slice %arg4[%dma_start3A_127] : memref<16384xi32, #tpu.memory_space<hbm>> -> memref<4096xi32, #tpu.memory_space<hbm>>
    tpu.enqueue_dma source(%dma_start3A_128 : memref<4096xi32, #tpu.memory_space<hbm>>) target(%dma_start3A_126 : memref<4096xi32, #tpu.memory_space<vmem>>) target_semaphore(%arg14 : memref<!tpu.dma_semaphore, #tpu.memory_space<semaphore_mem>>)
    %dma_start3A_129 = arith.constant 0 : i32
    %dma_start3A_130 = arith.constant 0 : i32
    %dma_start3A_131 = tpu.memref_slice %arg9[%dma_start3A_129, %dma_start3A_130] : memref<2x4096xi32, #tpu.memory_space<vmem>> -> memref<1x4096xi32, #tpu.memory_space<vmem>>
    %dma_start3A_132 = tpu.memref_squeeze %dma_start3A_131 : memref<1x4096xi32, #tpu.memory_space<vmem>> -> memref<4096xi32, #tpu.memory_space<vmem>>
    %dma_start3A_133 = arith.constant 8192 : i32
    %dma_start3A_134 = tpu.memref_slice %arg5[%dma_start3A_133] : memref<16384xi32, #tpu.memory_space<hbm>> -> memref<4096xi32, #tpu.memory_space<hbm>>
    %dma_start3A_135 = arith.constant 0 : i32
    %dma_start3A_136 = tpu.memref_slice %arg9[%dma_start3A_129, %dma_start3A_135] : memref<2x4096xi32, #tpu.memory_space<vmem>> -> memref<1x4096xi32, #tpu.memory_space<vmem>>
    %dma_start3A_137 = tpu.memref_squeeze %dma_start3A_136 : memref<1x4096xi32, #tpu.memory_space<vmem>> -> memref<4096xi32, #tpu.memory_space<vmem>>
    %dma_start3A_138 = arith.constant 8192 : i32
    %dma_start3A_139 = tpu.memref_slice %arg5[%dma_start3A_138] : memref<16384xi32, #tpu.memory_space<hbm>> -> memref<4096xi32, #tpu.memory_space<hbm>>
    tpu.enqueue_dma source(%dma_start3A_139 : memref<4096xi32, #tpu.memory_space<hbm>>) target(%dma_start3A_137 : memref<4096xi32, #tpu.memory_space<vmem>>) target_semaphore(%arg14 : memref<!tpu.dma_semaphore, #tpu.memory_space<semaphore_mem>>)
    %dma_start3A_140 = arith.constant 0 : i32
    %dma_start3A_141 = arith.constant 0 : i32
    %dma_start3A_142 = tpu.memref_slice %arg10[%dma_start3A_140, %dma_start3A_141] : memref<2x4096xf32, #tpu.memory_space<vmem>> -> memref<1x4096xf32, #tpu.memory_space<vmem>>
    %dma_start3A_143 = tpu.memref_squeeze %dma_start3A_142 : memref<1x4096xf32, #tpu.memory_space<vmem>> -> memref<4096xf32, #tpu.memory_space<vmem>>
    %dma_start3A_144 = arith.constant 8192 : i32
    %dma_start3A_145 = tpu.memref_slice %arg3[%dma_start3A_144] : memref<16384xf32, #tpu.memory_space<hbm>> -> memref<4096xf32, #tpu.memory_space<hbm>>
    %dma_start3A_146 = arith.constant 0 : i32
    %dma_start3A_147 = tpu.memref_slice %arg10[%dma_start3A_140, %dma_start3A_146] : memref<2x4096xf32, #tpu.memory_space<vmem>> -> memref<1x4096xf32, #tpu.memory_space<vmem>>
    %dma_start3A_148 = tpu.memref_squeeze %dma_start3A_147 : memref<1x4096xf32, #tpu.memory_space<vmem>> -> memref<4096xf32, #tpu.memory_space<vmem>>
    %dma_start3A_149 = arith.constant 8192 : i32
    %dma_start3A_150 = tpu.memref_slice %arg3[%dma_start3A_149] : memref<16384xf32, #tpu.memory_space<hbm>> -> memref<4096xf32, #tpu.memory_space<hbm>>
    tpu.enqueue_dma source(%dma_start3A_150 : memref<4096xf32, #tpu.memory_space<hbm>>) target(%dma_start3A_148 : memref<4096xf32, #tpu.memory_space<vmem>>) target_semaphore(%arg14 : memref<!tpu.dma_semaphore, #tpu.memory_space<semaphore_mem>>)
    %dma_wait3A_151 = arith.constant 1 : i32
    %dma_wait3A_152 = arith.constant 0 : i32
    %dma_wait3A_153 = tpu.memref_slice %arg8[%dma_wait3A_151, %dma_wait3A_152] : memref<2x4096xi32, #tpu.memory_space<vmem>> -> memref<1x4096xi32, #tpu.memory_space<vmem>>
    %dma_wait3A_154 = tpu.memref_squeeze %dma_wait3A_153 : memref<1x4096xi32, #tpu.memory_space<vmem>> -> memref<4096xi32, #tpu.memory_space<vmem>>
    %dma_wait3A_155 = arith.constant 4096 : i32
    %dma_wait3A_156 = tpu.memref_slice %arg4[%dma_wait3A_155] : memref<16384xi32, #tpu.memory_space<hbm>> -> memref<4096xi32, #tpu.memory_space<hbm>>
    %dma_wait3A_157 = arith.constant 0 : i32
    %dma_wait3A_158 = tpu.memref_slice %arg8[%dma_wait3A_151, %dma_wait3A_157] : memref<2x4096xi32, #tpu.memory_space<vmem>> -> memref<1x4096xi32, #tpu.memory_space<vmem>>
    %dma_wait3A_159 = tpu.memref_squeeze %dma_wait3A_158 : memref<1x4096xi32, #tpu.memory_space<vmem>> -> memref<4096xi32, #tpu.memory_space<vmem>>
    %dma_wait3A_160 = arith.constant 4096 : i32
    %dma_wait3A_161 = tpu.memref_slice %arg4[%dma_wait3A_160] : memref<16384xi32, #tpu.memory_space<hbm>> -> memref<4096xi32, #tpu.memory_space<hbm>>
    tpu.wait_dma2 semaphore(%arg15 : memref<!tpu.dma_semaphore, #tpu.memory_space<semaphore_mem>>) src(%dma_wait3A_161 : memref<4096xi32, #tpu.memory_space<hbm>>) dst(%dma_wait3A_159 : memref<4096xi32, #tpu.memory_space<vmem>>)
    %dma_wait3A_162 = arith.constant 1 : i32
    %dma_wait3A_163 = arith.constant 0 : i32
    %dma_wait3A_164 = tpu.memref_slice %arg9[%dma_wait3A_162, %dma_wait3A_163] : memref<2x4096xi32, #tpu.memory_space<vmem>> -> memref<1x4096xi32, #tpu.memory_space<vmem>>
    %dma_wait3A_165 = tpu.memref_squeeze %dma_wait3A_164 : memref<1x4096xi32, #tpu.memory_space<vmem>> -> memref<4096xi32, #tpu.memory_space<vmem>>
    %dma_wait3A_166 = arith.constant 4096 : i32
    %dma_wait3A_167 = tpu.memref_slice %arg5[%dma_wait3A_166] : memref<16384xi32, #tpu.memory_space<hbm>> -> memref<4096xi32, #tpu.memory_space<hbm>>
    %dma_wait3A_168 = arith.constant 0 : i32
    %dma_wait3A_169 = tpu.memref_slice %arg9[%dma_wait3A_162, %dma_wait3A_168] : memref<2x4096xi32, #tpu.memory_space<vmem>> -> memref<1x4096xi32, #tpu.memory_space<vmem>>
    %dma_wait3A_170 = tpu.memref_squeeze %dma_wait3A_169 : memref<1x4096xi32, #tpu.memory_space<vmem>> -> memref<4096xi32, #tpu.memory_space<vmem>>
    %dma_wait3A_171 = arith.constant 4096 : i32
    %dma_wait3A_172 = tpu.memref_slice %arg5[%dma_wait3A_171] : memref<16384xi32, #tpu.memory_space<hbm>> -> memref<4096xi32, #tpu.memory_space<hbm>>
    tpu.wait_dma2 semaphore(%arg15 : memref<!tpu.dma_semaphore, #tpu.memory_space<semaphore_mem>>) src(%dma_wait3A_172 : memref<4096xi32, #tpu.memory_space<hbm>>) dst(%dma_wait3A_170 : memref<4096xi32, #tpu.memory_space<vmem>>)
    %dma_wait3A_173 = arith.constant 1 : i32
    %dma_wait3A_174 = arith.constant 0 : i32
    %dma_wait3A_175 = tpu.memref_slice %arg10[%dma_wait3A_173, %dma_wait3A_174] : memref<2x4096xf32, #tpu.memory_space<vmem>> -> memref<1x4096xf32, #tpu.memory_space<vmem>>
    %dma_wait3A_176 = tpu.memref_squeeze %dma_wait3A_175 : memref<1x4096xf32, #tpu.memory_space<vmem>> -> memref<4096xf32, #tpu.memory_space<vmem>>
    %dma_wait3A_177 = arith.constant 4096 : i32
    %dma_wait3A_178 = tpu.memref_slice %arg3[%dma_wait3A_177] : memref<16384xf32, #tpu.memory_space<hbm>> -> memref<4096xf32, #tpu.memory_space<hbm>>
    %dma_wait3A_179 = arith.constant 0 : i32
    %dma_wait3A_180 = tpu.memref_slice %arg10[%dma_wait3A_173, %dma_wait3A_179] : memref<2x4096xf32, #tpu.memory_space<vmem>> -> memref<1x4096xf32, #tpu.memory_space<vmem>>
    %dma_wait3A_181 = tpu.memref_squeeze %dma_wait3A_180 : memref<1x4096xf32, #tpu.memory_space<vmem>> -> memref<4096xf32, #tpu.memory_space<vmem>>
    %dma_wait3A_182 = arith.constant 4096 : i32
    %dma_wait3A_183 = tpu.memref_slice %arg3[%dma_wait3A_182] : memref<16384xf32, #tpu.memory_space<hbm>> -> memref<4096xf32, #tpu.memory_space<hbm>>
    tpu.wait_dma2 semaphore(%arg15 : memref<!tpu.dma_semaphore, #tpu.memory_space<semaphore_mem>>) src(%dma_wait3A_183 : memref<4096xf32, #tpu.memory_space<hbm>>) dst(%dma_wait3A_181 : memref<4096xf32, #tpu.memory_space<vmem>>)
    %parallel_loop3A_184 = arith.constant 0 : i32
    %parallel_loop3A_185 = arith.constant 4096 : i32
    %parallel_loop3A_186 = arith.constant 32 : i32
    %parallel_loop3A_187:4 = scf.for %parallel_loop3A_627 = %parallel_loop3A_184 to %parallel_loop3A_185 step %parallel_loop3A_186 iter_args(%parallel_loop3A_628 = %parallel_loop3A_117#0, %parallel_loop3A_629 = %parallel_loop3A_117#1, %parallel_loop3A_630 = %parallel_loop3A_117#2, %parallel_loop3A_631 = %parallel_loop3A_117#3) -> (vector<16xf32>, vector<16xf32>, vector<16xf32>, vector<16xf32>)  : i32 {
      %parallel_loop3A_632 = arith.constant 0 : i32
      %parallel_loop3A_633 = arith.addi %parallel_loop3A_627, %parallel_loop3A_632 : i32
      %parallel_loop3A_634 = arith.constant 1 : i32
      %parallel_loop3A_635 = arith.index_cast %parallel_loop3A_634 : i32 to index
      %parallel_loop3A_636 = arith.index_cast %parallel_loop3A_633 : i32 to index
      %parallel_loop3A_637 = tpu.vector_load %arg8[%parallel_loop3A_635, %parallel_loop3A_636] {strides = array<i32>} : memref<2x4096xi32, #tpu.memory_space<vmem>>, vector<16xi32>,
      %parallel_loop3A_638 = arith.constant 1 : i32
      %parallel_loop3A_639 = arith.index_cast %parallel_loop3A_638 : i32 to index
      %parallel_loop3A_640 = arith.index_cast %parallel_loop3A_633 : i32 to index
      %parallel_loop3A_641 = tpu.vector_load %arg9[%parallel_loop3A_639, %parallel_loop3A_640] {strides = array<i32>} : memref<2x4096xi32, #tpu.memory_space<vmem>>, vector<16xi32>,
      %parallel_loop3A_642 = arith.constant 1 : i32
      %parallel_loop3A_643 = arith.index_cast %parallel_loop3A_642 : i32 to index
      %parallel_loop3A_644 = arith.index_cast %parallel_loop3A_633 : i32 to index
      %parallel_loop3A_645 = tpu.vector_load %arg10[%parallel_loop3A_643, %parallel_loop3A_644] {strides = array<i32>} : memref<2x4096xf32, #tpu.memory_space<vmem>>, vector<16xf32>,
      %parallel_loop3A_646 = tpu.vector_load_idx %arg7[%parallel_loop3A_637] : memref<100000xf32, #tpu.memory_space<vmem>>[vector<16xi32>], vector<16xf32>,
      %parallel_loop3A_647 = tpu.vector_load_idx %arg7[%parallel_loop3A_641] : memref<100000xf32, #tpu.memory_space<vmem>>[vector<16xi32>], vector<16xf32>,
      %parallel_loop3A_648 = arith.mulf %parallel_loop3A_646, %parallel_loop3A_647 : vector<16xf32>
      %parallel_loop3A_649 = arith.subf %parallel_loop3A_645, %parallel_loop3A_648 : vector<16xf32>
      %parallel_loop3A_650 = arith.mulf %parallel_loop3A_649, %parallel_loop3A_649 : vector<16xf32>
      %parallel_loop3A_651 = arith.addf %parallel_loop3A_628, %parallel_loop3A_650 : vector<16xf32>
      %parallel_loop3A_652 = math.absf %parallel_loop3A_646 : vector<16xf32>
      %parallel_loop3A_653 = arith.addf %parallel_loop3A_629, %parallel_loop3A_652 : vector<16xf32>
      %parallel_loop3A_654 = math.absf %parallel_loop3A_647 : vector<16xf32>
      %parallel_loop3A_655 = arith.addf %parallel_loop3A_653, %parallel_loop3A_654 : vector<16xf32>
      %parallel_loop3A_656 = arith.constant 16 : i32
      %parallel_loop3A_657 = arith.addi %parallel_loop3A_627, %parallel_loop3A_656 : i32
      %parallel_loop3A_658 = arith.constant 1 : i32
      %parallel_loop3A_659 = arith.index_cast %parallel_loop3A_658 : i32 to index
      %parallel_loop3A_660 = arith.index_cast %parallel_loop3A_657 : i32 to index
      %parallel_loop3A_661 = tpu.vector_load %arg8[%parallel_loop3A_659, %parallel_loop3A_660] {strides = array<i32>} : memref<2x4096xi32, #tpu.memory_space<vmem>>, vector<16xi32>,
      %parallel_loop3A_662 = arith.constant 1 : i32
      %parallel_loop3A_663 = arith.index_cast %parallel_loop3A_662 : i32 to index
      %parallel_loop3A_664 = arith.index_cast %parallel_loop3A_657 : i32 to index
      %parallel_loop3A_665 = tpu.vector_load %arg9[%parallel_loop3A_663, %parallel_loop3A_664] {strides = array<i32>} : memref<2x4096xi32, #tpu.memory_space<vmem>>, vector<16xi32>,
      %parallel_loop3A_666 = arith.constant 1 : i32
      %parallel_loop3A_667 = arith.index_cast %parallel_loop3A_666 : i32 to index
      %parallel_loop3A_668 = arith.index_cast %parallel_loop3A_657 : i32 to index
      %parallel_loop3A_669 = tpu.vector_load %arg10[%parallel_loop3A_667, %parallel_loop3A_668] {strides = array<i32>} : memref<2x4096xf32, #tpu.memory_space<vmem>>, vector<16xf32>,
      %parallel_loop3A_670 = tpu.vector_load_idx %arg7[%parallel_loop3A_661] : memref<100000xf32, #tpu.memory_space<vmem>>[vector<16xi32>], vector<16xf32>,
      %parallel_loop3A_671 = tpu.vector_load_idx %arg7[%parallel_loop3A_665] : memref<100000xf32, #tpu.memory_space<vmem>>[vector<16xi32>], vector<16xf32>,
      %parallel_loop3A_672 = arith.mulf %parallel_loop3A_670, %parallel_loop3A_671 : vector<16xf32>
      %parallel_loop3A_673 = arith.subf %parallel_loop3A_669, %parallel_loop3A_672 : vector<16xf32>
      %parallel_loop3A_674 = arith.mulf %parallel_loop3A_673, %parallel_loop3A_673 : vector<16xf32>
      %parallel_loop3A_675 = arith.addf %parallel_loop3A_630, %parallel_loop3A_674 : vector<16xf32>
      %parallel_loop3A_676 = math.absf %parallel_loop3A_670 : vector<16xf32>
      %parallel_loop3A_677 = arith.addf %parallel_loop3A_631, %parallel_loop3A_676 : vector<16xf32>
      %parallel_loop3A_678 = math.absf %parallel_loop3A_671 : vector<16xf32>
      %parallel_loop3A_679 = arith.addf %parallel_loop3A_677, %parallel_loop3A_678 : vector<16xf32>
      scf.yield %parallel_loop3A_651, %parallel_loop3A_655, %parallel_loop3A_675, %parallel_loop3A_679 : vector<16xf32>, vector<16xf32>, vector<16xf32>, vector<16xf32>
    } {sc.loop_unroll_factor = 4 : i64, sc.parallel_access}
    %dma_start3A_188 = arith.constant 1 : i32
    %dma_start3A_189 = arith.constant 0 : i32
    %dma_start3A_190 = tpu.memref_slice %arg8[%dma_start3A_188, %dma_start3A_189] : memref<2x4096xi32, #tpu.memory_space<vmem>> -> memref<1x4096xi32, #tpu.memory_space<vmem>>
    %dma_start3A_191 = tpu.memref_squeeze %dma_start3A_190 : memref<1x4096xi32, #tpu.memory_space<vmem>> -> memref<4096xi32, #tpu.memory_space<vmem>>
    %dma_start3A_192 = arith.constant 12288 : i32
    %dma_start3A_193 = tpu.memref_slice %arg4[%dma_start3A_192] : memref<16384xi32, #tpu.memory_space<hbm>> -> memref<4096xi32, #tpu.memory_space<hbm>>
    %dma_start3A_194 = arith.constant 0 : i32
    %dma_start3A_195 = tpu.memref_slice %arg8[%dma_start3A_188, %dma_start3A_194] : memref<2x4096xi32, #tpu.memory_space<vmem>> -> memref<1x4096xi32, #tpu.memory_space<vmem>>
    %dma_start3A_196 = tpu.memref_squeeze %dma_start3A_195 : memref<1x4096xi32, #tpu.memory_space<vmem>> -> memref<4096xi32, #tpu.memory_space<vmem>>
    %dma_start3A_197 = arith.constant 12288 : i32
    %dma_start3A_198 = tpu.memref_slice %arg4[%dma_start3A_197] : memref<16384xi32, #tpu.memory_space<hbm>> -> memref<4096xi32, #tpu.memory_space<hbm>>
    tpu.enqueue_dma source(%dma_start3A_198 : memref<4096xi32, #tpu.memory_space<hbm>>) target(%dma_start3A_196 : memref<4096xi32, #tpu.memory_space<vmem>>) target_semaphore(%arg15 : memref<!tpu.dma_semaphore, #tpu.memory_space<semaphore_mem>>)
    %dma_start3A_199 = arith.constant 1 : i32
    %dma_start3A_200 = arith.constant 0 : i32
    %dma_start3A_201 = tpu.memref_slice %arg9[%dma_start3A_199, %dma_start3A_200] : memref<2x4096xi32, #tpu.memory_space<vmem>> -> memref<1x4096xi32, #tpu.memory_space<vmem>>
    %dma_start3A_202 = tpu.memref_squeeze %dma_start3A_201 : memref<1x4096xi32, #tpu.memory_space<vmem>> -> memref<4096xi32, #tpu.memory_space<vmem>>
    %dma_start3A_203 = arith.constant 12288 : i32
    %dma_start3A_204 = tpu.memref_slice %arg5[%dma_start3A_203] : memref<16384xi32, #tpu.memory_space<hbm>> -> memref<4096xi32, #tpu.memory_space<hbm>>
    %dma_start3A_205 = arith.constant 0 : i32
    %dma_start3A_206 = tpu.memref_slice %arg9[%dma_start3A_199, %dma_start3A_205] : memref<2x4096xi32, #tpu.memory_space<vmem>> -> memref<1x4096xi32, #tpu.memory_space<vmem>>
    %dma_start3A_207 = tpu.memref_squeeze %dma_start3A_206 : memref<1x4096xi32, #tpu.memory_space<vmem>> -> memref<4096xi32, #tpu.memory_space<vmem>>
    %dma_start3A_208 = arith.constant 12288 : i32
    %dma_start3A_209 = tpu.memref_slice %arg5[%dma_start3A_208] : memref<16384xi32, #tpu.memory_space<hbm>> -> memref<4096xi32, #tpu.memory_space<hbm>>
    tpu.enqueue_dma source(%dma_start3A_209 : memref<4096xi32, #tpu.memory_space<hbm>>) target(%dma_start3A_207 : memref<4096xi32, #tpu.memory_space<vmem>>) target_semaphore(%arg15 : memref<!tpu.dma_semaphore, #tpu.memory_space<semaphore_mem>>)
    %dma_start3A_210 = arith.constant 1 : i32
    %dma_start3A_211 = arith.constant 0 : i32
    %dma_start3A_212 = tpu.memref_slice %arg10[%dma_start3A_210, %dma_start3A_211] : memref<2x4096xf32, #tpu.memory_space<vmem>> -> memref<1x4096xf32, #tpu.memory_space<vmem>>
    %dma_start3A_213 = tpu.memref_squeeze %dma_start3A_212 : memref<1x4096xf32, #tpu.memory_space<vmem>> -> memref<4096xf32, #tpu.memory_space<vmem>>
    %dma_start3A_214 = arith.constant 12288 : i32
    %dma_start3A_215 = tpu.memref_slice %arg3[%dma_start3A_214] : memref<16384xf32, #tpu.memory_space<hbm>> -> memref<4096xf32, #tpu.memory_space<hbm>>
    %dma_start3A_216 = arith.constant 0 : i32
    %dma_start3A_217 = tpu.memref_slice %arg10[%dma_start3A_210, %dma_start3A_216] : memref<2x4096xf32, #tpu.memory_space<vmem>> -> memref<1x4096xf32, #tpu.memory_space<vmem>>
    %dma_start3A_218 = tpu.memref_squeeze %dma_start3A_217 : memref<1x4096xf32, #tpu.memory_space<vmem>> -> memref<4096xf32, #tpu.memory_space<vmem>>
    %dma_start3A_219 = arith.constant 12288 : i32
    %dma_start3A_220 = tpu.memref_slice %arg3[%dma_start3A_219] : memref<16384xf32, #tpu.memory_space<hbm>> -> memref<4096xf32, #tpu.memory_space<hbm>>
    tpu.enqueue_dma source(%dma_start3A_220 : memref<4096xf32, #tpu.memory_space<hbm>>) target(%dma_start3A_218 : memref<4096xf32, #tpu.memory_space<vmem>>) target_semaphore(%arg15 : memref<!tpu.dma_semaphore, #tpu.memory_space<semaphore_mem>>)
    %dma_wait3A_221 = arith.constant 0 : i32
    %dma_wait3A_222 = arith.constant 0 : i32
    %dma_wait3A_223 = tpu.memref_slice %arg8[%dma_wait3A_221, %dma_wait3A_222] : memref<2x4096xi32, #tpu.memory_space<vmem>> -> memref<1x4096xi32, #tpu.memory_space<vmem>>
    %dma_wait3A_224 = tpu.memref_squeeze %dma_wait3A_223 : memref<1x4096xi32, #tpu.memory_space<vmem>> -> memref<4096xi32, #tpu.memory_space<vmem>>
    %dma_wait3A_225 = arith.constant 8192 : i32
    %dma_wait3A_226 = tpu.memref_slice %arg4[%dma_wait3A_225] : memref<16384xi32, #tpu.memory_space<hbm>> -> memref<4096xi32, #tpu.memory_space<hbm>>
    %dma_wait3A_227 = arith.constant 0 : i32
    %dma_wait3A_228 = tpu.memref_slice %arg8[%dma_wait3A_221, %dma_wait3A_227] : memref<2x4096xi32, #tpu.memory_space<vmem>> -> memref<1x4096xi32, #tpu.memory_space<vmem>>
    %dma_wait3A_229 = tpu.memref_squeeze %dma_wait3A_228 : memref<1x4096xi32, #tpu.memory_space<vmem>> -> memref<4096xi32, #tpu.memory_space<vmem>>
    %dma_wait3A_230 = arith.constant 8192 : i32
    %dma_wait3A_231 = tpu.memref_slice %arg4[%dma_wait3A_230] : memref<16384xi32, #tpu.memory_space<hbm>> -> memref<4096xi32, #tpu.memory_space<hbm>>
    tpu.wait_dma2 semaphore(%arg14 : memref<!tpu.dma_semaphore, #tpu.memory_space<semaphore_mem>>) src(%dma_wait3A_231 : memref<4096xi32, #tpu.memory_space<hbm>>) dst(%dma_wait3A_229 : memref<4096xi32, #tpu.memory_space<vmem>>)
    %dma_wait3A_232 = arith.constant 0 : i32
    %dma_wait3A_233 = arith.constant 0 : i32
    %dma_wait3A_234 = tpu.memref_slice %arg9[%dma_wait3A_232, %dma_wait3A_233] : memref<2x4096xi32, #tpu.memory_space<vmem>> -> memref<1x4096xi32, #tpu.memory_space<vmem>>
    %dma_wait3A_235 = tpu.memref_squeeze %dma_wait3A_234 : memref<1x4096xi32, #tpu.memory_space<vmem>> -> memref<4096xi32, #tpu.memory_space<vmem>>
    %dma_wait3A_236 = arith.constant 8192 : i32
    %dma_wait3A_237 = tpu.memref_slice %arg5[%dma_wait3A_236] : memref<16384xi32, #tpu.memory_space<hbm>> -> memref<4096xi32, #tpu.memory_space<hbm>>
    %dma_wait3A_238 = arith.constant 0 : i32
    %dma_wait3A_239 = tpu.memref_slice %arg9[%dma_wait3A_232, %dma_wait3A_238] : memref<2x4096xi32, #tpu.memory_space<vmem>> -> memref<1x4096xi32, #tpu.memory_space<vmem>>
    %dma_wait3A_240 = tpu.memref_squeeze %dma_wait3A_239 : memref<1x4096xi32, #tpu.memory_space<vmem>> -> memref<4096xi32, #tpu.memory_space<vmem>>
    %dma_wait3A_241 = arith.constant 8192 : i32
    %dma_wait3A_242 = tpu.memref_slice %arg5[%dma_wait3A_241] : memref<16384xi32, #tpu.memory_space<hbm>> -> memref<4096xi32, #tpu.memory_space<hbm>>
    tpu.wait_dma2 semaphore(%arg14 : memref<!tpu.dma_semaphore, #tpu.memory_space<semaphore_mem>>) src(%dma_wait3A_242 : memref<4096xi32, #tpu.memory_space<hbm>>) dst(%dma_wait3A_240 : memref<4096xi32, #tpu.memory_space<vmem>>)
    %dma_wait3A_243 = arith.constant 0 : i32
    %dma_wait3A_244 = arith.constant 0 : i32
    %dma_wait3A_245 = tpu.memref_slice %arg10[%dma_wait3A_243, %dma_wait3A_244] : memref<2x4096xf32, #tpu.memory_space<vmem>> -> memref<1x4096xf32, #tpu.memory_space<vmem>>
    %dma_wait3A_246 = tpu.memref_squeeze %dma_wait3A_245 : memref<1x4096xf32, #tpu.memory_space<vmem>> -> memref<4096xf32, #tpu.memory_space<vmem>>
    %dma_wait3A_247 = arith.constant 8192 : i32
    %dma_wait3A_248 = tpu.memref_slice %arg3[%dma_wait3A_247] : memref<16384xf32, #tpu.memory_space<hbm>> -> memref<4096xf32, #tpu.memory_space<hbm>>
    %dma_wait3A_249 = arith.constant 0 : i32
    %dma_wait3A_250 = tpu.memref_slice %arg10[%dma_wait3A_243, %dma_wait3A_249] : memref<2x4096xf32, #tpu.memory_space<vmem>> -> memref<1x4096xf32, #tpu.memory_space<vmem>>
    %dma_wait3A_251 = tpu.memref_squeeze %dma_wait3A_250 : memref<1x4096xf32, #tpu.memory_space<vmem>> -> memref<4096xf32, #tpu.memory_space<vmem>>
    %dma_wait3A_252 = arith.constant 8192 : i32
    %dma_wait3A_253 = tpu.memref_slice %arg3[%dma_wait3A_252] : memref<16384xf32, #tpu.memory_space<hbm>> -> memref<4096xf32, #tpu.memory_space<hbm>>
    tpu.wait_dma2 semaphore(%arg14 : memref<!tpu.dma_semaphore, #tpu.memory_space<semaphore_mem>>) src(%dma_wait3A_253 : memref<4096xf32, #tpu.memory_space<hbm>>) dst(%dma_wait3A_251 : memref<4096xf32, #tpu.memory_space<vmem>>)
    %parallel_loop3A_254 = arith.constant 0 : i32
    %parallel_loop3A_255 = arith.constant 4096 : i32
    %parallel_loop3A_256 = arith.constant 32 : i32
    %parallel_loop3A_257:4 = scf.for %parallel_loop3A_627 = %parallel_loop3A_254 to %parallel_loop3A_255 step %parallel_loop3A_256 iter_args(%parallel_loop3A_628 = %parallel_loop3A_187#0, %parallel_loop3A_629 = %parallel_loop3A_187#1, %parallel_loop3A_630 = %parallel_loop3A_187#2, %parallel_loop3A_631 = %parallel_loop3A_187#3) -> (vector<16xf32>, vector<16xf32>, vector<16xf32>, vector<16xf32>)  : i32 {
      %parallel_loop3A_632 = arith.constant 0 : i32
      %parallel_loop3A_633 = arith.addi %parallel_loop3A_627, %parallel_loop3A_632 : i32
      %parallel_loop3A_634 = arith.constant 0 : i32
      %parallel_loop3A_635 = arith.index_cast %parallel_loop3A_634 : i32 to index
      %parallel_loop3A_636 = arith.index_cast %parallel_loop3A_633 : i32 to index
      %parallel_loop3A_637 = tpu.vector_load %arg8[%parallel_loop3A_635, %parallel_loop3A_636] {strides = array<i32>} : memref<2x4096xi32, #tpu.memory_space<vmem>>, vector<16xi32>,
      %parallel_loop3A_638 = arith.constant 0 : i32
      %parallel_loop3A_639 = arith.index_cast %parallel_loop3A_638 : i32 to index
      %parallel_loop3A_640 = arith.index_cast %parallel_loop3A_633 : i32 to index
      %parallel_loop3A_641 = tpu.vector_load %arg9[%parallel_loop3A_639, %parallel_loop3A_640] {strides = array<i32>} : memref<2x4096xi32, #tpu.memory_space<vmem>>, vector<16xi32>,
      %parallel_loop3A_642 = arith.constant 0 : i32
      %parallel_loop3A_643 = arith.index_cast %parallel_loop3A_642 : i32 to index
      %parallel_loop3A_644 = arith.index_cast %parallel_loop3A_633 : i32 to index
      %parallel_loop3A_645 = tpu.vector_load %arg10[%parallel_loop3A_643, %parallel_loop3A_644] {strides = array<i32>} : memref<2x4096xf32, #tpu.memory_space<vmem>>, vector<16xf32>,
      %parallel_loop3A_646 = tpu.vector_load_idx %arg7[%parallel_loop3A_637] : memref<100000xf32, #tpu.memory_space<vmem>>[vector<16xi32>], vector<16xf32>,
      %parallel_loop3A_647 = tpu.vector_load_idx %arg7[%parallel_loop3A_641] : memref<100000xf32, #tpu.memory_space<vmem>>[vector<16xi32>], vector<16xf32>,
      %parallel_loop3A_648 = arith.mulf %parallel_loop3A_646, %parallel_loop3A_647 : vector<16xf32>
      %parallel_loop3A_649 = arith.subf %parallel_loop3A_645, %parallel_loop3A_648 : vector<16xf32>
      %parallel_loop3A_650 = arith.mulf %parallel_loop3A_649, %parallel_loop3A_649 : vector<16xf32>
      %parallel_loop3A_651 = arith.addf %parallel_loop3A_628, %parallel_loop3A_650 : vector<16xf32>
      %parallel_loop3A_652 = math.absf %parallel_loop3A_646 : vector<16xf32>
      %parallel_loop3A_653 = arith.addf %parallel_loop3A_629, %parallel_loop3A_652 : vector<16xf32>
      %parallel_loop3A_654 = math.absf %parallel_loop3A_647 : vector<16xf32>
      %parallel_loop3A_655 = arith.addf %parallel_loop3A_653, %parallel_loop3A_654 : vector<16xf32>
      %parallel_loop3A_656 = arith.constant 16 : i32
      %parallel_loop3A_657 = arith.addi %parallel_loop3A_627, %parallel_loop3A_656 : i32
      %parallel_loop3A_658 = arith.constant 0 : i32
      %parallel_loop3A_659 = arith.index_cast %parallel_loop3A_658 : i32 to index
      %parallel_loop3A_660 = arith.index_cast %parallel_loop3A_657 : i32 to index
      %parallel_loop3A_661 = tpu.vector_load %arg8[%parallel_loop3A_659, %parallel_loop3A_660] {strides = array<i32>} : memref<2x4096xi32, #tpu.memory_space<vmem>>, vector<16xi32>,
      %parallel_loop3A_662 = arith.constant 0 : i32
      %parallel_loop3A_663 = arith.index_cast %parallel_loop3A_662 : i32 to index
      %parallel_loop3A_664 = arith.index_cast %parallel_loop3A_657 : i32 to index
      %parallel_loop3A_665 = tpu.vector_load %arg9[%parallel_loop3A_663, %parallel_loop3A_664] {strides = array<i32>} : memref<2x4096xi32, #tpu.memory_space<vmem>>, vector<16xi32>,
      %parallel_loop3A_666 = arith.constant 0 : i32
      %parallel_loop3A_667 = arith.index_cast %parallel_loop3A_666 : i32 to index
      %parallel_loop3A_668 = arith.index_cast %parallel_loop3A_657 : i32 to index
      %parallel_loop3A_669 = tpu.vector_load %arg10[%parallel_loop3A_667, %parallel_loop3A_668] {strides = array<i32>} : memref<2x4096xf32, #tpu.memory_space<vmem>>, vector<16xf32>,
      %parallel_loop3A_670 = tpu.vector_load_idx %arg7[%parallel_loop3A_661] : memref<100000xf32, #tpu.memory_space<vmem>>[vector<16xi32>], vector<16xf32>,
      %parallel_loop3A_671 = tpu.vector_load_idx %arg7[%parallel_loop3A_665] : memref<100000xf32, #tpu.memory_space<vmem>>[vector<16xi32>], vector<16xf32>,
      %parallel_loop3A_672 = arith.mulf %parallel_loop3A_670, %parallel_loop3A_671 : vector<16xf32>
      %parallel_loop3A_673 = arith.subf %parallel_loop3A_669, %parallel_loop3A_672 : vector<16xf32>
      %parallel_loop3A_674 = arith.mulf %parallel_loop3A_673, %parallel_loop3A_673 : vector<16xf32>
      %parallel_loop3A_675 = arith.addf %parallel_loop3A_630, %parallel_loop3A_674 : vector<16xf32>
      %parallel_loop3A_676 = math.absf %parallel_loop3A_670 : vector<16xf32>
      %parallel_loop3A_677 = arith.addf %parallel_loop3A_631, %parallel_loop3A_676 : vector<16xf32>
      %parallel_loop3A_678 = math.absf %parallel_loop3A_671 : vector<16xf32>
      %parallel_loop3A_679 = arith.addf %parallel_loop3A_677, %parallel_loop3A_678 : vector<16xf32>
      scf.yield %parallel_loop3A_651, %parallel_loop3A_655, %parallel_loop3A_675, %parallel_loop3A_679 : vector<16xf32>, vector<16xf32>, vector<16xf32>, vector<16xf32>
    } {sc.loop_unroll_factor = 4 : i64, sc.parallel_access}
    %dma_wait3A_258 = arith.constant 1 : i32
    %dma_wait3A_259 = arith.constant 0 : i32
    %dma_wait3A_260 = tpu.memref_slice %arg8[%dma_wait3A_258, %dma_wait3A_259] : memref<2x4096xi32, #tpu.memory_space<vmem>> -> memref<1x4096xi32, #tpu.memory_space<vmem>>
    %dma_wait3A_261 = tpu.memref_squeeze %dma_wait3A_260 : memref<1x4096xi32, #tpu.memory_space<vmem>> -> memref<4096xi32, #tpu.memory_space<vmem>>
    %dma_wait3A_262 = arith.constant 12288 : i32
    %dma_wait3A_263 = tpu.memref_slice %arg4[%dma_wait3A_262] : memref<16384xi32, #tpu.memory_space<hbm>> -> memref<4096xi32, #tpu.memory_space<hbm>>
    %dma_wait3A_264 = arith.constant 0 : i32
    %dma_wait3A_265 = tpu.memref_slice %arg8[%dma_wait3A_258, %dma_wait3A_264] : memref<2x4096xi32, #tpu.memory_space<vmem>> -> memref<1x4096xi32, #tpu.memory_space<vmem>>
    %dma_wait3A_266 = tpu.memref_squeeze %dma_wait3A_265 : memref<1x4096xi32, #tpu.memory_space<vmem>> -> memref<4096xi32, #tpu.memory_space<vmem>>
    %dma_wait3A_267 = arith.constant 12288 : i32
    %dma_wait3A_268 = tpu.memref_slice %arg4[%dma_wait3A_267] : memref<16384xi32, #tpu.memory_space<hbm>> -> memref<4096xi32, #tpu.memory_space<hbm>>
    tpu.wait_dma2 semaphore(%arg15 : memref<!tpu.dma_semaphore, #tpu.memory_space<semaphore_mem>>) src(%dma_wait3A_268 : memref<4096xi32, #tpu.memory_space<hbm>>) dst(%dma_wait3A_266 : memref<4096xi32, #tpu.memory_space<vmem>>)
    %dma_wait3A_269 = arith.constant 1 : i32
    %dma_wait3A_270 = arith.constant 0 : i32
    %dma_wait3A_271 = tpu.memref_slice %arg9[%dma_wait3A_269, %dma_wait3A_270] : memref<2x4096xi32, #tpu.memory_space<vmem>> -> memref<1x4096xi32, #tpu.memory_space<vmem>>
    %dma_wait3A_272 = tpu.memref_squeeze %dma_wait3A_271 : memref<1x4096xi32, #tpu.memory_space<vmem>> -> memref<4096xi32, #tpu.memory_space<vmem>>
    %dma_wait3A_273 = arith.constant 12288 : i32
    %dma_wait3A_274 = tpu.memref_slice %arg5[%dma_wait3A_273] : memref<16384xi32, #tpu.memory_space<hbm>> -> memref<4096xi32, #tpu.memory_space<hbm>>
    %dma_wait3A_275 = arith.constant 0 : i32
    %dma_wait3A_276 = tpu.memref_slice %arg9[%dma_wait3A_269, %dma_wait3A_275] : memref<2x4096xi32, #tpu.memory_space<vmem>> -> memref<1x4096xi32, #tpu.memory_space<vmem>>
    %dma_wait3A_277 = tpu.memref_squeeze %dma_wait3A_276 : memref<1x4096xi32, #tpu.memory_space<vmem>> -> memref<4096xi32, #tpu.memory_space<vmem>>
    %dma_wait3A_278 = arith.constant 12288 : i32
    %dma_wait3A_279 = tpu.memref_slice %arg5[%dma_wait3A_278] : memref<16384xi32, #tpu.memory_space<hbm>> -> memref<4096xi32, #tpu.memory_space<hbm>>
    tpu.wait_dma2 semaphore(%arg15 : memref<!tpu.dma_semaphore, #tpu.memory_space<semaphore_mem>>) src(%dma_wait3A_279 : memref<4096xi32, #tpu.memory_space<hbm>>) dst(%dma_wait3A_277 : memref<4096xi32, #tpu.memory_space<vmem>>)
    %dma_wait3A_280 = arith.constant 1 : i32
    %dma_wait3A_281 = arith.constant 0 : i32
    %dma_wait3A_282 = tpu.memref_slice %arg10[%dma_wait3A_280, %dma_wait3A_281] : memref<2x4096xf32, #tpu.memory_space<vmem>> -> memref<1x4096xf32, #tpu.memory_space<vmem>>
    %dma_wait3A_283 = tpu.memref_squeeze %dma_wait3A_282 : memref<1x4096xf32, #tpu.memory_space<vmem>> -> memref<4096xf32, #tpu.memory_space<vmem>>
    %dma_wait3A_284 = arith.constant 12288 : i32
    %dma_wait3A_285 = tpu.memref_slice %arg3[%dma_wait3A_284] : memref<16384xf32, #tpu.memory_space<hbm>> -> memref<4096xf32, #tpu.memory_space<hbm>>
    %dma_wait3A_286 = arith.constant 0 : i32
    %dma_wait3A_287 = tpu.memref_slice %arg10[%dma_wait3A_280, %dma_wait3A_286] : memref<2x4096xf32, #tpu.memory_space<vmem>> -> memref<1x4096xf32, #tpu.memory_space<vmem>>
    %dma_wait3A_288 = tpu.memref_squeeze %dma_wait3A_287 : memref<1x4096xf32, #tpu.memory_space<vmem>> -> memref<4096xf32, #tpu.memory_space<vmem>>
    %dma_wait3A_289 = arith.constant 12288 : i32
    %dma_wait3A_290 = tpu.memref_slice %arg3[%dma_wait3A_289] : memref<16384xf32, #tpu.memory_space<hbm>> -> memref<4096xf32, #tpu.memory_space<hbm>>
    tpu.wait_dma2 semaphore(%arg15 : memref<!tpu.dma_semaphore, #tpu.memory_space<semaphore_mem>>) src(%dma_wait3A_290 : memref<4096xf32, #tpu.memory_space<hbm>>) dst(%dma_wait3A_288 : memref<4096xf32, #tpu.memory_space<vmem>>)
    %parallel_loop3A_291 = arith.constant 0 : i32
    %parallel_loop3A_292 = arith.constant 4096 : i32
    %parallel_loop3A_293 = arith.constant 32 : i32
    %parallel_loop3A_294:4 = scf.for %parallel_loop3A_627 = %parallel_loop3A_291 to %parallel_loop3A_292 step %parallel_loop3A_293 iter_args(%parallel_loop3A_628 = %parallel_loop3A_257#0, %parallel_loop3A_629 = %parallel_loop3A_257#1, %parallel_loop3A_630 = %parallel_loop3A_257#2, %parallel_loop3A_631 = %parallel_loop3A_257#3) -> (vector<16xf32>, vector<16xf32>, vector<16xf32>, vector<16xf32>)  : i32 {
      %parallel_loop3A_632 = arith.constant 0 : i32
      %parallel_loop3A_633 = arith.addi %parallel_loop3A_627, %parallel_loop3A_632 : i32
      %parallel_loop3A_634 = arith.constant 1 : i32
      %parallel_loop3A_635 = arith.index_cast %parallel_loop3A_634 : i32 to index
      %parallel_loop3A_636 = arith.index_cast %parallel_loop3A_633 : i32 to index
      %parallel_loop3A_637 = tpu.vector_load %arg8[%parallel_loop3A_635, %parallel_loop3A_636] {strides = array<i32>} : memref<2x4096xi32, #tpu.memory_space<vmem>>, vector<16xi32>,
      %parallel_loop3A_638 = arith.constant 1 : i32
      %parallel_loop3A_639 = arith.index_cast %parallel_loop3A_638 : i32 to index
      %parallel_loop3A_640 = arith.index_cast %parallel_loop3A_633 : i32 to index
      %parallel_loop3A_641 = tpu.vector_load %arg9[%parallel_loop3A_639, %parallel_loop3A_640] {strides = array<i32>} : memref<2x4096xi32, #tpu.memory_space<vmem>>, vector<16xi32>,
      %parallel_loop3A_642 = arith.constant 1 : i32
      %parallel_loop3A_643 = arith.index_cast %parallel_loop3A_642 : i32 to index
      %parallel_loop3A_644 = arith.index_cast %parallel_loop3A_633 : i32 to index
      %parallel_loop3A_645 = tpu.vector_load %arg10[%parallel_loop3A_643, %parallel_loop3A_644] {strides = array<i32>} : memref<2x4096xf32, #tpu.memory_space<vmem>>, vector<16xf32>,
      %parallel_loop3A_646 = tpu.vector_load_idx %arg7[%parallel_loop3A_637] : memref<100000xf32, #tpu.memory_space<vmem>>[vector<16xi32>], vector<16xf32>,
      %parallel_loop3A_647 = tpu.vector_load_idx %arg7[%parallel_loop3A_641] : memref<100000xf32, #tpu.memory_space<vmem>>[vector<16xi32>], vector<16xf32>,
      %parallel_loop3A_648 = arith.mulf %parallel_loop3A_646, %parallel_loop3A_647 : vector<16xf32>
      %parallel_loop3A_649 = arith.subf %parallel_loop3A_645, %parallel_loop3A_648 : vector<16xf32>
      %parallel_loop3A_650 = arith.mulf %parallel_loop3A_649, %parallel_loop3A_649 : vector<16xf32>
      %parallel_loop3A_651 = arith.addf %parallel_loop3A_628, %parallel_loop3A_650 : vector<16xf32>
      %parallel_loop3A_652 = math.absf %parallel_loop3A_646 : vector<16xf32>
      %parallel_loop3A_653 = arith.addf %parallel_loop3A_629, %parallel_loop3A_652 : vector<16xf32>
      %parallel_loop3A_654 = math.absf %parallel_loop3A_647 : vector<16xf32>
      %parallel_loop3A_655 = arith.addf %parallel_loop3A_653, %parallel_loop3A_654 : vector<16xf32>
      %parallel_loop3A_656 = arith.constant 16 : i32
      %parallel_loop3A_657 = arith.addi %parallel_loop3A_627, %parallel_loop3A_656 : i32
      %parallel_loop3A_658 = arith.constant 1 : i32
      %parallel_loop3A_659 = arith.index_cast %parallel_loop3A_658 : i32 to index
      %parallel_loop3A_660 = arith.index_cast %parallel_loop3A_657 : i32 to index
      %parallel_loop3A_661 = tpu.vector_load %arg8[%parallel_loop3A_659, %parallel_loop3A_660] {strides = array<i32>} : memref<2x4096xi32, #tpu.memory_space<vmem>>, vector<16xi32>,
      %parallel_loop3A_662 = arith.constant 1 : i32
      %parallel_loop3A_663 = arith.index_cast %parallel_loop3A_662 : i32 to index
      %parallel_loop3A_664 = arith.index_cast %parallel_loop3A_657 : i32 to index
      %parallel_loop3A_665 = tpu.vector_load %arg9[%parallel_loop3A_663, %parallel_loop3A_664] {strides = array<i32>} : memref<2x4096xi32, #tpu.memory_space<vmem>>, vector<16xi32>,
      %parallel_loop3A_666 = arith.constant 1 : i32
      %parallel_loop3A_667 = arith.index_cast %parallel_loop3A_666 : i32 to index
      %parallel_loop3A_668 = arith.index_cast %parallel_loop3A_657 : i32 to index
      %parallel_loop3A_669 = tpu.vector_load %arg10[%parallel_loop3A_667, %parallel_loop3A_668] {strides = array<i32>} : memref<2x4096xf32, #tpu.memory_space<vmem>>, vector<16xf32>,
      %parallel_loop3A_670 = tpu.vector_load_idx %arg7[%parallel_loop3A_661] : memref<100000xf32, #tpu.memory_space<vmem>>[vector<16xi32>], vector<16xf32>,
      %parallel_loop3A_671 = tpu.vector_load_idx %arg7[%parallel_loop3A_665] : memref<100000xf32, #tpu.memory_space<vmem>>[vector<16xi32>], vector<16xf32>,
      %parallel_loop3A_672 = arith.mulf %parallel_loop3A_670, %parallel_loop3A_671 : vector<16xf32>
      %parallel_loop3A_673 = arith.subf %parallel_loop3A_669, %parallel_loop3A_672 : vector<16xf32>
      %parallel_loop3A_674 = arith.mulf %parallel_loop3A_673, %parallel_loop3A_673 : vector<16xf32>
      %parallel_loop3A_675 = arith.addf %parallel_loop3A_630, %parallel_loop3A_674 : vector<16xf32>
      %parallel_loop3A_676 = math.absf %parallel_loop3A_670 : vector<16xf32>
      %parallel_loop3A_677 = arith.addf %parallel_loop3A_631, %parallel_loop3A_676 : vector<16xf32>
      %parallel_loop3A_678 = math.absf %parallel_loop3A_671 : vector<16xf32>
      %parallel_loop3A_679 = arith.addf %parallel_loop3A_677, %parallel_loop3A_678 : vector<16xf32>
      scf.yield %parallel_loop3A_651, %parallel_loop3A_655, %parallel_loop3A_675, %parallel_loop3A_679 : vector<16xf32>, vector<16xf32>, vector<16xf32>, vector<16xf32>
    } {sc.loop_unroll_factor = 4 : i64, sc.parallel_access}
    %mul3A_295 = arith.constant 2 : i32
    %mul3A_296 = arith.muli %add3A, %mul3A_295 : i32
    %add3A_297 = arith.constant 1 : i32
    %add3A_298 = arith.addi %mul3A_296, %add3A_297 : i32
    %dma_start3A_299 = arith.constant 0 : i32
    %dma_start3A_300 = tpu.memref_slice %arg2[%add3A_298, %dma_start3A_299] : memref<64x100000xf32, #tpu.memory_space<hbm>> -> memref<1x100000xf32, #tpu.memory_space<hbm>>
    %dma_start3A_301 = tpu.memref_squeeze %dma_start3A_300 : memref<1x100000xf32, #tpu.memory_space<hbm>> -> memref<100000xf32, #tpu.memory_space<hbm>>
    %dma_start3A_302 = arith.constant 0 : i32
    %dma_start3A_303 = tpu.memref_slice %arg2[%add3A_298, %dma_start3A_302] : memref<64x100000xf32, #tpu.memory_space<hbm>> -> memref<1x100000xf32, #tpu.memory_space<hbm>>
    %dma_start3A_304 = tpu.memref_squeeze %dma_start3A_303 : memref<1x100000xf32, #tpu.memory_space<hbm>> -> memref<100000xf32, #tpu.memory_space<hbm>>
    tpu.enqueue_dma source(%dma_start3A_304 : memref<100000xf32, #tpu.memory_space<hbm>>) target(%arg7 : memref<100000xf32, #tpu.memory_space<vmem>>) target_semaphore(%arg13 : memref<!tpu.dma_semaphore, #tpu.memory_space<semaphore_mem>>)
    %dma_start3A_305 = arith.constant 0 : i32
    %dma_start3A_306 = arith.constant 0 : i32
    %dma_start3A_307 = tpu.memref_slice %arg8[%dma_start3A_305, %dma_start3A_306] : memref<2x4096xi32, #tpu.memory_space<vmem>> -> memref<1x4096xi32, #tpu.memory_space<vmem>>
    %dma_start3A_308 = tpu.memref_squeeze %dma_start3A_307 : memref<1x4096xi32, #tpu.memory_space<vmem>> -> memref<4096xi32, #tpu.memory_space<vmem>>
    %dma_start3A_309 = arith.constant 0 : i32
    %dma_start3A_310 = tpu.memref_slice %arg4[%dma_start3A_309] : memref<16384xi32, #tpu.memory_space<hbm>> -> memref<4096xi32, #tpu.memory_space<hbm>>
    %dma_start3A_311 = arith.constant 0 : i32
    %dma_start3A_312 = tpu.memref_slice %arg8[%dma_start3A_305, %dma_start3A_311] : memref<2x4096xi32, #tpu.memory_space<vmem>> -> memref<1x4096xi32, #tpu.memory_space<vmem>>
    %dma_start3A_313 = tpu.memref_squeeze %dma_start3A_312 : memref<1x4096xi32, #tpu.memory_space<vmem>> -> memref<4096xi32, #tpu.memory_space<vmem>>
    %dma_start3A_314 = arith.constant 0 : i32
    %dma_start3A_315 = tpu.memref_slice %arg4[%dma_start3A_314] : memref<16384xi32, #tpu.memory_space<hbm>> -> memref<4096xi32, #tpu.memory_space<hbm>>
    tpu.enqueue_dma source(%dma_start3A_315 : memref<4096xi32, #tpu.memory_space<hbm>>) target(%dma_start3A_313 : memref<4096xi32, #tpu.memory_space<vmem>>) target_semaphore(%arg14 : memref<!tpu.dma_semaphore, #tpu.memory_space<semaphore_mem>>)
    %dma_start3A_316 = arith.constant 0 : i32
    %dma_start3A_317 = arith.constant 0 : i32
    %dma_start3A_318 = tpu.memref_slice %arg9[%dma_start3A_316, %dma_start3A_317] : memref<2x4096xi32, #tpu.memory_space<vmem>> -> memref<1x4096xi32, #tpu.memory_space<vmem>>
    %dma_start3A_319 = tpu.memref_squeeze %dma_start3A_318 : memref<1x4096xi32, #tpu.memory_space<vmem>> -> memref<4096xi32, #tpu.memory_space<vmem>>
    %dma_start3A_320 = arith.constant 0 : i32
    %dma_start3A_321 = tpu.memref_slice %arg5[%dma_start3A_320] : memref<16384xi32, #tpu.memory_space<hbm>> -> memref<4096xi32, #tpu.memory_space<hbm>>
    %dma_start3A_322 = arith.constant 0 : i32
    %dma_start3A_323 = tpu.memref_slice %arg9[%dma_start3A_316, %dma_start3A_322] : memref<2x4096xi32, #tpu.memory_space<vmem>> -> memref<1x4096xi32, #tpu.memory_space<vmem>>
    %dma_start3A_324 = tpu.memref_squeeze %dma_start3A_323 : memref<1x4096xi32, #tpu.memory_space<vmem>> -> memref<4096xi32, #tpu.memory_space<vmem>>
    %dma_start3A_325 = arith.constant 0 : i32
    %dma_start3A_326 = tpu.memref_slice %arg5[%dma_start3A_325] : memref<16384xi32, #tpu.memory_space<hbm>> -> memref<4096xi32, #tpu.memory_space<hbm>>
    tpu.enqueue_dma source(%dma_start3A_326 : memref<4096xi32, #tpu.memory_space<hbm>>) target(%dma_start3A_324 : memref<4096xi32, #tpu.memory_space<vmem>>) target_semaphore(%arg14 : memref<!tpu.dma_semaphore, #tpu.memory_space<semaphore_mem>>)
    %dma_start3A_327 = arith.constant 0 : i32
    %dma_start3A_328 = arith.constant 0 : i32
    %dma_start3A_329 = tpu.memref_slice %arg10[%dma_start3A_327, %dma_start3A_328] : memref<2x4096xf32, #tpu.memory_space<vmem>> -> memref<1x4096xf32, #tpu.memory_space<vmem>>
    %dma_start3A_330 = tpu.memref_squeeze %dma_start3A_329 : memref<1x4096xf32, #tpu.memory_space<vmem>> -> memref<4096xf32, #tpu.memory_space<vmem>>
    %dma_start3A_331 = arith.constant 0 : i32
    %dma_start3A_332 = tpu.memref_slice %arg3[%dma_start3A_331] : memref<16384xf32, #tpu.memory_space<hbm>> -> memref<4096xf32, #tpu.memory_space<hbm>>
    %dma_start3A_333 = arith.constant 0 : i32
    %dma_start3A_334 = tpu.memref_slice %arg10[%dma_start3A_327, %dma_start3A_333] : memref<2x4096xf32, #tpu.memory_space<vmem>> -> memref<1x4096xf32, #tpu.memory_space<vmem>>
    %dma_start3A_335 = tpu.memref_squeeze %dma_start3A_334 : memref<1x4096xf32, #tpu.memory_space<vmem>> -> memref<4096xf32, #tpu.memory_space<vmem>>
    %dma_start3A_336 = arith.constant 0 : i32
    %dma_start3A_337 = tpu.memref_slice %arg3[%dma_start3A_336] : memref<16384xf32, #tpu.memory_space<hbm>> -> memref<4096xf32, #tpu.memory_space<hbm>>
    tpu.enqueue_dma source(%dma_start3A_337 : memref<4096xf32, #tpu.memory_space<hbm>>) target(%dma_start3A_335 : memref<4096xf32, #tpu.memory_space<vmem>>) target_semaphore(%arg14 : memref<!tpu.dma_semaphore, #tpu.memory_space<semaphore_mem>>)
    %dma_start3A_338 = arith.constant 1 : i32
    %dma_start3A_339 = arith.constant 0 : i32
    %dma_start3A_340 = tpu.memref_slice %arg8[%dma_start3A_338, %dma_start3A_339] : memref<2x4096xi32, #tpu.memory_space<vmem>> -> memref<1x4096xi32, #tpu.memory_space<vmem>>
    %dma_start3A_341 = tpu.memref_squeeze %dma_start3A_340 : memref<1x4096xi32, #tpu.memory_space<vmem>> -> memref<4096xi32, #tpu.memory_space<vmem>>
    %dma_start3A_342 = arith.constant 4096 : i32
    %dma_start3A_343 = tpu.memref_slice %arg4[%dma_start3A_342] : memref<16384xi32, #tpu.memory_space<hbm>> -> memref<4096xi32, #tpu.memory_space<hbm>>
    %dma_start3A_344 = arith.constant 0 : i32
    %dma_start3A_345 = tpu.memref_slice %arg8[%dma_start3A_338, %dma_start3A_344] : memref<2x4096xi32, #tpu.memory_space<vmem>> -> memref<1x4096xi32, #tpu.memory_space<vmem>>
    %dma_start3A_346 = tpu.memref_squeeze %dma_start3A_345 : memref<1x4096xi32, #tpu.memory_space<vmem>> -> memref<4096xi32, #tpu.memory_space<vmem>>
    %dma_start3A_347 = arith.constant 4096 : i32
    %dma_start3A_348 = tpu.memref_slice %arg4[%dma_start3A_347] : memref<16384xi32, #tpu.memory_space<hbm>> -> memref<4096xi32, #tpu.memory_space<hbm>>
    tpu.enqueue_dma source(%dma_start3A_348 : memref<4096xi32, #tpu.memory_space<hbm>>) target(%dma_start3A_346 : memref<4096xi32, #tpu.memory_space<vmem>>) target_semaphore(%arg15 : memref<!tpu.dma_semaphore, #tpu.memory_space<semaphore_mem>>)
    %dma_start3A_349 = arith.constant 1 : i32
    %dma_start3A_350 = arith.constant 0 : i32
    %dma_start3A_351 = tpu.memref_slice %arg9[%dma_start3A_349, %dma_start3A_350] : memref<2x4096xi32, #tpu.memory_space<vmem>> -> memref<1x4096xi32, #tpu.memory_space<vmem>>
    %dma_start3A_352 = tpu.memref_squeeze %dma_start3A_351 : memref<1x4096xi32, #tpu.memory_space<vmem>> -> memref<4096xi32, #tpu.memory_space<vmem>>
    %dma_start3A_353 = arith.constant 4096 : i32
    %dma_start3A_354 = tpu.memref_slice %arg5[%dma_start3A_353] : memref<16384xi32, #tpu.memory_space<hbm>> -> memref<4096xi32, #tpu.memory_space<hbm>>
    %dma_start3A_355 = arith.constant 0 : i32
    %dma_start3A_356 = tpu.memref_slice %arg9[%dma_start3A_349, %dma_start3A_355] : memref<2x4096xi32, #tpu.memory_space<vmem>> -> memref<1x4096xi32, #tpu.memory_space<vmem>>
    %dma_start3A_357 = tpu.memref_squeeze %dma_start3A_356 : memref<1x4096xi32, #tpu.memory_space<vmem>> -> memref<4096xi32, #tpu.memory_space<vmem>>
    %dma_start3A_358 = arith.constant 4096 : i32
    %dma_start3A_359 = tpu.memref_slice %arg5[%dma_start3A_358] : memref<16384xi32, #tpu.memory_space<hbm>> -> memref<4096xi32, #tpu.memory_space<hbm>>
    tpu.enqueue_dma source(%dma_start3A_359 : memref<4096xi32, #tpu.memory_space<hbm>>) target(%dma_start3A_357 : memref<4096xi32, #tpu.memory_space<vmem>>) target_semaphore(%arg15 : memref<!tpu.dma_semaphore, #tpu.memory_space<semaphore_mem>>)
    %dma_start3A_360 = arith.constant 1 : i32
    %dma_start3A_361 = arith.constant 0 : i32
    %dma_start3A_362 = tpu.memref_slice %arg10[%dma_start3A_360, %dma_start3A_361] : memref<2x4096xf32, #tpu.memory_space<vmem>> -> memref<1x4096xf32, #tpu.memory_space<vmem>>
    %dma_start3A_363 = tpu.memref_squeeze %dma_start3A_362 : memref<1x4096xf32, #tpu.memory_space<vmem>> -> memref<4096xf32, #tpu.memory_space<vmem>>
    %dma_start3A_364 = arith.constant 4096 : i32
    %dma_start3A_365 = tpu.memref_slice %arg3[%dma_start3A_364] : memref<16384xf32, #tpu.memory_space<hbm>> -> memref<4096xf32, #tpu.memory_space<hbm>>
    %dma_start3A_366 = arith.constant 0 : i32
    %dma_start3A_367 = tpu.memref_slice %arg10[%dma_start3A_360, %dma_start3A_366] : memref<2x4096xf32, #tpu.memory_space<vmem>> -> memref<1x4096xf32, #tpu.memory_space<vmem>>
    %dma_start3A_368 = tpu.memref_squeeze %dma_start3A_367 : memref<1x4096xf32, #tpu.memory_space<vmem>> -> memref<4096xf32, #tpu.memory_space<vmem>>
    %dma_start3A_369 = arith.constant 4096 : i32
    %dma_start3A_370 = tpu.memref_slice %arg3[%dma_start3A_369] : memref<16384xf32, #tpu.memory_space<hbm>> -> memref<4096xf32, #tpu.memory_space<hbm>>
    tpu.enqueue_dma source(%dma_start3A_370 : memref<4096xf32, #tpu.memory_space<hbm>>) target(%dma_start3A_368 : memref<4096xf32, #tpu.memory_space<vmem>>) target_semaphore(%arg15 : memref<!tpu.dma_semaphore, #tpu.memory_space<semaphore_mem>>)
    %dma_wait3A_371 = arith.constant 0 : i32
    %dma_wait3A_372 = arith.constant 0 : i32
    %dma_wait3A_373 = tpu.memref_slice %arg8[%dma_wait3A_371, %dma_wait3A_372] : memref<2x4096xi32, #tpu.memory_space<vmem>> -> memref<1x4096xi32, #tpu.memory_space<vmem>>
    %dma_wait3A_374 = tpu.memref_squeeze %dma_wait3A_373 : memref<1x4096xi32, #tpu.memory_space<vmem>> -> memref<4096xi32, #tpu.memory_space<vmem>>
    %dma_wait3A_375 = arith.constant 0 : i32
    %dma_wait3A_376 = tpu.memref_slice %arg4[%dma_wait3A_375] : memref<16384xi32, #tpu.memory_space<hbm>> -> memref<4096xi32, #tpu.memory_space<hbm>>
    %dma_wait3A_377 = arith.constant 0 : i32
    %dma_wait3A_378 = tpu.memref_slice %arg8[%dma_wait3A_371, %dma_wait3A_377] : memref<2x4096xi32, #tpu.memory_space<vmem>> -> memref<1x4096xi32, #tpu.memory_space<vmem>>
    %dma_wait3A_379 = tpu.memref_squeeze %dma_wait3A_378 : memref<1x4096xi32, #tpu.memory_space<vmem>> -> memref<4096xi32, #tpu.memory_space<vmem>>
    %dma_wait3A_380 = arith.constant 0 : i32
    %dma_wait3A_381 = tpu.memref_slice %arg4[%dma_wait3A_380] : memref<16384xi32, #tpu.memory_space<hbm>> -> memref<4096xi32, #tpu.memory_space<hbm>>
    tpu.wait_dma2 semaphore(%arg14 : memref<!tpu.dma_semaphore, #tpu.memory_space<semaphore_mem>>) src(%dma_wait3A_381 : memref<4096xi32, #tpu.memory_space<hbm>>) dst(%dma_wait3A_379 : memref<4096xi32, #tpu.memory_space<vmem>>)
    %dma_wait3A_382 = arith.constant 0 : i32
    %dma_wait3A_383 = arith.constant 0 : i32
    %dma_wait3A_384 = tpu.memref_slice %arg9[%dma_wait3A_382, %dma_wait3A_383] : memref<2x4096xi32, #tpu.memory_space<vmem>> -> memref<1x4096xi32, #tpu.memory_space<vmem>>
    %dma_wait3A_385 = tpu.memref_squeeze %dma_wait3A_384 : memref<1x4096xi32, #tpu.memory_space<vmem>> -> memref<4096xi32, #tpu.memory_space<vmem>>
    %dma_wait3A_386 = arith.constant 0 : i32
    %dma_wait3A_387 = tpu.memref_slice %arg5[%dma_wait3A_386] : memref<16384xi32, #tpu.memory_space<hbm>> -> memref<4096xi32, #tpu.memory_space<hbm>>
    %dma_wait3A_388 = arith.constant 0 : i32
    %dma_wait3A_389 = tpu.memref_slice %arg9[%dma_wait3A_382, %dma_wait3A_388] : memref<2x4096xi32, #tpu.memory_space<vmem>> -> memref<1x4096xi32, #tpu.memory_space<vmem>>
    %dma_wait3A_390 = tpu.memref_squeeze %dma_wait3A_389 : memref<1x4096xi32, #tpu.memory_space<vmem>> -> memref<4096xi32, #tpu.memory_space<vmem>>
    %dma_wait3A_391 = arith.constant 0 : i32
    %dma_wait3A_392 = tpu.memref_slice %arg5[%dma_wait3A_391] : memref<16384xi32, #tpu.memory_space<hbm>> -> memref<4096xi32, #tpu.memory_space<hbm>>
    tpu.wait_dma2 semaphore(%arg14 : memref<!tpu.dma_semaphore, #tpu.memory_space<semaphore_mem>>) src(%dma_wait3A_392 : memref<4096xi32, #tpu.memory_space<hbm>>) dst(%dma_wait3A_390 : memref<4096xi32, #tpu.memory_space<vmem>>)
    %dma_wait3A_393 = arith.constant 0 : i32
    %dma_wait3A_394 = arith.constant 0 : i32
    %dma_wait3A_395 = tpu.memref_slice %arg10[%dma_wait3A_393, %dma_wait3A_394] : memref<2x4096xf32, #tpu.memory_space<vmem>> -> memref<1x4096xf32, #tpu.memory_space<vmem>>
    %dma_wait3A_396 = tpu.memref_squeeze %dma_wait3A_395 : memref<1x4096xf32, #tpu.memory_space<vmem>> -> memref<4096xf32, #tpu.memory_space<vmem>>
    %dma_wait3A_397 = arith.constant 0 : i32
    %dma_wait3A_398 = tpu.memref_slice %arg3[%dma_wait3A_397] : memref<16384xf32, #tpu.memory_space<hbm>> -> memref<4096xf32, #tpu.memory_space<hbm>>
    %dma_wait3A_399 = arith.constant 0 : i32
    %dma_wait3A_400 = tpu.memref_slice %arg10[%dma_wait3A_393, %dma_wait3A_399] : memref<2x4096xf32, #tpu.memory_space<vmem>> -> memref<1x4096xf32, #tpu.memory_space<vmem>>
    %dma_wait3A_401 = tpu.memref_squeeze %dma_wait3A_400 : memref<1x4096xf32, #tpu.memory_space<vmem>> -> memref<4096xf32, #tpu.memory_space<vmem>>
    %dma_wait3A_402 = arith.constant 0 : i32
    %dma_wait3A_403 = tpu.memref_slice %arg3[%dma_wait3A_402] : memref<16384xf32, #tpu.memory_space<hbm>> -> memref<4096xf32, #tpu.memory_space<hbm>>
    tpu.wait_dma2 semaphore(%arg14 : memref<!tpu.dma_semaphore, #tpu.memory_space<semaphore_mem>>) src(%dma_wait3A_403 : memref<4096xf32, #tpu.memory_space<hbm>>) dst(%dma_wait3A_401 : memref<4096xf32, #tpu.memory_space<vmem>>)
    %dma_wait3A_404 = arith.constant 0 : i32
    %dma_wait3A_405 = tpu.memref_slice %arg2[%add3A_298, %dma_wait3A_404] : memref<64x100000xf32, #tpu.memory_space<hbm>> -> memref<1x100000xf32, #tpu.memory_space<hbm>>
    %dma_wait3A_406 = tpu.memref_squeeze %dma_wait3A_405 : memref<1x100000xf32, #tpu.memory_space<hbm>> -> memref<100000xf32, #tpu.memory_space<hbm>>
    %dma_wait3A_407 = arith.constant 0 : i32
    %dma_wait3A_408 = tpu.memref_slice %arg2[%add3A_298, %dma_wait3A_407] : memref<64x100000xf32, #tpu.memory_space<hbm>> -> memref<1x100000xf32, #tpu.memory_space<hbm>>
    %dma_wait3A_409 = tpu.memref_squeeze %dma_wait3A_408 : memref<1x100000xf32, #tpu.memory_space<hbm>> -> memref<100000xf32, #tpu.memory_space<hbm>>
    tpu.wait_dma2 semaphore(%arg13 : memref<!tpu.dma_semaphore, #tpu.memory_space<semaphore_mem>>) src(%dma_wait3A_409 : memref<100000xf32, #tpu.memory_space<hbm>>) dst(%arg7 : memref<100000xf32, #tpu.memory_space<vmem>>)
    %parallel_loop3A_410 = arith.constant 0 : i32
    %parallel_loop3A_411 = arith.constant 4096 : i32
    %parallel_loop3A_412 = arith.constant 32 : i32
    %parallel_loop3A_413:4 = scf.for %parallel_loop3A_627 = %parallel_loop3A_410 to %parallel_loop3A_411 step %parallel_loop3A_412 iter_args(%parallel_loop3A_628 = %parallel_loop3A_294#0, %parallel_loop3A_629 = %parallel_loop3A_294#1, %parallel_loop3A_630 = %parallel_loop3A_294#2, %parallel_loop3A_631 = %parallel_loop3A_294#3) -> (vector<16xf32>, vector<16xf32>, vector<16xf32>, vector<16xf32>)  : i32 {
      %parallel_loop3A_632 = arith.constant 0 : i32
      %parallel_loop3A_633 = arith.addi %parallel_loop3A_627, %parallel_loop3A_632 : i32
      %parallel_loop3A_634 = arith.constant 0 : i32
      %parallel_loop3A_635 = arith.index_cast %parallel_loop3A_634 : i32 to index
      %parallel_loop3A_636 = arith.index_cast %parallel_loop3A_633 : i32 to index
      %parallel_loop3A_637 = tpu.vector_load %arg8[%parallel_loop3A_635, %parallel_loop3A_636] {strides = array<i32>} : memref<2x4096xi32, #tpu.memory_space<vmem>>, vector<16xi32>,
      %parallel_loop3A_638 = arith.constant 0 : i32
      %parallel_loop3A_639 = arith.index_cast %parallel_loop3A_638 : i32 to index
      %parallel_loop3A_640 = arith.index_cast %parallel_loop3A_633 : i32 to index
      %parallel_loop3A_641 = tpu.vector_load %arg9[%parallel_loop3A_639, %parallel_loop3A_640] {strides = array<i32>} : memref<2x4096xi32, #tpu.memory_space<vmem>>, vector<16xi32>,
      %parallel_loop3A_642 = arith.constant 0 : i32
      %parallel_loop3A_643 = arith.index_cast %parallel_loop3A_642 : i32 to index
      %parallel_loop3A_644 = arith.index_cast %parallel_loop3A_633 : i32 to index
      %parallel_loop3A_645 = tpu.vector_load %arg10[%parallel_loop3A_643, %parallel_loop3A_644] {strides = array<i32>} : memref<2x4096xf32, #tpu.memory_space<vmem>>, vector<16xf32>,
      %parallel_loop3A_646 = tpu.vector_load_idx %arg7[%parallel_loop3A_637] : memref<100000xf32, #tpu.memory_space<vmem>>[vector<16xi32>], vector<16xf32>,
      %parallel_loop3A_647 = tpu.vector_load_idx %arg7[%parallel_loop3A_641] : memref<100000xf32, #tpu.memory_space<vmem>>[vector<16xi32>], vector<16xf32>,
      %parallel_loop3A_648 = arith.mulf %parallel_loop3A_646, %parallel_loop3A_647 : vector<16xf32>
      %parallel_loop3A_649 = arith.subf %parallel_loop3A_645, %parallel_loop3A_648 : vector<16xf32>
      %parallel_loop3A_650 = arith.mulf %parallel_loop3A_649, %parallel_loop3A_649 : vector<16xf32>
      %parallel_loop3A_651 = arith.addf %parallel_loop3A_628, %parallel_loop3A_650 : vector<16xf32>
      %parallel_loop3A_652 = math.absf %parallel_loop3A_646 : vector<16xf32>
      %parallel_loop3A_653 = arith.addf %parallel_loop3A_629, %parallel_loop3A_652 : vector<16xf32>
      %parallel_loop3A_654 = math.absf %parallel_loop3A_647 : vector<16xf32>
      %parallel_loop3A_655 = arith.addf %parallel_loop3A_653, %parallel_loop3A_654 : vector<16xf32>
      %parallel_loop3A_656 = arith.constant 16 : i32
      %parallel_loop3A_657 = arith.addi %parallel_loop3A_627, %parallel_loop3A_656 : i32
      %parallel_loop3A_658 = arith.constant 0 : i32
      %parallel_loop3A_659 = arith.index_cast %parallel_loop3A_658 : i32 to index
      %parallel_loop3A_660 = arith.index_cast %parallel_loop3A_657 : i32 to index
      %parallel_loop3A_661 = tpu.vector_load %arg8[%parallel_loop3A_659, %parallel_loop3A_660] {strides = array<i32>} : memref<2x4096xi32, #tpu.memory_space<vmem>>, vector<16xi32>,
      %parallel_loop3A_662 = arith.constant 0 : i32
      %parallel_loop3A_663 = arith.index_cast %parallel_loop3A_662 : i32 to index
      %parallel_loop3A_664 = arith.index_cast %parallel_loop3A_657 : i32 to index
      %parallel_loop3A_665 = tpu.vector_load %arg9[%parallel_loop3A_663, %parallel_loop3A_664] {strides = array<i32>} : memref<2x4096xi32, #tpu.memory_space<vmem>>, vector<16xi32>,
      %parallel_loop3A_666 = arith.constant 0 : i32
      %parallel_loop3A_667 = arith.index_cast %parallel_loop3A_666 : i32 to index
      %parallel_loop3A_668 = arith.index_cast %parallel_loop3A_657 : i32 to index
      %parallel_loop3A_669 = tpu.vector_load %arg10[%parallel_loop3A_667, %parallel_loop3A_668] {strides = array<i32>} : memref<2x4096xf32, #tpu.memory_space<vmem>>, vector<16xf32>,
      %parallel_loop3A_670 = tpu.vector_load_idx %arg7[%parallel_loop3A_661] : memref<100000xf32, #tpu.memory_space<vmem>>[vector<16xi32>], vector<16xf32>,
      %parallel_loop3A_671 = tpu.vector_load_idx %arg7[%parallel_loop3A_665] : memref<100000xf32, #tpu.memory_space<vmem>>[vector<16xi32>], vector<16xf32>,
      %parallel_loop3A_672 = arith.mulf %parallel_loop3A_670, %parallel_loop3A_671 : vector<16xf32>
      %parallel_loop3A_673 = arith.subf %parallel_loop3A_669, %parallel_loop3A_672 : vector<16xf32>
      %parallel_loop3A_674 = arith.mulf %parallel_loop3A_673, %parallel_loop3A_673 : vector<16xf32>
      %parallel_loop3A_675 = arith.addf %parallel_loop3A_630, %parallel_loop3A_674 : vector<16xf32>
      %parallel_loop3A_676 = math.absf %parallel_loop3A_670 : vector<16xf32>
      %parallel_loop3A_677 = arith.addf %parallel_loop3A_631, %parallel_loop3A_676 : vector<16xf32>
      %parallel_loop3A_678 = math.absf %parallel_loop3A_671 : vector<16xf32>
      %parallel_loop3A_679 = arith.addf %parallel_loop3A_677, %parallel_loop3A_678 : vector<16xf32>
      scf.yield %parallel_loop3A_651, %parallel_loop3A_655, %parallel_loop3A_675, %parallel_loop3A_679 : vector<16xf32>, vector<16xf32>, vector<16xf32>, vector<16xf32>
    } {sc.loop_unroll_factor = 4 : i64, sc.parallel_access}
    %dma_start3A_414 = arith.constant 0 : i32
    %dma_start3A_415 = arith.constant 0 : i32
    %dma_start3A_416 = tpu.memref_slice %arg8[%dma_start3A_414, %dma_start3A_415] : memref<2x4096xi32, #tpu.memory_space<vmem>> -> memref<1x4096xi32, #tpu.memory_space<vmem>>
    %dma_start3A_417 = tpu.memref_squeeze %dma_start3A_416 : memref<1x4096xi32, #tpu.memory_space<vmem>> -> memref<4096xi32, #tpu.memory_space<vmem>>
    %dma_start3A_418 = arith.constant 8192 : i32
    %dma_start3A_419 = tpu.memref_slice %arg4[%dma_start3A_418] : memref<16384xi32, #tpu.memory_space<hbm>> -> memref<4096xi32, #tpu.memory_space<hbm>>
    %dma_start3A_420 = arith.constant 0 : i32
    %dma_start3A_421 = tpu.memref_slice %arg8[%dma_start3A_414, %dma_start3A_420] : memref<2x4096xi32, #tpu.memory_space<vmem>> -> memref<1x4096xi32, #tpu.memory_space<vmem>>
    %dma_start3A_422 = tpu.memref_squeeze %dma_start3A_421 : memref<1x4096xi32, #tpu.memory_space<vmem>> -> memref<4096xi32, #tpu.memory_space<vmem>>
    %dma_start3A_423 = arith.constant 8192 : i32
    %dma_start3A_424 = tpu.memref_slice %arg4[%dma_start3A_423] : memref<16384xi32, #tpu.memory_space<hbm>> -> memref<4096xi32, #tpu.memory_space<hbm>>
    tpu.enqueue_dma source(%dma_start3A_424 : memref<4096xi32, #tpu.memory_space<hbm>>) target(%dma_start3A_422 : memref<4096xi32, #tpu.memory_space<vmem>>) target_semaphore(%arg14 : memref<!tpu.dma_semaphore, #tpu.memory_space<semaphore_mem>>)
    %dma_start3A_425 = arith.constant 0 : i32
    %dma_start3A_426 = arith.constant 0 : i32
    %dma_start3A_427 = tpu.memref_slice %arg9[%dma_start3A_425, %dma_start3A_426] : memref<2x4096xi32, #tpu.memory_space<vmem>> -> memref<1x4096xi32, #tpu.memory_space<vmem>>
    %dma_start3A_428 = tpu.memref_squeeze %dma_start3A_427 : memref<1x4096xi32, #tpu.memory_space<vmem>> -> memref<4096xi32, #tpu.memory_space<vmem>>
    %dma_start3A_429 = arith.constant 8192 : i32
    %dma_start3A_430 = tpu.memref_slice %arg5[%dma_start3A_429] : memref<16384xi32, #tpu.memory_space<hbm>> -> memref<4096xi32, #tpu.memory_space<hbm>>
    %dma_start3A_431 = arith.constant 0 : i32
    %dma_start3A_432 = tpu.memref_slice %arg9[%dma_start3A_425, %dma_start3A_431] : memref<2x4096xi32, #tpu.memory_space<vmem>> -> memref<1x4096xi32, #tpu.memory_space<vmem>>
    %dma_start3A_433 = tpu.memref_squeeze %dma_start3A_432 : memref<1x4096xi32, #tpu.memory_space<vmem>> -> memref<4096xi32, #tpu.memory_space<vmem>>
    %dma_start3A_434 = arith.constant 8192 : i32
    %dma_start3A_435 = tpu.memref_slice %arg5[%dma_start3A_434] : memref<16384xi32, #tpu.memory_space<hbm>> -> memref<4096xi32, #tpu.memory_space<hbm>>
    tpu.enqueue_dma source(%dma_start3A_435 : memref<4096xi32, #tpu.memory_space<hbm>>) target(%dma_start3A_433 : memref<4096xi32, #tpu.memory_space<vmem>>) target_semaphore(%arg14 : memref<!tpu.dma_semaphore, #tpu.memory_space<semaphore_mem>>)
    %dma_start3A_436 = arith.constant 0 : i32
    %dma_start3A_437 = arith.constant 0 : i32
    %dma_start3A_438 = tpu.memref_slice %arg10[%dma_start3A_436, %dma_start3A_437] : memref<2x4096xf32, #tpu.memory_space<vmem>> -> memref<1x4096xf32, #tpu.memory_space<vmem>>
    %dma_start3A_439 = tpu.memref_squeeze %dma_start3A_438 : memref<1x4096xf32, #tpu.memory_space<vmem>> -> memref<4096xf32, #tpu.memory_space<vmem>>
    %dma_start3A_440 = arith.constant 8192 : i32
    %dma_start3A_441 = tpu.memref_slice %arg3[%dma_start3A_440] : memref<16384xf32, #tpu.memory_space<hbm>> -> memref<4096xf32, #tpu.memory_space<hbm>>
    %dma_start3A_442 = arith.constant 0 : i32
    %dma_start3A_443 = tpu.memref_slice %arg10[%dma_start3A_436, %dma_start3A_442] : memref<2x4096xf32, #tpu.memory_space<vmem>> -> memref<1x4096xf32, #tpu.memory_space<vmem>>
    %dma_start3A_444 = tpu.memref_squeeze %dma_start3A_443 : memref<1x4096xf32, #tpu.memory_space<vmem>> -> memref<4096xf32, #tpu.memory_space<vmem>>
    %dma_start3A_445 = arith.constant 8192 : i32
    %dma_start3A_446 = tpu.memref_slice %arg3[%dma_start3A_445] : memref<16384xf32, #tpu.memory_space<hbm>> -> memref<4096xf32, #tpu.memory_space<hbm>>
    tpu.enqueue_dma source(%dma_start3A_446 : memref<4096xf32, #tpu.memory_space<hbm>>) target(%dma_start3A_444 : memref<4096xf32, #tpu.memory_space<vmem>>) target_semaphore(%arg14 : memref<!tpu.dma_semaphore, #tpu.memory_space<semaphore_mem>>)
    %dma_wait3A_447 = arith.constant 1 : i32
    %dma_wait3A_448 = arith.constant 0 : i32
    %dma_wait3A_449 = tpu.memref_slice %arg8[%dma_wait3A_447, %dma_wait3A_448] : memref<2x4096xi32, #tpu.memory_space<vmem>> -> memref<1x4096xi32, #tpu.memory_space<vmem>>
    %dma_wait3A_450 = tpu.memref_squeeze %dma_wait3A_449 : memref<1x4096xi32, #tpu.memory_space<vmem>> -> memref<4096xi32, #tpu.memory_space<vmem>>
    %dma_wait3A_451 = arith.constant 4096 : i32
    %dma_wait3A_452 = tpu.memref_slice %arg4[%dma_wait3A_451] : memref<16384xi32, #tpu.memory_space<hbm>> -> memref<4096xi32, #tpu.memory_space<hbm>>
    %dma_wait3A_453 = arith.constant 0 : i32
    %dma_wait3A_454 = tpu.memref_slice %arg8[%dma_wait3A_447, %dma_wait3A_453] : memref<2x4096xi32, #tpu.memory_space<vmem>> -> memref<1x4096xi32, #tpu.memory_space<vmem>>
    %dma_wait3A_455 = tpu.memref_squeeze %dma_wait3A_454 : memref<1x4096xi32, #tpu.memory_space<vmem>> -> memref<4096xi32, #tpu.memory_space<vmem>>
    %dma_wait3A_456 = arith.constant 4096 : i32
    %dma_wait3A_457 = tpu.memref_slice %arg4[%dma_wait3A_456] : memref<16384xi32, #tpu.memory_space<hbm>> -> memref<4096xi32, #tpu.memory_space<hbm>>
    tpu.wait_dma2 semaphore(%arg15 : memref<!tpu.dma_semaphore, #tpu.memory_space<semaphore_mem>>) src(%dma_wait3A_457 : memref<4096xi32, #tpu.memory_space<hbm>>) dst(%dma_wait3A_455 : memref<4096xi32, #tpu.memory_space<vmem>>)
    %dma_wait3A_458 = arith.constant 1 : i32
    %dma_wait3A_459 = arith.constant 0 : i32
    %dma_wait3A_460 = tpu.memref_slice %arg9[%dma_wait3A_458, %dma_wait3A_459] : memref<2x4096xi32, #tpu.memory_space<vmem>> -> memref<1x4096xi32, #tpu.memory_space<vmem>>
    %dma_wait3A_461 = tpu.memref_squeeze %dma_wait3A_460 : memref<1x4096xi32, #tpu.memory_space<vmem>> -> memref<4096xi32, #tpu.memory_space<vmem>>
    %dma_wait3A_462 = arith.constant 4096 : i32
    %dma_wait3A_463 = tpu.memref_slice %arg5[%dma_wait3A_462] : memref<16384xi32, #tpu.memory_space<hbm>> -> memref<4096xi32, #tpu.memory_space<hbm>>
    %dma_wait3A_464 = arith.constant 0 : i32
    %dma_wait3A_465 = tpu.memref_slice %arg9[%dma_wait3A_458, %dma_wait3A_464] : memref<2x4096xi32, #tpu.memory_space<vmem>> -> memref<1x4096xi32, #tpu.memory_space<vmem>>
    %dma_wait3A_466 = tpu.memref_squeeze %dma_wait3A_465 : memref<1x4096xi32, #tpu.memory_space<vmem>> -> memref<4096xi32, #tpu.memory_space<vmem>>
    %dma_wait3A_467 = arith.constant 4096 : i32
    %dma_wait3A_468 = tpu.memref_slice %arg5[%dma_wait3A_467] : memref<16384xi32, #tpu.memory_space<hbm>> -> memref<4096xi32, #tpu.memory_space<hbm>>
    tpu.wait_dma2 semaphore(%arg15 : memref<!tpu.dma_semaphore, #tpu.memory_space<semaphore_mem>>) src(%dma_wait3A_468 : memref<4096xi32, #tpu.memory_space<hbm>>) dst(%dma_wait3A_466 : memref<4096xi32, #tpu.memory_space<vmem>>)
    %dma_wait3A_469 = arith.constant 1 : i32
    %dma_wait3A_470 = arith.constant 0 : i32
    %dma_wait3A_471 = tpu.memref_slice %arg10[%dma_wait3A_469, %dma_wait3A_470] : memref<2x4096xf32, #tpu.memory_space<vmem>> -> memref<1x4096xf32, #tpu.memory_space<vmem>>
    %dma_wait3A_472 = tpu.memref_squeeze %dma_wait3A_471 : memref<1x4096xf32, #tpu.memory_space<vmem>> -> memref<4096xf32, #tpu.memory_space<vmem>>
    %dma_wait3A_473 = arith.constant 4096 : i32
    %dma_wait3A_474 = tpu.memref_slice %arg3[%dma_wait3A_473] : memref<16384xf32, #tpu.memory_space<hbm>> -> memref<4096xf32, #tpu.memory_space<hbm>>
    %dma_wait3A_475 = arith.constant 0 : i32
    %dma_wait3A_476 = tpu.memref_slice %arg10[%dma_wait3A_469, %dma_wait3A_475] : memref<2x4096xf32, #tpu.memory_space<vmem>> -> memref<1x4096xf32, #tpu.memory_space<vmem>>
    %dma_wait3A_477 = tpu.memref_squeeze %dma_wait3A_476 : memref<1x4096xf32, #tpu.memory_space<vmem>> -> memref<4096xf32, #tpu.memory_space<vmem>>
    %dma_wait3A_478 = arith.constant 4096 : i32
    %dma_wait3A_479 = tpu.memref_slice %arg3[%dma_wait3A_478] : memref<16384xf32, #tpu.memory_space<hbm>> -> memref<4096xf32, #tpu.memory_space<hbm>>
    tpu.wait_dma2 semaphore(%arg15 : memref<!tpu.dma_semaphore, #tpu.memory_space<semaphore_mem>>) src(%dma_wait3A_479 : memref<4096xf32, #tpu.memory_space<hbm>>) dst(%dma_wait3A_477 : memref<4096xf32, #tpu.memory_space<vmem>>)
    %parallel_loop3A_480 = arith.constant 0 : i32
    %parallel_loop3A_481 = arith.constant 4096 : i32
    %parallel_loop3A_482 = arith.constant 32 : i32
    %parallel_loop3A_483:4 = scf.for %parallel_loop3A_627 = %parallel_loop3A_480 to %parallel_loop3A_481 step %parallel_loop3A_482 iter_args(%parallel_loop3A_628 = %parallel_loop3A_413#0, %parallel_loop3A_629 = %parallel_loop3A_413#1, %parallel_loop3A_630 = %parallel_loop3A_413#2, %parallel_loop3A_631 = %parallel_loop3A_413#3) -> (vector<16xf32>, vector<16xf32>, vector<16xf32>, vector<16xf32>)  : i32 {
      %parallel_loop3A_632 = arith.constant 0 : i32
      %parallel_loop3A_633 = arith.addi %parallel_loop3A_627, %parallel_loop3A_632 : i32
      %parallel_loop3A_634 = arith.constant 1 : i32
      %parallel_loop3A_635 = arith.index_cast %parallel_loop3A_634 : i32 to index
      %parallel_loop3A_636 = arith.index_cast %parallel_loop3A_633 : i32 to index
      %parallel_loop3A_637 = tpu.vector_load %arg8[%parallel_loop3A_635, %parallel_loop3A_636] {strides = array<i32>} : memref<2x4096xi32, #tpu.memory_space<vmem>>, vector<16xi32>,
      %parallel_loop3A_638 = arith.constant 1 : i32
      %parallel_loop3A_639 = arith.index_cast %parallel_loop3A_638 : i32 to index
      %parallel_loop3A_640 = arith.index_cast %parallel_loop3A_633 : i32 to index
      %parallel_loop3A_641 = tpu.vector_load %arg9[%parallel_loop3A_639, %parallel_loop3A_640] {strides = array<i32>} : memref<2x4096xi32, #tpu.memory_space<vmem>>, vector<16xi32>,
      %parallel_loop3A_642 = arith.constant 1 : i32
      %parallel_loop3A_643 = arith.index_cast %parallel_loop3A_642 : i32 to index
      %parallel_loop3A_644 = arith.index_cast %parallel_loop3A_633 : i32 to index
      %parallel_loop3A_645 = tpu.vector_load %arg10[%parallel_loop3A_643, %parallel_loop3A_644] {strides = array<i32>} : memref<2x4096xf32, #tpu.memory_space<vmem>>, vector<16xf32>,
      %parallel_loop3A_646 = tpu.vector_load_idx %arg7[%parallel_loop3A_637] : memref<100000xf32, #tpu.memory_space<vmem>>[vector<16xi32>], vector<16xf32>,
      %parallel_loop3A_647 = tpu.vector_load_idx %arg7[%parallel_loop3A_641] : memref<100000xf32, #tpu.memory_space<vmem>>[vector<16xi32>], vector<16xf32>,
      %parallel_loop3A_648 = arith.mulf %parallel_loop3A_646, %parallel_loop3A_647 : vector<16xf32>
      %parallel_loop3A_649 = arith.subf %parallel_loop3A_645, %parallel_loop3A_648 : vector<16xf32>
      %parallel_loop3A_650 = arith.mulf %parallel_loop3A_649, %parallel_loop3A_649 : vector<16xf32>
      %parallel_loop3A_651 = arith.addf %parallel_loop3A_628, %parallel_loop3A_650 : vector<16xf32>
      %parallel_loop3A_652 = math.absf %parallel_loop3A_646 : vector<16xf32>
      %parallel_loop3A_653 = arith.addf %parallel_loop3A_629, %parallel_loop3A_652 : vector<16xf32>
      %parallel_loop3A_654 = math.absf %parallel_loop3A_647 : vector<16xf32>
      %parallel_loop3A_655 = arith.addf %parallel_loop3A_653, %parallel_loop3A_654 : vector<16xf32>
      %parallel_loop3A_656 = arith.constant 16 : i32
      %parallel_loop3A_657 = arith.addi %parallel_loop3A_627, %parallel_loop3A_656 : i32
      %parallel_loop3A_658 = arith.constant 1 : i32
      %parallel_loop3A_659 = arith.index_cast %parallel_loop3A_658 : i32 to index
      %parallel_loop3A_660 = arith.index_cast %parallel_loop3A_657 : i32 to index
      %parallel_loop3A_661 = tpu.vector_load %arg8[%parallel_loop3A_659, %parallel_loop3A_660] {strides = array<i32>} : memref<2x4096xi32, #tpu.memory_space<vmem>>, vector<16xi32>,
      %parallel_loop3A_662 = arith.constant 1 : i32
      %parallel_loop3A_663 = arith.index_cast %parallel_loop3A_662 : i32 to index
      %parallel_loop3A_664 = arith.index_cast %parallel_loop3A_657 : i32 to index
      %parallel_loop3A_665 = tpu.vector_load %arg9[%parallel_loop3A_663, %parallel_loop3A_664] {strides = array<i32>} : memref<2x4096xi32, #tpu.memory_space<vmem>>, vector<16xi32>,
      %parallel_loop3A_666 = arith.constant 1 : i32
      %parallel_loop3A_667 = arith.index_cast %parallel_loop3A_666 : i32 to index
      %parallel_loop3A_668 = arith.index_cast %parallel_loop3A_657 : i32 to index
      %parallel_loop3A_669 = tpu.vector_load %arg10[%parallel_loop3A_667, %parallel_loop3A_668] {strides = array<i32>} : memref<2x4096xf32, #tpu.memory_space<vmem>>, vector<16xf32>,
      %parallel_loop3A_670 = tpu.vector_load_idx %arg7[%parallel_loop3A_661] : memref<100000xf32, #tpu.memory_space<vmem>>[vector<16xi32>], vector<16xf32>,
      %parallel_loop3A_671 = tpu.vector_load_idx %arg7[%parallel_loop3A_665] : memref<100000xf32, #tpu.memory_space<vmem>>[vector<16xi32>], vector<16xf32>,
      %parallel_loop3A_672 = arith.mulf %parallel_loop3A_670, %parallel_loop3A_671 : vector<16xf32>
      %parallel_loop3A_673 = arith.subf %parallel_loop3A_669, %parallel_loop3A_672 : vector<16xf32>
      %parallel_loop3A_674 = arith.mulf %parallel_loop3A_673, %parallel_loop3A_673 : vector<16xf32>
      %parallel_loop3A_675 = arith.addf %parallel_loop3A_630, %parallel_loop3A_674 : vector<16xf32>
      %parallel_loop3A_676 = math.absf %parallel_loop3A_670 : vector<16xf32>
      %parallel_loop3A_677 = arith.addf %parallel_loop3A_631, %parallel_loop3A_676 : vector<16xf32>
      %parallel_loop3A_678 = math.absf %parallel_loop3A_671 : vector<16xf32>
      %parallel_loop3A_679 = arith.addf %parallel_loop3A_677, %parallel_loop3A_678 : vector<16xf32>
      scf.yield %parallel_loop3A_651, %parallel_loop3A_655, %parallel_loop3A_675, %parallel_loop3A_679 : vector<16xf32>, vector<16xf32>, vector<16xf32>, vector<16xf32>
    } {sc.loop_unroll_factor = 4 : i64, sc.parallel_access}
    %dma_start3A_484 = arith.constant 1 : i32
    %dma_start3A_485 = arith.constant 0 : i32
    %dma_start3A_486 = tpu.memref_slice %arg8[%dma_start3A_484, %dma_start3A_485] : memref<2x4096xi32, #tpu.memory_space<vmem>> -> memref<1x4096xi32, #tpu.memory_space<vmem>>
    %dma_start3A_487 = tpu.memref_squeeze %dma_start3A_486 : memref<1x4096xi32, #tpu.memory_space<vmem>> -> memref<4096xi32, #tpu.memory_space<vmem>>
    %dma_start3A_488 = arith.constant 12288 : i32
    %dma_start3A_489 = tpu.memref_slice %arg4[%dma_start3A_488] : memref<16384xi32, #tpu.memory_space<hbm>> -> memref<4096xi32, #tpu.memory_space<hbm>>
    %dma_start3A_490 = arith.constant 0 : i32
    %dma_start3A_491 = tpu.memref_slice %arg8[%dma_start3A_484, %dma_start3A_490] : memref<2x4096xi32, #tpu.memory_space<vmem>> -> memref<1x4096xi32, #tpu.memory_space<vmem>>
    %dma_start3A_492 = tpu.memref_squeeze %dma_start3A_491 : memref<1x4096xi32, #tpu.memory_space<vmem>> -> memref<4096xi32, #tpu.memory_space<vmem>>
    %dma_start3A_493 = arith.constant 12288 : i32
    %dma_start3A_494 = tpu.memref_slice %arg4[%dma_start3A_493] : memref<16384xi32, #tpu.memory_space<hbm>> -> memref<4096xi32, #tpu.memory_space<hbm>>
    tpu.enqueue_dma source(%dma_start3A_494 : memref<4096xi32, #tpu.memory_space<hbm>>) target(%dma_start3A_492 : memref<4096xi32, #tpu.memory_space<vmem>>) target_semaphore(%arg15 : memref<!tpu.dma_semaphore, #tpu.memory_space<semaphore_mem>>)
    %dma_start3A_495 = arith.constant 1 : i32
    %dma_start3A_496 = arith.constant 0 : i32
    %dma_start3A_497 = tpu.memref_slice %arg9[%dma_start3A_495, %dma_start3A_496] : memref<2x4096xi32, #tpu.memory_space<vmem>> -> memref<1x4096xi32, #tpu.memory_space<vmem>>
    %dma_start3A_498 = tpu.memref_squeeze %dma_start3A_497 : memref<1x4096xi32, #tpu.memory_space<vmem>> -> memref<4096xi32, #tpu.memory_space<vmem>>
    %dma_start3A_499 = arith.constant 12288 : i32
    %dma_start3A_500 = tpu.memref_slice %arg5[%dma_start3A_499] : memref<16384xi32, #tpu.memory_space<hbm>> -> memref<4096xi32, #tpu.memory_space<hbm>>
    %dma_start3A_501 = arith.constant 0 : i32
    %dma_start3A_502 = tpu.memref_slice %arg9[%dma_start3A_495, %dma_start3A_501] : memref<2x4096xi32, #tpu.memory_space<vmem>> -> memref<1x4096xi32, #tpu.memory_space<vmem>>
    %dma_start3A_503 = tpu.memref_squeeze %dma_start3A_502 : memref<1x4096xi32, #tpu.memory_space<vmem>> -> memref<4096xi32, #tpu.memory_space<vmem>>
    %dma_start3A_504 = arith.constant 12288 : i32
    %dma_start3A_505 = tpu.memref_slice %arg5[%dma_start3A_504] : memref<16384xi32, #tpu.memory_space<hbm>> -> memref<4096xi32, #tpu.memory_space<hbm>>
    tpu.enqueue_dma source(%dma_start3A_505 : memref<4096xi32, #tpu.memory_space<hbm>>) target(%dma_start3A_503 : memref<4096xi32, #tpu.memory_space<vmem>>) target_semaphore(%arg15 : memref<!tpu.dma_semaphore, #tpu.memory_space<semaphore_mem>>)
    %dma_start3A_506 = arith.constant 1 : i32
    %dma_start3A_507 = arith.constant 0 : i32
    %dma_start3A_508 = tpu.memref_slice %arg10[%dma_start3A_506, %dma_start3A_507] : memref<2x4096xf32, #tpu.memory_space<vmem>> -> memref<1x4096xf32, #tpu.memory_space<vmem>>
    %dma_start3A_509 = tpu.memref_squeeze %dma_start3A_508 : memref<1x4096xf32, #tpu.memory_space<vmem>> -> memref<4096xf32, #tpu.memory_space<vmem>>
    %dma_start3A_510 = arith.constant 12288 : i32
    %dma_start3A_511 = tpu.memref_slice %arg3[%dma_start3A_510] : memref<16384xf32, #tpu.memory_space<hbm>> -> memref<4096xf32, #tpu.memory_space<hbm>>
    %dma_start3A_512 = arith.constant 0 : i32
    %dma_start3A_513 = tpu.memref_slice %arg10[%dma_start3A_506, %dma_start3A_512] : memref<2x4096xf32, #tpu.memory_space<vmem>> -> memref<1x4096xf32, #tpu.memory_space<vmem>>
    %dma_start3A_514 = tpu.memref_squeeze %dma_start3A_513 : memref<1x4096xf32, #tpu.memory_space<vmem>> -> memref<4096xf32, #tpu.memory_space<vmem>>
    %dma_start3A_515 = arith.constant 12288 : i32
    %dma_start3A_516 = tpu.memref_slice %arg3[%dma_start3A_515] : memref<16384xf32, #tpu.memory_space<hbm>> -> memref<4096xf32, #tpu.memory_space<hbm>>
    tpu.enqueue_dma source(%dma_start3A_516 : memref<4096xf32, #tpu.memory_space<hbm>>) target(%dma_start3A_514 : memref<4096xf32, #tpu.memory_space<vmem>>) target_semaphore(%arg15 : memref<!tpu.dma_semaphore, #tpu.memory_space<semaphore_mem>>)
    %dma_wait3A_517 = arith.constant 0 : i32
    %dma_wait3A_518 = arith.constant 0 : i32
    %dma_wait3A_519 = tpu.memref_slice %arg8[%dma_wait3A_517, %dma_wait3A_518] : memref<2x4096xi32, #tpu.memory_space<vmem>> -> memref<1x4096xi32, #tpu.memory_space<vmem>>
    %dma_wait3A_520 = tpu.memref_squeeze %dma_wait3A_519 : memref<1x4096xi32, #tpu.memory_space<vmem>> -> memref<4096xi32, #tpu.memory_space<vmem>>
    %dma_wait3A_521 = arith.constant 8192 : i32
    %dma_wait3A_522 = tpu.memref_slice %arg4[%dma_wait3A_521] : memref<16384xi32, #tpu.memory_space<hbm>> -> memref<4096xi32, #tpu.memory_space<hbm>>
    %dma_wait3A_523 = arith.constant 0 : i32
    %dma_wait3A_524 = tpu.memref_slice %arg8[%dma_wait3A_517, %dma_wait3A_523] : memref<2x4096xi32, #tpu.memory_space<vmem>> -> memref<1x4096xi32, #tpu.memory_space<vmem>>
    %dma_wait3A_525 = tpu.memref_squeeze %dma_wait3A_524 : memref<1x4096xi32, #tpu.memory_space<vmem>> -> memref<4096xi32, #tpu.memory_space<vmem>>
    %dma_wait3A_526 = arith.constant 8192 : i32
    %dma_wait3A_527 = tpu.memref_slice %arg4[%dma_wait3A_526] : memref<16384xi32, #tpu.memory_space<hbm>> -> memref<4096xi32, #tpu.memory_space<hbm>>
    tpu.wait_dma2 semaphore(%arg14 : memref<!tpu.dma_semaphore, #tpu.memory_space<semaphore_mem>>) src(%dma_wait3A_527 : memref<4096xi32, #tpu.memory_space<hbm>>) dst(%dma_wait3A_525 : memref<4096xi32, #tpu.memory_space<vmem>>)
    %dma_wait3A_528 = arith.constant 0 : i32
    %dma_wait3A_529 = arith.constant 0 : i32
    %dma_wait3A_530 = tpu.memref_slice %arg9[%dma_wait3A_528, %dma_wait3A_529] : memref<2x4096xi32, #tpu.memory_space<vmem>> -> memref<1x4096xi32, #tpu.memory_space<vmem>>
    %dma_wait3A_531 = tpu.memref_squeeze %dma_wait3A_530 : memref<1x4096xi32, #tpu.memory_space<vmem>> -> memref<4096xi32, #tpu.memory_space<vmem>>
    %dma_wait3A_532 = arith.constant 8192 : i32
    %dma_wait3A_533 = tpu.memref_slice %arg5[%dma_wait3A_532] : memref<16384xi32, #tpu.memory_space<hbm>> -> memref<4096xi32, #tpu.memory_space<hbm>>
    %dma_wait3A_534 = arith.constant 0 : i32
    %dma_wait3A_535 = tpu.memref_slice %arg9[%dma_wait3A_528, %dma_wait3A_534] : memref<2x4096xi32, #tpu.memory_space<vmem>> -> memref<1x4096xi32, #tpu.memory_space<vmem>>
    %dma_wait3A_536 = tpu.memref_squeeze %dma_wait3A_535 : memref<1x4096xi32, #tpu.memory_space<vmem>> -> memref<4096xi32, #tpu.memory_space<vmem>>
    %dma_wait3A_537 = arith.constant 8192 : i32
    %dma_wait3A_538 = tpu.memref_slice %arg5[%dma_wait3A_537] : memref<16384xi32, #tpu.memory_space<hbm>> -> memref<4096xi32, #tpu.memory_space<hbm>>
    tpu.wait_dma2 semaphore(%arg14 : memref<!tpu.dma_semaphore, #tpu.memory_space<semaphore_mem>>) src(%dma_wait3A_538 : memref<4096xi32, #tpu.memory_space<hbm>>) dst(%dma_wait3A_536 : memref<4096xi32, #tpu.memory_space<vmem>>)
    %dma_wait3A_539 = arith.constant 0 : i32
    %dma_wait3A_540 = arith.constant 0 : i32
    %dma_wait3A_541 = tpu.memref_slice %arg10[%dma_wait3A_539, %dma_wait3A_540] : memref<2x4096xf32, #tpu.memory_space<vmem>> -> memref<1x4096xf32, #tpu.memory_space<vmem>>
    %dma_wait3A_542 = tpu.memref_squeeze %dma_wait3A_541 : memref<1x4096xf32, #tpu.memory_space<vmem>> -> memref<4096xf32, #tpu.memory_space<vmem>>
    %dma_wait3A_543 = arith.constant 8192 : i32
    %dma_wait3A_544 = tpu.memref_slice %arg3[%dma_wait3A_543] : memref<16384xf32, #tpu.memory_space<hbm>> -> memref<4096xf32, #tpu.memory_space<hbm>>
    %dma_wait3A_545 = arith.constant 0 : i32
    %dma_wait3A_546 = tpu.memref_slice %arg10[%dma_wait3A_539, %dma_wait3A_545] : memref<2x4096xf32, #tpu.memory_space<vmem>> -> memref<1x4096xf32, #tpu.memory_space<vmem>>
    %dma_wait3A_547 = tpu.memref_squeeze %dma_wait3A_546 : memref<1x4096xf32, #tpu.memory_space<vmem>> -> memref<4096xf32, #tpu.memory_space<vmem>>
    %dma_wait3A_548 = arith.constant 8192 : i32
    %dma_wait3A_549 = tpu.memref_slice %arg3[%dma_wait3A_548] : memref<16384xf32, #tpu.memory_space<hbm>> -> memref<4096xf32, #tpu.memory_space<hbm>>
    tpu.wait_dma2 semaphore(%arg14 : memref<!tpu.dma_semaphore, #tpu.memory_space<semaphore_mem>>) src(%dma_wait3A_549 : memref<4096xf32, #tpu.memory_space<hbm>>) dst(%dma_wait3A_547 : memref<4096xf32, #tpu.memory_space<vmem>>)
    %parallel_loop3A_550 = arith.constant 0 : i32
    %parallel_loop3A_551 = arith.constant 4096 : i32
    %parallel_loop3A_552 = arith.constant 32 : i32
    %parallel_loop3A_553:4 = scf.for %parallel_loop3A_627 = %parallel_loop3A_550 to %parallel_loop3A_551 step %parallel_loop3A_552 iter_args(%parallel_loop3A_628 = %parallel_loop3A_483#0, %parallel_loop3A_629 = %parallel_loop3A_483#1, %parallel_loop3A_630 = %parallel_loop3A_483#2, %parallel_loop3A_631 = %parallel_loop3A_483#3) -> (vector<16xf32>, vector<16xf32>, vector<16xf32>, vector<16xf32>)  : i32 {
      %parallel_loop3A_632 = arith.constant 0 : i32
      %parallel_loop3A_633 = arith.addi %parallel_loop3A_627, %parallel_loop3A_632 : i32
      %parallel_loop3A_634 = arith.constant 0 : i32
      %parallel_loop3A_635 = arith.index_cast %parallel_loop3A_634 : i32 to index
      %parallel_loop3A_636 = arith.index_cast %parallel_loop3A_633 : i32 to index
      %parallel_loop3A_637 = tpu.vector_load %arg8[%parallel_loop3A_635, %parallel_loop3A_636] {strides = array<i32>} : memref<2x4096xi32, #tpu.memory_space<vmem>>, vector<16xi32>,
      %parallel_loop3A_638 = arith.constant 0 : i32
      %parallel_loop3A_639 = arith.index_cast %parallel_loop3A_638 : i32 to index
      %parallel_loop3A_640 = arith.index_cast %parallel_loop3A_633 : i32 to index
      %parallel_loop3A_641 = tpu.vector_load %arg9[%parallel_loop3A_639, %parallel_loop3A_640] {strides = array<i32>} : memref<2x4096xi32, #tpu.memory_space<vmem>>, vector<16xi32>,
      %parallel_loop3A_642 = arith.constant 0 : i32
      %parallel_loop3A_643 = arith.index_cast %parallel_loop3A_642 : i32 to index
      %parallel_loop3A_644 = arith.index_cast %parallel_loop3A_633 : i32 to index
      %parallel_loop3A_645 = tpu.vector_load %arg10[%parallel_loop3A_643, %parallel_loop3A_644] {strides = array<i32>} : memref<2x4096xf32, #tpu.memory_space<vmem>>, vector<16xf32>,
      %parallel_loop3A_646 = tpu.vector_load_idx %arg7[%parallel_loop3A_637] : memref<100000xf32, #tpu.memory_space<vmem>>[vector<16xi32>], vector<16xf32>,
      %parallel_loop3A_647 = tpu.vector_load_idx %arg7[%parallel_loop3A_641] : memref<100000xf32, #tpu.memory_space<vmem>>[vector<16xi32>], vector<16xf32>,
      %parallel_loop3A_648 = arith.mulf %parallel_loop3A_646, %parallel_loop3A_647 : vector<16xf32>
      %parallel_loop3A_649 = arith.subf %parallel_loop3A_645, %parallel_loop3A_648 : vector<16xf32>
      %parallel_loop3A_650 = arith.mulf %parallel_loop3A_649, %parallel_loop3A_649 : vector<16xf32>
      %parallel_loop3A_651 = arith.addf %parallel_loop3A_628, %parallel_loop3A_650 : vector<16xf32>
      %parallel_loop3A_652 = math.absf %parallel_loop3A_646 : vector<16xf32>
      %parallel_loop3A_653 = arith.addf %parallel_loop3A_629, %parallel_loop3A_652 : vector<16xf32>
      %parallel_loop3A_654 = math.absf %parallel_loop3A_647 : vector<16xf32>
      %parallel_loop3A_655 = arith.addf %parallel_loop3A_653, %parallel_loop3A_654 : vector<16xf32>
      %parallel_loop3A_656 = arith.constant 16 : i32
      %parallel_loop3A_657 = arith.addi %parallel_loop3A_627, %parallel_loop3A_656 : i32
      %parallel_loop3A_658 = arith.constant 0 : i32
      %parallel_loop3A_659 = arith.index_cast %parallel_loop3A_658 : i32 to index
      %parallel_loop3A_660 = arith.index_cast %parallel_loop3A_657 : i32 to index
      %parallel_loop3A_661 = tpu.vector_load %arg8[%parallel_loop3A_659, %parallel_loop3A_660] {strides = array<i32>} : memref<2x4096xi32, #tpu.memory_space<vmem>>, vector<16xi32>,
      %parallel_loop3A_662 = arith.constant 0 : i32
      %parallel_loop3A_663 = arith.index_cast %parallel_loop3A_662 : i32 to index
      %parallel_loop3A_664 = arith.index_cast %parallel_loop3A_657 : i32 to index
      %parallel_loop3A_665 = tpu.vector_load %arg9[%parallel_loop3A_663, %parallel_loop3A_664] {strides = array<i32>} : memref<2x4096xi32, #tpu.memory_space<vmem>>, vector<16xi32>,
      %parallel_loop3A_666 = arith.constant 0 : i32
      %parallel_loop3A_667 = arith.index_cast %parallel_loop3A_666 : i32 to index
      %parallel_loop3A_668 = arith.index_cast %parallel_loop3A_657 : i32 to index
      %parallel_loop3A_669 = tpu.vector_load %arg10[%parallel_loop3A_667, %parallel_loop3A_668] {strides = array<i32>} : memref<2x4096xf32, #tpu.memory_space<vmem>>, vector<16xf32>,
      %parallel_loop3A_670 = tpu.vector_load_idx %arg7[%parallel_loop3A_661] : memref<100000xf32, #tpu.memory_space<vmem>>[vector<16xi32>], vector<16xf32>,
      %parallel_loop3A_671 = tpu.vector_load_idx %arg7[%parallel_loop3A_665] : memref<100000xf32, #tpu.memory_space<vmem>>[vector<16xi32>], vector<16xf32>,
      %parallel_loop3A_672 = arith.mulf %parallel_loop3A_670, %parallel_loop3A_671 : vector<16xf32>
      %parallel_loop3A_673 = arith.subf %parallel_loop3A_669, %parallel_loop3A_672 : vector<16xf32>
      %parallel_loop3A_674 = arith.mulf %parallel_loop3A_673, %parallel_loop3A_673 : vector<16xf32>
      %parallel_loop3A_675 = arith.addf %parallel_loop3A_630, %parallel_loop3A_674 : vector<16xf32>
      %parallel_loop3A_676 = math.absf %parallel_loop3A_670 : vector<16xf32>
      %parallel_loop3A_677 = arith.addf %parallel_loop3A_631, %parallel_loop3A_676 : vector<16xf32>
      %parallel_loop3A_678 = math.absf %parallel_loop3A_671 : vector<16xf32>
      %parallel_loop3A_679 = arith.addf %parallel_loop3A_677, %parallel_loop3A_678 : vector<16xf32>
      scf.yield %parallel_loop3A_651, %parallel_loop3A_655, %parallel_loop3A_675, %parallel_loop3A_679 : vector<16xf32>, vector<16xf32>, vector<16xf32>, vector<16xf32>
    } {sc.loop_unroll_factor = 4 : i64, sc.parallel_access}
    %dma_wait3A_554 = arith.constant 1 : i32
    %dma_wait3A_555 = arith.constant 0 : i32
    %dma_wait3A_556 = tpu.memref_slice %arg8[%dma_wait3A_554, %dma_wait3A_555] : memref<2x4096xi32, #tpu.memory_space<vmem>> -> memref<1x4096xi32, #tpu.memory_space<vmem>>
    %dma_wait3A_557 = tpu.memref_squeeze %dma_wait3A_556 : memref<1x4096xi32, #tpu.memory_space<vmem>> -> memref<4096xi32, #tpu.memory_space<vmem>>
    %dma_wait3A_558 = arith.constant 12288 : i32
    %dma_wait3A_559 = tpu.memref_slice %arg4[%dma_wait3A_558] : memref<16384xi32, #tpu.memory_space<hbm>> -> memref<4096xi32, #tpu.memory_space<hbm>>
    %dma_wait3A_560 = arith.constant 0 : i32
    %dma_wait3A_561 = tpu.memref_slice %arg8[%dma_wait3A_554, %dma_wait3A_560] : memref<2x4096xi32, #tpu.memory_space<vmem>> -> memref<1x4096xi32, #tpu.memory_space<vmem>>
    %dma_wait3A_562 = tpu.memref_squeeze %dma_wait3A_561 : memref<1x4096xi32, #tpu.memory_space<vmem>> -> memref<4096xi32, #tpu.memory_space<vmem>>
    %dma_wait3A_563 = arith.constant 12288 : i32
    %dma_wait3A_564 = tpu.memref_slice %arg4[%dma_wait3A_563] : memref<16384xi32, #tpu.memory_space<hbm>> -> memref<4096xi32, #tpu.memory_space<hbm>>
    tpu.wait_dma2 semaphore(%arg15 : memref<!tpu.dma_semaphore, #tpu.memory_space<semaphore_mem>>) src(%dma_wait3A_564 : memref<4096xi32, #tpu.memory_space<hbm>>) dst(%dma_wait3A_562 : memref<4096xi32, #tpu.memory_space<vmem>>)
    %dma_wait3A_565 = arith.constant 1 : i32
    %dma_wait3A_566 = arith.constant 0 : i32
    %dma_wait3A_567 = tpu.memref_slice %arg9[%dma_wait3A_565, %dma_wait3A_566] : memref<2x4096xi32, #tpu.memory_space<vmem>> -> memref<1x4096xi32, #tpu.memory_space<vmem>>
    %dma_wait3A_568 = tpu.memref_squeeze %dma_wait3A_567 : memref<1x4096xi32, #tpu.memory_space<vmem>> -> memref<4096xi32, #tpu.memory_space<vmem>>
    %dma_wait3A_569 = arith.constant 12288 : i32
    %dma_wait3A_570 = tpu.memref_slice %arg5[%dma_wait3A_569] : memref<16384xi32, #tpu.memory_space<hbm>> -> memref<4096xi32, #tpu.memory_space<hbm>>
    %dma_wait3A_571 = arith.constant 0 : i32
    %dma_wait3A_572 = tpu.memref_slice %arg9[%dma_wait3A_565, %dma_wait3A_571] : memref<2x4096xi32, #tpu.memory_space<vmem>> -> memref<1x4096xi32, #tpu.memory_space<vmem>>
    %dma_wait3A_573 = tpu.memref_squeeze %dma_wait3A_572 : memref<1x4096xi32, #tpu.memory_space<vmem>> -> memref<4096xi32, #tpu.memory_space<vmem>>
    %dma_wait3A_574 = arith.constant 12288 : i32
    %dma_wait3A_575 = tpu.memref_slice %arg5[%dma_wait3A_574] : memref<16384xi32, #tpu.memory_space<hbm>> -> memref<4096xi32, #tpu.memory_space<hbm>>
    tpu.wait_dma2 semaphore(%arg15 : memref<!tpu.dma_semaphore, #tpu.memory_space<semaphore_mem>>) src(%dma_wait3A_575 : memref<4096xi32, #tpu.memory_space<hbm>>) dst(%dma_wait3A_573 : memref<4096xi32, #tpu.memory_space<vmem>>)
    %dma_wait3A_576 = arith.constant 1 : i32
    %dma_wait3A_577 = arith.constant 0 : i32
    %dma_wait3A_578 = tpu.memref_slice %arg10[%dma_wait3A_576, %dma_wait3A_577] : memref<2x4096xf32, #tpu.memory_space<vmem>> -> memref<1x4096xf32, #tpu.memory_space<vmem>>
    %dma_wait3A_579 = tpu.memref_squeeze %dma_wait3A_578 : memref<1x4096xf32, #tpu.memory_space<vmem>> -> memref<4096xf32, #tpu.memory_space<vmem>>
    %dma_wait3A_580 = arith.constant 12288 : i32
    %dma_wait3A_581 = tpu.memref_slice %arg3[%dma_wait3A_580] : memref<16384xf32, #tpu.memory_space<hbm>> -> memref<4096xf32, #tpu.memory_space<hbm>>
    %dma_wait3A_582 = arith.constant 0 : i32
    %dma_wait3A_583 = tpu.memref_slice %arg10[%dma_wait3A_576, %dma_wait3A_582] : memref<2x4096xf32, #tpu.memory_space<vmem>> -> memref<1x4096xf32, #tpu.memory_space<vmem>>
    %dma_wait3A_584 = tpu.memref_squeeze %dma_wait3A_583 : memref<1x4096xf32, #tpu.memory_space<vmem>> -> memref<4096xf32, #tpu.memory_space<vmem>>
    %dma_wait3A_585 = arith.constant 12288 : i32
    %dma_wait3A_586 = tpu.memref_slice %arg3[%dma_wait3A_585] : memref<16384xf32, #tpu.memory_space<hbm>> -> memref<4096xf32, #tpu.memory_space<hbm>>
    tpu.wait_dma2 semaphore(%arg15 : memref<!tpu.dma_semaphore, #tpu.memory_space<semaphore_mem>>) src(%dma_wait3A_586 : memref<4096xf32, #tpu.memory_space<hbm>>) dst(%dma_wait3A_584 : memref<4096xf32, #tpu.memory_space<vmem>>)
    %parallel_loop3A_587 = arith.constant 0 : i32
    %parallel_loop3A_588 = arith.constant 4096 : i32
    %parallel_loop3A_589 = arith.constant 32 : i32
    %parallel_loop3A_590:4 = scf.for %parallel_loop3A_627 = %parallel_loop3A_587 to %parallel_loop3A_588 step %parallel_loop3A_589 iter_args(%parallel_loop3A_628 = %parallel_loop3A_553#0, %parallel_loop3A_629 = %parallel_loop3A_553#1, %parallel_loop3A_630 = %parallel_loop3A_553#2, %parallel_loop3A_631 = %parallel_loop3A_553#3) -> (vector<16xf32>, vector<16xf32>, vector<16xf32>, vector<16xf32>)  : i32 {
      %parallel_loop3A_632 = arith.constant 0 : i32
      %parallel_loop3A_633 = arith.addi %parallel_loop3A_627, %parallel_loop3A_632 : i32
      %parallel_loop3A_634 = arith.constant 1 : i32
      %parallel_loop3A_635 = arith.index_cast %parallel_loop3A_634 : i32 to index
      %parallel_loop3A_636 = arith.index_cast %parallel_loop3A_633 : i32 to index
      %parallel_loop3A_637 = tpu.vector_load %arg8[%parallel_loop3A_635, %parallel_loop3A_636] {strides = array<i32>} : memref<2x4096xi32, #tpu.memory_space<vmem>>, vector<16xi32>,
      %parallel_loop3A_638 = arith.constant 1 : i32
      %parallel_loop3A_639 = arith.index_cast %parallel_loop3A_638 : i32 to index
      %parallel_loop3A_640 = arith.index_cast %parallel_loop3A_633 : i32 to index
      %parallel_loop3A_641 = tpu.vector_load %arg9[%parallel_loop3A_639, %parallel_loop3A_640] {strides = array<i32>} : memref<2x4096xi32, #tpu.memory_space<vmem>>, vector<16xi32>,
      %parallel_loop3A_642 = arith.constant 1 : i32
      %parallel_loop3A_643 = arith.index_cast %parallel_loop3A_642 : i32 to index
      %parallel_loop3A_644 = arith.index_cast %parallel_loop3A_633 : i32 to index
      %parallel_loop3A_645 = tpu.vector_load %arg10[%parallel_loop3A_643, %parallel_loop3A_644] {strides = array<i32>} : memref<2x4096xf32, #tpu.memory_space<vmem>>, vector<16xf32>,
      %parallel_loop3A_646 = tpu.vector_load_idx %arg7[%parallel_loop3A_637] : memref<100000xf32, #tpu.memory_space<vmem>>[vector<16xi32>], vector<16xf32>,
      %parallel_loop3A_647 = tpu.vector_load_idx %arg7[%parallel_loop3A_641] : memref<100000xf32, #tpu.memory_space<vmem>>[vector<16xi32>], vector<16xf32>,
      %parallel_loop3A_648 = arith.mulf %parallel_loop3A_646, %parallel_loop3A_647 : vector<16xf32>
      %parallel_loop3A_649 = arith.subf %parallel_loop3A_645, %parallel_loop3A_648 : vector<16xf32>
      %parallel_loop3A_650 = arith.mulf %parallel_loop3A_649, %parallel_loop3A_649 : vector<16xf32>
      %parallel_loop3A_651 = arith.addf %parallel_loop3A_628, %parallel_loop3A_650 : vector<16xf32>
      %parallel_loop3A_652 = math.absf %parallel_loop3A_646 : vector<16xf32>
      %parallel_loop3A_653 = arith.addf %parallel_loop3A_629, %parallel_loop3A_652 : vector<16xf32>
      %parallel_loop3A_654 = math.absf %parallel_loop3A_647 : vector<16xf32>
      %parallel_loop3A_655 = arith.addf %parallel_loop3A_653, %parallel_loop3A_654 : vector<16xf32>
      %parallel_loop3A_656 = arith.constant 16 : i32
      %parallel_loop3A_657 = arith.addi %parallel_loop3A_627, %parallel_loop3A_656 : i32
      %parallel_loop3A_658 = arith.constant 1 : i32
      %parallel_loop3A_659 = arith.index_cast %parallel_loop3A_658 : i32 to index
      %parallel_loop3A_660 = arith.index_cast %parallel_loop3A_657 : i32 to index
      %parallel_loop3A_661 = tpu.vector_load %arg8[%parallel_loop3A_659, %parallel_loop3A_660] {strides = array<i32>} : memref<2x4096xi32, #tpu.memory_space<vmem>>, vector<16xi32>,
      %parallel_loop3A_662 = arith.constant 1 : i32
      %parallel_loop3A_663 = arith.index_cast %parallel_loop3A_662 : i32 to index
      %parallel_loop3A_664 = arith.index_cast %parallel_loop3A_657 : i32 to index
      %parallel_loop3A_665 = tpu.vector_load %arg9[%parallel_loop3A_663, %parallel_loop3A_664] {strides = array<i32>} : memref<2x4096xi32, #tpu.memory_space<vmem>>, vector<16xi32>,
      %parallel_loop3A_666 = arith.constant 1 : i32
      %parallel_loop3A_667 = arith.index_cast %parallel_loop3A_666 : i32 to index
      %parallel_loop3A_668 = arith.index_cast %parallel_loop3A_657 : i32 to index
      %parallel_loop3A_669 = tpu.vector_load %arg10[%parallel_loop3A_667, %parallel_loop3A_668] {strides = array<i32>} : memref<2x4096xf32, #tpu.memory_space<vmem>>, vector<16xf32>,
      %parallel_loop3A_670 = tpu.vector_load_idx %arg7[%parallel_loop3A_661] : memref<100000xf32, #tpu.memory_space<vmem>>[vector<16xi32>], vector<16xf32>,
      %parallel_loop3A_671 = tpu.vector_load_idx %arg7[%parallel_loop3A_665] : memref<100000xf32, #tpu.memory_space<vmem>>[vector<16xi32>], vector<16xf32>,
      %parallel_loop3A_672 = arith.mulf %parallel_loop3A_670, %parallel_loop3A_671 : vector<16xf32>
      %parallel_loop3A_673 = arith.subf %parallel_loop3A_669, %parallel_loop3A_672 : vector<16xf32>
      %parallel_loop3A_674 = arith.mulf %parallel_loop3A_673, %parallel_loop3A_673 : vector<16xf32>
      %parallel_loop3A_675 = arith.addf %parallel_loop3A_630, %parallel_loop3A_674 : vector<16xf32>
      %parallel_loop3A_676 = math.absf %parallel_loop3A_670 : vector<16xf32>
      %parallel_loop3A_677 = arith.addf %parallel_loop3A_631, %parallel_loop3A_676 : vector<16xf32>
      %parallel_loop3A_678 = math.absf %parallel_loop3A_671 : vector<16xf32>
      %parallel_loop3A_679 = arith.addf %parallel_loop3A_677, %parallel_loop3A_678 : vector<16xf32>
      scf.yield %parallel_loop3A_651, %parallel_loop3A_655, %parallel_loop3A_675, %parallel_loop3A_679 : vector<16xf32>, vector<16xf32>, vector<16xf32>, vector<16xf32>
    } {sc.loop_unroll_factor = 4 : i64, sc.parallel_access}
    %add3A_591 = arith.addf %broadcast_in_dim3A_1, %parallel_loop3A_590#0 : vector<16xf32>
    %add3A_592 = arith.addf %broadcast_in_dim3A_1, %parallel_loop3A_590#1 : vector<16xf32>
    %add3A_593 = arith.addf %add3A_591, %parallel_loop3A_590#2 : vector<16xf32>
    %add3A_594 = arith.addf %add3A_592, %parallel_loop3A_590#3 : vector<16xf32>
    %swap3A = arith.constant 0 : index
    %swap3A_595 = tpu.vector_load %arg11[%swap3A] {strides = array<i32>} : memref<128xf32, #tpu.memory_space<vmem>>, vector<16xf32>,
    tpu.vector_store %arg11[%swap3A], %add3A_593 {strides = array<i32>} : memref<128xf32, #tpu.memory_space<vmem>>, vector<16xf32>,
    %swap3A_596 = arith.constant 0 : index
    %swap3A_597 = tpu.vector_load %arg12[%swap3A_596] {strides = array<i32>} : memref<128xf32, #tpu.memory_space<vmem>>, vector<16xf32>,
    tpu.vector_store %arg12[%swap3A_596], %add3A_594 {strides = array<i32>} : memref<128xf32, #tpu.memory_space<vmem>>, vector<16xf32>,
    %swap3A_598 = arith.constant 16 : index
    %swap3A_599 = tpu.vector_load %arg11[%swap3A_598] {strides = array<i32>} : memref<128xf32, #tpu.memory_space<vmem>>, vector<16xf32>,
    tpu.vector_store %arg11[%swap3A_598], %broadcast_in_dim3A_1 {strides = array<i32>} : memref<128xf32, #tpu.memory_space<vmem>>, vector<16xf32>,
    %swap3A_600 = arith.constant 16 : index
    %swap3A_601 = tpu.vector_load %arg12[%swap3A_600] {strides = array<i32>} : memref<128xf32, #tpu.memory_space<vmem>>, vector<16xf32>,
    tpu.vector_store %arg12[%swap3A_600], %broadcast_in_dim3A_1 {strides = array<i32>} : memref<128xf32, #tpu.memory_space<vmem>>, vector<16xf32>,
    %swap3A_602 = arith.constant 32 : index
    %swap3A_603 = tpu.vector_load %arg11[%swap3A_602] {strides = array<i32>} : memref<128xf32, #tpu.memory_space<vmem>>, vector<16xf32>,
    tpu.vector_store %arg11[%swap3A_602], %broadcast_in_dim3A_1 {strides = array<i32>} : memref<128xf32, #tpu.memory_space<vmem>>, vector<16xf32>,
    %swap3A_604 = arith.constant 32 : index
    %swap3A_605 = tpu.vector_load %arg12[%swap3A_604] {strides = array<i32>} : memref<128xf32, #tpu.memory_space<vmem>>, vector<16xf32>,
    tpu.vector_store %arg12[%swap3A_604], %broadcast_in_dim3A_1 {strides = array<i32>} : memref<128xf32, #tpu.memory_space<vmem>>, vector<16xf32>,
    %swap3A_606 = arith.constant 48 : index
    %swap3A_607 = tpu.vector_load %arg11[%swap3A_606] {strides = array<i32>} : memref<128xf32, #tpu.memory_space<vmem>>, vector<16xf32>,
    tpu.vector_store %arg11[%swap3A_606], %broadcast_in_dim3A_1 {strides = array<i32>} : memref<128xf32, #tpu.memory_space<vmem>>, vector<16xf32>,
    %swap3A_608 = arith.constant 48 : index
    %swap3A_609 = tpu.vector_load %arg12[%swap3A_608] {strides = array<i32>} : memref<128xf32, #tpu.memory_space<vmem>>, vector<16xf32>,
    tpu.vector_store %arg12[%swap3A_608], %broadcast_in_dim3A_1 {strides = array<i32>} : memref<128xf32, #tpu.memory_space<vmem>>, vector<16xf32>,
    %swap3A_610 = arith.constant 64 : index
    %swap3A_611 = tpu.vector_load %arg11[%swap3A_610] {strides = array<i32>} : memref<128xf32, #tpu.memory_space<vmem>>, vector<16xf32>,
    tpu.vector_store %arg11[%swap3A_610], %broadcast_in_dim3A_1 {strides = array<i32>} : memref<128xf32, #tpu.memory_space<vmem>>, vector<16xf32>,
    %swap3A_612 = arith.constant 64 : index
    %swap3A_613 = tpu.vector_load %arg12[%swap3A_612] {strides = array<i32>} : memref<128xf32, #tpu.memory_space<vmem>>, vector<16xf32>,
    tpu.vector_store %arg12[%swap3A_612], %broadcast_in_dim3A_1 {strides = array<i32>} : memref<128xf32, #tpu.memory_space<vmem>>, vector<16xf32>,
    %swap3A_614 = arith.constant 80 : index
    %swap3A_615 = tpu.vector_load %arg11[%swap3A_614] {strides = array<i32>} : memref<128xf32, #tpu.memory_space<vmem>>, vector<16xf32>,
    tpu.vector_store %arg11[%swap3A_614], %broadcast_in_dim3A_1 {strides = array<i32>} : memref<128xf32, #tpu.memory_space<vmem>>, vector<16xf32>,
    %swap3A_616 = arith.constant 80 : index
    %swap3A_617 = tpu.vector_load %arg12[%swap3A_616] {strides = array<i32>} : memref<128xf32, #tpu.memory_space<vmem>>, vector<16xf32>,
    tpu.vector_store %arg12[%swap3A_616], %broadcast_in_dim3A_1 {strides = array<i32>} : memref<128xf32, #tpu.memory_space<vmem>>, vector<16xf32>,
    %swap3A_618 = arith.constant 96 : index
    %swap3A_619 = tpu.vector_load %arg11[%swap3A_618] {strides = array<i32>} : memref<128xf32, #tpu.memory_space<vmem>>, vector<16xf32>,
    tpu.vector_store %arg11[%swap3A_618], %broadcast_in_dim3A_1 {strides = array<i32>} : memref<128xf32, #tpu.memory_space<vmem>>, vector<16xf32>,
    %swap3A_620 = arith.constant 96 : index
    %swap3A_621 = tpu.vector_load %arg12[%swap3A_620] {strides = array<i32>} : memref<128xf32, #tpu.memory_space<vmem>>, vector<16xf32>,
    tpu.vector_store %arg12[%swap3A_620], %broadcast_in_dim3A_1 {strides = array<i32>} : memref<128xf32, #tpu.memory_space<vmem>>, vector<16xf32>,
    %swap3A_622 = arith.constant 112 : index
    %swap3A_623 = tpu.vector_load %arg11[%swap3A_622] {strides = array<i32>} : memref<128xf32, #tpu.memory_space<vmem>>, vector<16xf32>,
    tpu.vector_store %arg11[%swap3A_622], %broadcast_in_dim3A_1 {strides = array<i32>} : memref<128xf32, #tpu.memory_space<vmem>>, vector<16xf32>,
    %swap3A_624 = arith.constant 112 : index
    %swap3A_625 = tpu.vector_load %arg12[%swap3A_624] {strides = array<i32>} : memref<128xf32, #tpu.memory_space<vmem>>, vector<16xf32>,
    tpu.vector_store %arg12[%swap3A_624], %broadcast_in_dim3A_1 {strides = array<i32>} : memref<128xf32, #tpu.memory_space<vmem>>, vector<16xf32>,
    %run_scoped3A = arith.constant 0 : i32
    "tpu.region"() ({
      %run_scoped3A_627 = tpu.sem_alloc : memref<!tpu.dma_semaphore, #tpu.memory_space<semaphore_mem>>
      %dma_start3A_628 = arith.constant 0 : i32
      %dma_start3A_629 = tpu.memref_slice %arg6[%run_scoped3A, %add3A, %dma_start3A_628] : memref<2x32x128xf32, #tpu.memory_space<hbm>> -> memref<1x1x128xf32, #tpu.memory_space<hbm>>
      %dma_start3A_630 = tpu.memref_squeeze %dma_start3A_629 : memref<1x1x128xf32, #tpu.memory_space<hbm>> -> memref<128xf32, #tpu.memory_space<hbm>>
      %dma_start3A_631 = arith.constant 0 : i32
      %dma_start3A_632 = tpu.memref_slice %arg6[%run_scoped3A, %add3A, %dma_start3A_631] : memref<2x32x128xf32, #tpu.memory_space<hbm>> -> memref<1x1x128xf32, #tpu.memory_space<hbm>>
      %dma_start3A_633 = tpu.memref_squeeze %dma_start3A_632 : memref<1x1x128xf32, #tpu.memory_space<hbm>> -> memref<128xf32, #tpu.memory_space<hbm>>
      tpu.enqueue_dma source(%arg11 : memref<128xf32, #tpu.memory_space<vmem>>) target(%dma_start3A_633 : memref<128xf32, #tpu.memory_space<hbm>>) target_semaphore(%run_scoped3A_627 : memref<!tpu.dma_semaphore, #tpu.memory_space<semaphore_mem>>)
      %dma_wait3A_634 = arith.constant 0 : i32
      %dma_wait3A_635 = tpu.memref_slice %arg6[%run_scoped3A, %add3A, %dma_wait3A_634] : memref<2x32x128xf32, #tpu.memory_space<hbm>> -> memref<1x1x128xf32, #tpu.memory_space<hbm>>
      %dma_wait3A_636 = tpu.memref_squeeze %dma_wait3A_635 : memref<1x1x128xf32, #tpu.memory_space<hbm>> -> memref<128xf32, #tpu.memory_space<hbm>>
      %dma_wait3A_637 = arith.constant 0 : i32
      %dma_wait3A_638 = tpu.memref_slice %arg6[%run_scoped3A, %add3A, %dma_wait3A_637] : memref<2x32x128xf32, #tpu.memory_space<hbm>> -> memref<1x1x128xf32, #tpu.memory_space<hbm>>
      %dma_wait3A_639 = tpu.memref_squeeze %dma_wait3A_638 : memref<1x1x128xf32, #tpu.memory_space<hbm>> -> memref<128xf32, #tpu.memory_space<hbm>>
      tpu.wait_dma2 semaphore(%run_scoped3A_627 : memref<!tpu.dma_semaphore, #tpu.memory_space<semaphore_mem>>) src(%arg11 : memref<128xf32, #tpu.memory_space<vmem>>) dst(%dma_wait3A_639 : memref<128xf32, #tpu.memory_space<hbm>>)
      tpu.yield
    }) : () -> ()
    %run_scoped3A_626 = arith.constant 1 : i32
    "tpu.region"() ({
      %run_scoped3A_627 = tpu.sem_alloc : memref<!tpu.dma_semaphore, #tpu.memory_space<semaphore_mem>>
      %dma_start3A_628 = arith.constant 0 : i32
      %dma_start3A_629 = tpu.memref_slice %arg6[%run_scoped3A_626, %add3A, %dma_start3A_628] : memref<2x32x128xf32, #tpu.memory_space<hbm>> -> memref<1x1x128xf32, #tpu.memory_space<hbm>>
      %dma_start3A_630 = tpu.memref_squeeze %dma_start3A_629 : memref<1x1x128xf32, #tpu.memory_space<hbm>> -> memref<128xf32, #tpu.memory_space<hbm>>
      %dma_start3A_631 = arith.constant 0 : i32
      %dma_start3A_632 = tpu.memref_slice %arg6[%run_scoped3A_626, %add3A, %dma_start3A_631] : memref<2x32x128xf32, #tpu.memory_space<hbm>> -> memref<1x1x128xf32, #tpu.memory_space<hbm>>
      %dma_start3A_633 = tpu.memref_squeeze %dma_start3A_632 : memref<1x1x128xf32, #tpu.memory_space<hbm>> -> memref<128xf32, #tpu.memory_space<hbm>>
      tpu.enqueue_dma source(%arg12 : memref<128xf32, #tpu.memory_space<vmem>>) target(%dma_start3A_633 : memref<128xf32, #tpu.memory_space<hbm>>) target_semaphore(%run_scoped3A_627 : memref<!tpu.dma_semaphore, #tpu.memory_space<semaphore_mem>>)
      %dma_wait3A_634 = arith.constant 0 : i32
      %dma_wait3A_635 = tpu.memref_slice %arg6[%run_scoped3A_626, %add3A, %dma_wait3A_634] : memref<2x32x128xf32, #tpu.memory_space<hbm>> -> memref<1x1x128xf32, #tpu.memory_space<hbm>>
      %dma_wait3A_636 = tpu.memref_squeeze %dma_wait3A_635 : memref<1x1x128xf32, #tpu.memory_space<hbm>> -> memref<128xf32, #tpu.memory_space<hbm>>
      %dma_wait3A_637 = arith.constant 0 : i32
      %dma_wait3A_638 = tpu.memref_slice %arg6[%run_scoped3A_626, %add3A, %dma_wait3A_637] : memref<2x32x128xf32, #tpu.memory_space<hbm>> -> memref<1x1x128xf32, #tpu.memory_space<hbm>>
      %dma_wait3A_639 = tpu.memref_squeeze %dma_wait3A_638 : memref<1x1x128xf32, #tpu.memory_space<hbm>> -> memref<128xf32, #tpu.memory_space<hbm>>
      tpu.wait_dma2 semaphore(%run_scoped3A_627 : memref<!tpu.dma_semaphore, #tpu.memory_space<semaphore_mem>>) src(%arg12 : memref<128xf32, #tpu.memory_space<vmem>>) dst(%dma_wait3A_639 : memref<128xf32, #tpu.memory_space<hbm>>)
      tpu.yield
    }) : () -> ()
    return
  }
}

</mosaic_0001>

<sc_bundles>
// kernel: kernel.3.cloned.1.call-start
scs
__scs_entry_jumppad:
0x0: {  	(pc) =	sbr.rel $0x88, $3  }
0x1: {  	(tag) =	ssettag $0x0;
	lr =	simm.s32 $0x1  }
0x2: {  	[smem:$0x3F9D] =	sst lr;
	_ =	strace $0xD0000000  }
0x3: {  	_ = 	snop  }
0x4: {  	_ = 	snop  }
0x5: {  	_ = 	snop  }
0x6: {  	_ = 	snop  }
0x7: {  	_ = 	snop  }
__scs_overlays_trampoline_lowered:
0x8: {  	[smem:$0x3FAC] =	sst s0  }
0x9: {  	[smem:$0x3FAD] =	sst s1  }
0xa: {  	[smem:$0x3FAE] =	sst s2  }
0xb: {  	[smem:$0x3FAF] =	sst s3  }
0xc: {  	[smem:$0x3FB0] =	sst s4  }
0xd: {  	[smem:$0x3FB1] =	sst s5  }
0xe: {  	[smem:$0x3FB2] =	sst s6  }
0xf: {  	[smem:$0x3FB3] =	sst s7  }
0x10: {  	[smem:$0x3FB4] =	sst s8  }
0x11: {  	[smem:$0x3FB5] =	sst s9;
	s0 =	simm.s32 @!p0 $0x0  }
0x12: {  	s1 =	sld [smem:$0x3F9B];
	s0 =	simm.s32 @p0 $0x1  }
0x13: {  	[smem:$0x3FB6] =	sst s0;
	s0 =	simm.s32 @!p1 $0x0  }
0x14: {  	s2 =	sld [smem:$0x3F9A];
	s0 =	simm.s32 @p1 $0x1  }
0x15: {  	[smem:$0x3FB7] =	sst s0;
	s0 =	simm.s32 @!p2 $0x0  }
0x16: {  	s3 =	sld [smem:$0x3FDB];
	s0 =	simm.s32 @p2 $0x1  }
0x17: {  	s4 =	simm.s32 $0x1BF5;
	[smem:$0x3FB9] =	sst s0  }
0x18: {  	s0 =	sld [smem:$0x3F9C];
	_ =	swait.ge [sflag:s4], $0x0  }
0x19: {  	s7 =	sld [smem:$0x3F9D]  }
0x1a: {  	s8 =	sadd.s32 $0xFFFFE003, lr  }
0x1b: {  	s9 =	sadd.s32 $0xFFFFFEF7, lr;
	s5 =	simm.s32 $0xFFFFFFFF;
	p2 =	slt.u32 s8, $0xFFFFF086  }
0x1c: {  	p1 =	slt.u32 s9, $0xF7A;
	s5 =	simm.s32 @!p2 $0x0  }
0x1d: {  	s5 =	simm.s32 @p1 $0x1;
	p0 =	seq.s32 s7, s2  }
0x1e: {  	s7 =	smul.u32 @!p0 $0xF7A, s2;
	p2 =	seq.s32 @!p0 s5, $0x0  }
0x1f: {  	s9 =	smul.u32 $0xF7A, s1;
	s8 =	simm.s32 @!p0 $0x1BF5;
	p2 =	por !p2, p0  }
0x20: {  	[sflag:s8] =	ssyncset.s32 @!p0 $0xFFFFF086;
	s6 =	sadd.s32 @!p0 s3, s7;
	s7 =	simm.s32 @!p0 $0x108  }
0x21: {  	s3 =	sadd.s32 s3, s9;
	s6 =	sadd.s32 @!p0 $0x88, s6;
	s7 =	simm.s32 @p2 $0x1082  }
0x22: {  	[simem:s7], [sflag:s8] =	dma.local @!p0 [hbm:s6], $0xF7A  }
0x23: {  	s9 =	sor.u32 $0xD0000000, s2;
	s6 =	simm.s32 $0x108;
	_ =	swait.ge @!p0 [sflag:s8], $0x0  }
0x24: {  	s3 =	sadd.s32 $0x88, s3;
	s6 =	simm.s32 @!p1 $0x1082;
	[sflag:s4] =	ssyncset.s32 $0xFFFFF086  }
0x25: {  	[simem:s6], [sflag:s4] =	dma.local [hbm:s3], $0xF7A  }
0x26: {  	[smem:$0x3F9D] =	sst s1;
	(tag) =	ssettag s2;
	_ =	strace s9  }
0x27: {  	s1 =	sld [smem:$0x3FAD]  }
0x28: {  	s2 =	sld [smem:$0x3FAE]  }
0x29: {  	s4 =	sld [smem:$0x3FB0]  }
0x2a: {  	p0 =	seq.s32 s5, $0x0;
	s5 =	sld [smem:$0x3FB1]  }
0x2b: {  	s6 =	sld [smem:$0x3FB2]  }
0x2c: {  	s7 =	sld [smem:$0x3FB3]  }
0x2d: {  	s3 =	simm.s32 $0x108;
	s8 =	sld [smem:$0x3FB4]  }
0x2e: {  	s3 =	simm.s32 @!p0 $0x1082;
	s9 =	sld [smem:$0x3FB5]  }
0x2f: {  	lr =	sadd.s32 s0, s3;
	s0 =	sld [smem:$0x3FAC]  }
0x30: {  	s3 =	sld [smem:$0x3FAF]  }
0x31: {  	[smem:$0x3FB8] =	sst s10  }
0x32: {  	s10 =	sld [smem:$0x3FB6];
	_ =	sdelay $0x3  }
0x33: {  	p0 =	seq.s32 s10, $0x1;
	s10 =	sld [smem:$0x3FB8];
	_ =	sdelay $0x3  }
0x34: {  	[smem:$0x3FB8] =	sst s10  }
0x35: {  	s10 =	sld [smem:$0x3FB7];
	_ =	sdelay $0x3  }
0x36: {  	p1 =	seq.s32 s10, $0x1;
	s10 =	sld [smem:$0x3FB8];
	_ =	sdelay $0x3  }
0x37: {  	[smem:$0x3FB8] =	sst s10  }
0x38: {  	s10 =	sld [smem:$0x3FB9]  }
0x39: {  	_ = 	snop;
	(pc) =	sbr.ind lr, $3  }
0x3a: {  	_ = 	snop  }
0x3b: {  	_ = 	snop  }
0x3c: {  	p2 =	seq.s32 s10, $0x1;
	s10 =	sld [smem:$0x3FB8]  }
0x3d: {  	_ =	shalt  }
0x3e: {  	_ =	shalt  }
0x3f: {  	_ =	shalt  }
0x40: {  	_ =	shalt  }
0x41: {  	_ =	shalt  }
0x42: {  	_ =	shalt  }
0x43: {  	_ =	shalt  }
0x44: {  	_ =	shalt  }
0x45: {  	_ =	shalt  }
0x46: {  	_ =	shalt  }
0x47: {  	_ =	shalt  }
0x48: {  	_ =	shalt  }
0x49: {  	_ =	shalt  }
0x4a: {  	_ =	shalt  }
0x4b: {  	_ =	shalt  }
0x4c: {  	_ =	shalt  }
0x4d: {  	_ =	shalt  }
0x4e: {  	_ =	shalt  }
0x4f: {  	_ =	shalt  }
0x50: {  	_ =	shalt  }
0x51: {  	_ =	shalt  }
0x52: {  	_ =	shalt  }
0x53: {  	_ =	shalt  }
0x54: {  	_ =	shalt  }
0x55: {  	_ =	shalt  }
0x56: {  	_ =	shalt  }
0x57: {  	_ =	shalt  }
0x58: {  	_ =	shalt  }
0x59: {  	_ =	shalt  }
0x5a: {  	_ =	shalt  }
0x5b: {  	_ =	shalt  }
0x5c: {  	_ =	shalt  }
0x5d: {  	_ =	shalt  }
0x5e: {  	_ =	shalt  }
0x5f: {  	_ =	shalt  }
0x60: {  	_ =	shalt  }
0x61: {  	_ =	shalt  }
0x62: {  	_ =	shalt  }
0x63: {  	_ =	shalt  }
0x64: {  	_ =	shalt  }
0x65: {  	_ =	shalt  }
0x66: {  	_ =	shalt  }
0x67: {  	_ =	shalt  }
0x68: {  	_ =	shalt  }
0x69: {  	_ =	shalt  }
0x6a: {  	_ =	shalt  }
0x6b: {  	_ =	shalt  }
0x6c: {  	_ =	shalt  }
0x6d: {  	_ =	shalt  }
0x6e: {  	_ =	shalt  }
0x6f: {  	_ =	shalt  }
0x70: {  	_ =	shalt  }
0x71: {  	_ =	shalt  }
0x72: {  	_ =	shalt  }
0x73: {  	_ =	shalt  }
0x74: {  	_ =	shalt  }
0x75: {  	_ =	shalt  }
0x76: {  	_ =	shalt  }
0x77: {  	_ =	shalt  }
0x78: {  	_ =	shalt  }
0x79: {  	_ =	shalt  }
0x7a: {  	_ =	shalt  }
0x7b: {  	_ =	shalt  }
0x7c: {  	_ =	shalt  }
0x7d: {  	_ =	shalt  }
0x7e: {  	_ =	shalt  }
0x7f: {  	_ =	shalt  }
0x80: {  	_ =	shalt  }
0x81: {  	_ =	shalt  }
0x82: {  	_ =	shalt  }
0x83: {  	_ =	shalt  }
0x84: {  	_ =	shalt  }
0x85: {  	_ =	shalt  }
0x86: {  	_ =	shalt  }
0x87: {  	_ =	shalt  }
.Lfunc_end0:
.L_simem_size_0:
called_computation_lowered:
.L_overlay_start_0:
0x88: {  	s2 =	sld [smem:$0x3FD9]  }
0x89: {  	s3 =	sld [smem:$0x3FFE];
	_ =	sdelay $0x1  }
0x8a: {  	s1 =	srdreg.scid  }
0x8b: {  	s0 =	sand.u32 $0x1, s1  }
0x8c: {  	s17 =	sshll.u32 s0, $0xA;
	s2 =	sadd.s32 s3, s2  }
0x8d: {  	s2 =	sadd.s32 s2, s17  }
0x8e: {  	[smem:$0x3FC4] =	sst s2  }
0x8f: {  	_ = 	snop  }
0x90: {  	s2 =	sld [smem:$0x3FC9]  }
0x91: {  	s18 =	sld [smem:$0x3FC8]  }
0x92: {  	s4 =	sld [smem:$0x3FC7]  }
0x93: {  	s5 =	sld [smem:$0x3FC6];
	(tm) =	ssettm $0x1  }
0x94: {  	s6 =	sld [smem:$0x3FFB];
	_ =	sdelay $0x3  }
0x95: {  	_ =	strace s6  }
0x96: {  	s6 =	sld [smem:$0x3FFC];
	_ =	sdelay $0x3  }
0x97: {  	_ =	strace s6  }
0x98: {  	s6 =	sld [smem:$0x3FFD];
	_ =	sdelay $0x3  }
0x99: {  	_ =	strace s6  }
0x9a: {  	_ =	strace $0x8FFFFFFF  }
0x9b: {  	s19 =	sld [smem:$0x3FDB];
	_ =	sdelay $0x1  }
0x9c: {  	s7 =	simm.s32 $_scs_section_size  }
0x9d: {  	s8 =	simm.s32 $_size__tile_overlayer_lowered;
	s9 =	simm.s32 $_tile_overlayer_lowered  }
0x9e: {  	s22 =	simm.s32 $0x1BFF;
	s21 =	sshll.u32 s9, $0x1;
	s6 =	sadd.s32 s7, s19  }
0x9f: {  	s10 =	simm.s32 $0x0;
	s20 =	sshll.u32 s8, $0x1;
	s8 =	sadd.s32 s21, s6  }
0xa0: {  	[timem:s10], [sflag:s22] =	dma.local [hbm:s8], s20  }
0xa1: {  	_ =	swait.ge [sflag:s22], s20  }
0xa2: {  	s7 =	ssub.s32 $0x0, s20;
	[sflag:s22] =	ssyncset.done $0x0  }
0xa3: {  	[sflag:s22] =	ssyncadd.s32 s7;
	_ =	sdelay $0x1  }
0xa4: {  	s23 =	simm.s32 $0x1B8B  }
0xa5: {  	_ =	swait.ge [sflag:s23], $0x1  }
0xa6: {  	[sflag:s23] =	ssyncset.done $0x0  }
0xa7: {  	s25 =	simm.s32 $0x1B8E;
	s24 =	sld [smem:$0x3FFE];
	[sflag:s23] =	ssyncadd.s32 $0xFFFFFFFF  }
0xa8: {  	s26 =	simm.s32 $execute0_lowered;
	[smem:$0x3FD2] =	sst s25  }
0xa9: {  	s8 =	sshll.u32 s26, $0x1;
	_ =	strace $0x80000046;
	[dreg:$0x1] =	wrdreg $0xFFFFFFFF  }
0xaa: {  	s28 =	simm.s32 $_size_execute0_lowered;
	s6 =	sadd.s32 s6, s8;
	[dreg:$0x0] =	wrdreg $0x0  }
0xab: {  	s8 =	sshll.u32 s28, $0x1;
	[dreg:$0x2] =	wrdreg s6  }
0xac: {  	[dreg:$0x3] =	wrdreg s8  }
0xad: {  	[dreg:$0x4] =	wrdreg $0xC0  }
0xae: {  	_ =	task [dreg:s10], $0x5FFFF  }
0xaf: {  	[dreg:$0x1] =	wrdreg $0xFFFFFFFF  }
0xb0: {  	[dreg:$0x0] =	wrdreg $0x60  }
0xb1: {  	[dreg:$0x2] =	wrdreg s2  }
0xb2: {  	[dreg:$0x3] =	wrdreg s18  }
0xb3: {  	[dreg:$0x4] =	wrdreg s4  }
0xb4: {  	[dreg:$0x5] =	wrdreg s5  }
0xb5: {  	[dreg:$0x6] =	wrdreg s24  }
0xb6: {  	[dreg:$0x7] =	wrdreg $0x9  }
0xb7: {  	_ =	task.clear_ibuf [dreg:s10], $0x8FFFF;
	_ =	strace $0x90000046  }
0xb8: {  	s29 =	simm.s32 $0x9;
	_ =	strace $0x80000048  }
0xb9: {  	_ =	swait.ge [sflag:s29], $0x1  }
0xba: {  	[sflag:s29] =	ssyncadd.s32 $0xFFFFFFFF  }
0xbb: {  	_ =	strace $0x90000048  }
0xbc: {  	_ =	sfence  }
0xbd: {  	s30 =	sld [smem:$0x0];
	_ =	sdelay $0x2  }
0xbe: {  	s31 =	sshll.u32 s1, $0xD;
	s1 =	sshrl.u32 s1, $0x2  }
0xbf: {  	s3 =	sand.u32 $0x4000, s31;
	s1 =	sadd.s32 s1, s30  }
0xc0: {  	s0 =	sor.u32 s3, s0;
	s1 =	sshll.u32 s1, $0x11  }
0xc1: {  	s0 =	sor.u32 s1, s0  }
0xc2: {  	s0 =	sadd.s32 $0x8F2B, s0  }
0xc3: {  	[sflag:s0] =	ssyncadd.remote.s32 $0x1  }
0xc4: {  	_ =	sfence.sel $0xFFFF  }
0xc5: {  	[dreg:$0x0] =	wrdreg $0xFFFFFFFF;
	(pc) =	sbr.abs _section_cstart, $3  }
0xc6: {  	[dreg:$0x1] =	wrdreg $0xFFFFFFFF  }
0xc7: {  	_ =	task.clear_ibuf [dreg:s10], $0x2FFFF;
	_ =	strace $0x9FFFFFFF  }
0xc8: {  	(tm) =	ssettm $0x7FFFFFFF  }
0xc9: {  	_ =	shalt  }
tec
execute0_lowered:
.L_overlay_start_1:
0x0: {  	(tag) =	ssettag $0x1  }
0x1: {  	s3 =	rddreg [dreg:$0x0]  }
0x2: {  	s1 =	rddreg [dreg:$0x1]  }
0x3: {  	s0 =	srdreg.scid;
	s2 =	rddreg [dreg:$0x2]  }
0x4: {  	s12 =	stileid.u32;
	s16 =	rddreg [dreg:$0x4]  }
0x5: {  	s20 =	simm.s32 $0x80;
	s21 =	simm.s32 $0x400;
	s22 =	simm.s32 $0x2  }
0x6: {  	s23 =	simm.s32 $0x1;
	s24 =	simm.s32 $0x3;
	s26 =	simm.s32 $0x4  }
0x7: {  	s29 =	simm.s32 $0x0;
	s0 =	sand.u32 $0x1, s0;
	s28 =	sshll.u32 s12, $0x8  }
0x8: {  	s9 =	sadd.s32 $0x200, s1;
	s10 =	sadd.s32 $0x400, s2;
	s4 =	sshll.u32 s0, $0x4  }
0x9: {  	s13 =	sadd.s32 $0x600, s2;
	s15 =	sadd.s32 $0x600, s1;
	s11 =	sor.u32 s12, s4  }
0xa: {  	s7 =	sand.u32 $0x300, s28;
	s0 =	ssub.s32 $0x2, s0;
	s5 =	sshrl.u32 s11, $0x2  }
0xb: {  	s4 =	rddreg [dreg:$0x3];
	s30 =	sshrl.u32 s0, $0x1;
	s6 =	smul.u32 $0xC3800, s5  }
0xc: {  	s12 =	sshll.u32 s12, $0x4;
	s0 =	ssub.s32 s0, s30;
	s8 =	sadd.s32 $0x200, s4  }
0xd: {  	s31 =	sshll.u32 s11, $0x4;
	s11 =	sadd.s32 $0x400, s4;
	s6 =	sor.u32 s7, s6  }
0xe: {  	s14 =	sand.u32 $0x70, s12;
	s12 =	sadd.s32 $0x400, s1;
	s6 =	sshrl.u32 s6, $0x3  }
0xf: {  	s5 =	simm.s32 $0x0;
	s6 =	sadd.s32 s3, s6;
	s3 =	sand.u32 $0x180, s31  }
0x10: {  	s19 =	smax.u32 s0, $0x1;
	[smem:$0x7FF] =	sst s5;
	s3 =	sor.u32 s14, s3  }
0x11: {  	_ =	strace $0x80000047;
	s7 =	sadd.s32 $0x200, s2;
	s16 =	sadd.s32 s16, s3  }
0x12: {  	v0 =	vimm.f32 $0.0e+00;
	s14 =	sadd.s32 $0x600, s4;
	s17 =	sadd.s32 $0x10, s6;
	s18 =	sadd.s32 $0x200, s16  }
.LBB2_1:
0x13: {  	[tilespmem:s5], [sflag:$0x1] =	stream.strided.gather [hbm4b:s6+s20], $0x18700, s21, s20, $0x38;
	[tilespmem:$0x1E800] =	vst v63  }
0x14: {  	s3 =	simm.s32 $0x18700;
	s25 =	simm.s32 $0x0  }
.LBB2_2:
0x15: {  	p0 =	sne.s32 s25, $0x1F0  }
.Ltmp0:
0x16: {  	_ = 	snop;
	(pc) =	sbr.rel @p0 .LBB2_2-.Ltmp0, $4  }
0x17: {  	_ = 	snop  }
0x18: {  	s28 =	sadd.s32 s25, s2;
	s0 =	simm.s32 $0x0  }
0x19: {  	[tilespmem:s3], [sflag:$0x2] =	stream.linear.gather [hbm4b:s28+s0], $0x80, $0x38;
	[tilespmem:$0x1E800] =	vst v63  }
0x1a: {  	s25 =	sadd.s32 $0x10, s25;
	s3 =	sadd.s32 $0x100, s3  }
0x1b: {  	s3 =	simm.s32 $0x1A700;
	s25 =	simm.s32 $0x0  }
.LBB2_4:
0x1c: {  	p0 =	sne.s32 s25, $0x1F0  }
.Ltmp1:
0x1d: {  	_ = 	snop;
	(pc) =	sbr.rel @p0 .LBB2_4-.Ltmp1, $4  }
0x1e: {  	_ = 	snop  }
0x1f: {  	s28 =	sadd.s32 s25, s4  }
0x20: {  	[tilespmem:s3], [sflag:$0x2] =	stream.linear.gather [hbm4b:s28+s0], $0x80, $0x38;
	[tilespmem:$0x1E800] =	vst v63  }
0x21: {  	s25 =	sadd.s32 $0x10, s25;
	s3 =	sadd.s32 $0x100, s3  }
0x22: {  	s0 =	simm.s32 $0x1C700  }
0x23: {  	s3 =	simm.s32 $0x10;
	s28 =	sadd.s32 $0x0, s1;
	s25 =	simm.s32 $0x1C800  }
.LBB2_6:
0x24: {  	[tilespmem:s0], [sflag:$0x2] =	stream.linear.gather [hbm4b:s28+s5], $0x80, $0x38;
	[tilespmem:$0x1E800] =	vst v63  }
0x25: {  	s28 =	smov.u32 s3;
	s0 =	smov.u32 s25;
	p0 =	sne.s32 s3, $0x1F0  }
.Ltmp2:
0x26: {  	s3 =	sadd.s32 $0x10, s3;
	(pc) =	sbr.rel @p0 .LBB2_6-.Ltmp2, $2  }
0x27: {  	_ =	sdelay $0x2  }
0x28: {  	s25 =	sadd.s32 $0x100, s25;
	s28 =	sadd.s32 s28, s1  }
0x29: {  	[tilespmem:s0], [sflag:$0x2] =	stream.linear.gather [hbm4b:s28+s5], $0x80, $0x38;
	[tilespmem:$0x1E800] =	vst v63  }
0x2a: {  	s0 =	simm.s32 $0x18780  }
0x2b: {  	s3 =	simm.s32 $0x10;
	s28 =	sadd.s32 $0x0, s7;
	s25 =	simm.s32 $0x18880  }
.LBB2_8:
0x2c: {  	[tilespmem:s0], [sflag:$0x3] =	stream.linear.gather [hbm4b:s28+s5], $0x80, $0x38;
	[tilespmem:$0x1E800] =	vst v63  }
0x2d: {  	s28 =	smov.u32 s3;
	s0 =	smov.u32 s25;
	p0 =	sne.s32 s3, $0x1F0  }
.Ltmp3:
0x2e: {  	s3 =	sadd.s32 $0x10, s3;
	(pc) =	sbr.rel @p0 .LBB2_8-.Ltmp3, $2  }
0x2f: {  	_ =	sdelay $0x2  }
0x30: {  	s25 =	sadd.s32 $0x100, s25;
	s28 =	sadd.s32 s28, s7  }
0x31: {  	[tilespmem:s0], [sflag:$0x3] =	stream.linear.gather [hbm4b:s28+s5], $0x80, $0x38;
	[tilespmem:$0x1E800] =	vst v63  }
0x32: {  	s0 =	simm.s32 $0x1A780  }
0x33: {  	s3 =	simm.s32 $0x10;
	s28 =	sadd.s32 $0x0, s8;
	s25 =	simm.s32 $0x1A880  }
.LBB2_10:
0x34: {  	[tilespmem:s0], [sflag:$0x3] =	stream.linear.gather [hbm4b:s28+s5], $0x80, $0x38;
	[tilespmem:$0x1E800] =	vst v63  }
0x35: {  	s28 =	smov.u32 s3;
	s0 =	smov.u32 s25;
	p0 =	sne.s32 s3, $0x1F0  }
.Ltmp4:
0x36: {  	s3 =	sadd.s32 $0x10, s3;
	(pc) =	sbr.rel @p0 .LBB2_10-.Ltmp4, $2  }
0x37: {  	_ =	sdelay $0x2  }
0x38: {  	s25 =	sadd.s32 $0x100, s25;
	s28 =	sadd.s32 s28, s8  }
0x39: {  	[tilespmem:s0], [sflag:$0x3] =	stream.linear.gather [hbm4b:s28+s5], $0x80, $0x38;
	[tilespmem:$0x1E800] =	vst v63  }
0x3a: {  	s0 =	simm.s32 $0x1C780  }
0x3b: {  	s3 =	simm.s32 $0x10;
	s28 =	sadd.s32 $0x0, s9;
	s25 =	simm.s32 $0x1C880  }
.LBB2_12:
0x3c: {  	[tilespmem:s0], [sflag:$0x3] =	stream.linear.gather [hbm4b:s28+s5], $0x80, $0x38;
	[tilespmem:$0x1E800] =	vst v63  }
0x3d: {  	s28 =	smov.u32 s3;
	s0 =	smov.u32 s25;
	p0 =	sne.s32 s3, $0x1F0  }
.Ltmp5:
0x3e: {  	s3 =	sadd.s32 $0x10, s3;
	(pc) =	sbr.rel @p0 .LBB2_12-.Ltmp5, $2  }
0x3f: {  	_ =	sdelay $0x2  }
0x40: {  	s25 =	sadd.s32 $0x100, s25;
	s28 =	sadd.s32 s28, s9  }
0x41: {  	[tilespmem:s0], [sflag:$0x3] =	stream.linear.gather [hbm4b:s28+s5], $0x80, $0x38;
	[tilespmem:$0x1E800] =	vst v63  }
0x42: {  	_ =	swait.ge [sflag:s22], $0x1000  }
0x43: {  	[sflag:s22] =	ssyncset.done $0x0  }
0x44: {  	[sflag:s22] =	ssyncadd.s32 $0xFFFFF000  }
0x45: {  	_ =	swait.ge [sflag:s22], $0x1000  }
0x46: {  	[sflag:s22] =	ssyncset.done $0x0  }
0x47: {  	[sflag:s22] =	ssyncadd.s32 $0xFFFFF000  }
0x48: {  	_ =	swait.ge [sflag:s22], $0x1000  }
0x49: {  	[sflag:s22] =	ssyncset.done $0x0  }
0x4a: {  	[sflag:s22] =	ssyncadd.s32 $0xFFFFF000  }
0x4b: {  	_ =	swait.ge [sflag:s23], $0x18700  }
0x4c: {  	[sflag:s23] =	ssyncset.done $0x0  }
0x4d: {  	s3 =	simm.s32 $0x1C740;
	[sflag:s23] =	ssyncadd.s32 $0xFFFE7900  }
0x4e: {  	s30 =	simm.s32 $0x18740;
	v5 =	vld [tilespmem:s3+$0x20]  }
0x4f: {  	s31 =	simm.s32 $0x1A740;
	v1 =	vld [tilespmem:s30+$0x20]  }
0x50: {  	v2 =	vld [tilespmem:s31+$0x20]  }
0x51: {  	v3 =	vld [tilespmem:s30+$0x30]  }
0x52: {  	v4 =	vld [tilespmem:s31+$0x30]  }
0x53: {  	v6 =	vld [tilespmem:s30+$0x0]  }
0x54: {  	v7 =	vld [tilespmem:s31+$0x0]  }
0x55: {  	v8 =	vld [tilespmem:s30+$0x10]  }
0x56: {  	v9 =	vld [tilespmem:s31+$0x10]  }
0x57: {  	v10 =	vld [tilespmem:s31+$0xFFFFFFE0]  }
0x58: {  	v11 =	vld [tilespmem:s31+$0xFFFFFFF0]  }
0x59: {  	v12 =	vld [tilespmem:s30+$0xFFFFFFE0]  }
0x5a: {  	v14 =	vld [tilespmem:s30+$0xFFFFFFF0]  }
0x5b: {  	v15 =	vld [tilespmem:s31+$0xFFFFFFC0]  }
0x5c: {  	v16 =	vld [tilespmem:s31+$0xFFFFFFD0]  }
0x5d: {  	v18 =	vld [tilespmem:s30+$0xFFFFFFC0]  }
0x5e: {  	v19 =	vld [tilespmem:s30+$0xFFFFFFD0]  }
0x5f: {  	v21 =	vld.idx.msk [tilespmem:v1+s5+$0x0], $0xffff  }
0x60: {  	v1 =	vld.idx.msk [tilespmem:v2+s5+$0x0], $0xffff  }
0x61: {  	v23 =	vld.idx.msk [tilespmem:v3+s5+$0x0], $0xffff  }
0x62: {  	v3 =	vld.idx.msk [tilespmem:v4+s5+$0x0], $0xffff  }
0x63: {  	v6 =	vld.idx.msk [tilespmem:v6+s5+$0x0], $0xffff  }
0x64: {  	v7 =	vld.idx.msk [tilespmem:v7+s5+$0x0], $0xffff  }
0x65: {  	v25 =	vld.idx.msk [tilespmem:v8+s5+$0x0], $0xffff  }
0x66: {  	v26 =	vld.idx.msk [tilespmem:v9+s5+$0x0], $0xffff  }
0x67: {  	v31 =	vld.idx.msk [tilespmem:v10+s5+$0x0], $0xffff  }
0x68: {  	v10 =	vld.idx.msk [tilespmem:v11+s5+$0x0], $0xffff  }
0x69: {  	v13 =	vld.idx.msk [tilespmem:v12+s5+$0x0], $0xffff  }
0x6a: {  	v12 =	vld.idx.msk [tilespmem:v14+s5+$0x0], $0xffff  }
0x6b: {  	v20 =	vld.idx.msk [tilespmem:v15+s5+$0x0], $0xffff  }
0x6c: {  	v17 =	vld.idx.msk [tilespmem:v16+s5+$0x0], $0xffff  }
0x6d: {  	v16 =	vld.idx.msk [tilespmem:v18+s5+$0x0], $0xffff  }
0x6e: {  	v14 =	vimm.f32 $0.0e+00;
	v22 =	vld.idx.msk [tilespmem:v19+s5+$0x0], $0xffff;
	v4 =	vand.u32 $0x7FFFFFFF, v21;
	v2 =	vand.u32 $0x7FFFFFFF, v23  }
0x6f: {  	v24 =	vld [tilespmem:s3+$0x30];
	v8 =	vand.u32 $0x7FFFFFFF, v7;
	v9 =	vand.u32 $0x7FFFFFFF, v26;
	v18 =	vmul.f32 v1, v21  }
0x70: {  	v30 =	vld [tilespmem:s3+$0x0];
	v33 =	vmul.f32 v7, v6;
	v11 =	vand.u32 $0x7FFFFFFF, v6;
	v34 =	vmul.f32 v3, v23  }
0x71: {  	v29 =	vld [tilespmem:s3+$0xFFFFFFE0];
	v27 =	vmul.f32 v31, v13;
	v28 =	vmul.f32 v26, v25;
	v15 =	vand.u32 $0x7FFFFFFF, v25  }
0x72: {  	v23 =	vld [tilespmem:s3+$0x10];
	v25 =	vmul.f32 v20, v16;
	v19 =	vand.u32 $0x7FFFFFFF, v31;
	v21 =	vmul.f32 v10, v12  }
0x73: {  	v32 =	vld [tilespmem:s3+$0xFFFFFFD0];
	v35 =	vand.u32 $0x7FFFFFFF, v16;
	v31 =	vmul.f32 v17, v22;
	v6 =	vimm.f32 $0.0e+00  }
0x74: {  	s0 =	simm.s32 $0x0;
	s25 =	simm.s32 $0x1C840;
	v26 =	vld [tilespmem:s3+$0xFFFFFFC0];
	v16 =	vsub.f32 v5, v18;
	v18 =	vimm.f32 $0.0e+00;
	v5 =	vimm.f32 $0.0e+00  }
.LBB2_14:
0x75: {  	v7 =	vld [tilespmem:s25+$0x20];
	v22 =	vand.u32 $0x7FFFFFFF, v22;
	v30 =	vsub.f32 v30, v33;
	v24 =	vsub.f32 v24, v34  }
0x76: {  	v14 =	vadd.f32 v35, v14;
	v20 =	vand.u32 $0x7FFFFFFF, v20;
	s30 =	sadd.s32 $0x100, s30;
	v18 =	vadd.f32 v22, v18;
	v22 =	vld [tilespmem:s3+$0xFFFFFFF0];
	s3 =	smov.u32 s25  }
0x77: {  	v17 =	vand.u32 $0x7FFFFFFF, v17;
	s31 =	sadd.s32 $0x100, s31;
	v23 =	vsub.f32 v23, v28;
	v33 =	vld [tilespmem:s30+$0x20];
	v27 =	vsub.f32 v29, v27  }
0x78: {  	v13 =	vand.u32 $0x7FFFFFFF, v13;
	v14 =	vadd.f32 v20, v14;
	v28 =	vld [tilespmem:s31+$0x20];
	v17 =	vadd.f32 v17, v18  }
0x79: {  	v12 =	vand.u32 $0x7FFFFFFF, v12;
	v18 =	vsub.f32 v26, v25;
	v20 =	vld [tilespmem:s30+$0x30];
	v25 =	vsub.f32 v32, v31  }
0x7a: {  	v10 =	vand.u32 $0x7FFFFFFF, v10;
	v13 =	vadd.f32 v13, v14;
	v26 =	vld [tilespmem:s31+$0x30];
	v12 =	vadd.f32 v12, v17  }
0x7b: {  	v14 =	vmul.f32 v18, v18;
	v17 =	vld [tilespmem:s30+$0x0];
	v18 =	vmul.f32 v25, v25;
	v21 =	vsub.f32 v22, v21  }
0x7c: {  	v25 =	vmul.f32 v27, v27;
	v13 =	vadd.f32 v19, v13;
	v22 =	vld [tilespmem:s31+$0x0];
	v10 =	vadd.f32 v10, v12  }
0x7d: {  	v5 =	vadd.f32 v14, v5;
	v12 =	vld [tilespmem:s30+$0x10];
	v6 =	vadd.f32 v18, v6;
	v14 =	vmul.f32 v21, v21  }
0x7e: {  	v18 =	vmul.f32 v30, v30;
	v11 =	vadd.f32 v11, v13;
	v19 =	vld [tilespmem:s31+$0x10];
	v10 =	vadd.f32 v15, v10  }
0x7f: {  	v5 =	vadd.f32 v25, v5;
	v13 =	vld [tilespmem:s31+$0xFFFFFFE0];
	v6 =	vadd.f32 v14, v6;
	v14 =	vmul.f32 v23, v23  }
0x80: {  	v8 =	vadd.f32 v8, v11;
	v15 =	vld [tilespmem:s31+$0xFFFFFFF0];
	v9 =	vadd.f32 v9, v10;
	v10 =	vmul.f32 v16, v16  }
0x81: {  	v5 =	vadd.f32 v18, v5;
	v11 =	vld [tilespmem:s30+$0xFFFFFFE0];
	v6 =	vadd.f32 v14, v6;
	v14 =	vmul.f32 v24, v24  }
0x82: {  	v1 =	vand.u32 $0x7FFFFFFF, v1;
	v4 =	vadd.f32 v4, v8;
	v16 =	vld [tilespmem:s30+$0xFFFFFFF0];
	v2 =	vadd.f32 v2, v9  }
0x83: {  	v3 =	vand.u32 $0x7FFFFFFF, v3;
	v5 =	vadd.f32 v10, v5;
	v8 =	vld [tilespmem:s31+$0xFFFFFFC0];
	v6 =	vadd.f32 v14, v6  }
0x84: {  	v14 =	vadd.f32 v1, v4;
	v9 =	vld [tilespmem:s31+$0xFFFFFFD0];
	v18 =	vadd.f32 v3, v2  }
0x85: {  	v2 =	vld [tilespmem:s30+$0xFFFFFFC0]  }
0x86: {  	v4 =	vld [tilespmem:s30+$0xFFFFFFD0]  }
0x87: {  	v21 =	vld.idx.msk [tilespmem:v33+s5+$0x0], $0xffff  }
0x88: {  	v1 =	vld.idx.msk [tilespmem:v28+s5+$0x0], $0xffff  }
0x89: {  	v25 =	vld.idx.msk [tilespmem:v20+s5+$0x0], $0xffff  }
0x8a: {  	v3 =	vld.idx.msk [tilespmem:v26+s5+$0x0], $0xffff  }
0x8b: {  	v23 =	vld.idx.msk [tilespmem:v17+s5+$0x0], $0xffff  }
0x8c: {  	v26 =	vld.idx.msk [tilespmem:v22+s5+$0x0], $0xffff  }
0x8d: {  	v31 =	vld.idx.msk [tilespmem:v12+s5+$0x0], $0xffff  }
0x8e: {  	v19 =	vld.idx.msk [tilespmem:v19+s5+$0x0], $0xffff  }
0x8f: {  	s0 =	sadd.s32 $0x80, s0;
	v32 =	vld.idx.msk [tilespmem:v13+s5+$0x0], $0xffff  }
0x90: {  	p0 =	slt.u32 s0, $0xF80;
	v10 =	vld.idx.msk [tilespmem:v15+s5+$0x0], $0xffff  }
0x91: {  	v13 =	vld.idx.msk [tilespmem:v11+s5+$0x0], $0xffff  }
0x92: {  	v12 =	vld.idx.msk [tilespmem:v16+s5+$0x0], $0xffff  }
0x93: {  	v20 =	vld.idx.msk [tilespmem:v8+s5+$0x0], $0xffff  }
0x94: {  	v17 =	vld.idx.msk [tilespmem:v9+s5+$0x0], $0xffff  }
0x95: {  	v16 =	vld.idx.msk [tilespmem:v2+s5+$0x0], $0xffff  }
0x96: {  	v22 =	vld.idx.msk [tilespmem:v4+s5+$0x0], $0xffff  }
0x97: {  	v2 =	vand.u32 $0x7FFFFFFF, v25;
	v4 =	vand.u32 $0x7FFFFFFF, v21;
	v24 =	vld [tilespmem:s25+$0x30]  }
.Ltmp6:
0x98: {  	v36 =	vmul.f32 v1, v21;
	v8 =	vand.u32 $0x7FFFFFFF, v26;
	v9 =	vand.u32 $0x7FFFFFFF, v19;
	v30 =	vld [tilespmem:s25+$0x0];
	(pc) =	sbr.rel @p0 .LBB2_14-.Ltmp6, $4  }
0x99: {  	v34 =	vmul.f32 v3, v25;
	v33 =	vmul.f32 v26, v23;
	v11 =	vand.u32 $0x7FFFFFFF, v23;
	v23 =	vld [tilespmem:s25+$0x10]  }
0x9a: {  	v15 =	vand.u32 $0x7FFFFFFF, v31;
	v28 =	vmul.f32 v19, v31;
	v27 =	vmul.f32 v32, v13;
	v29 =	vld [tilespmem:s25+$0xFFFFFFE0]  }
0x9b: {  	v19 =	vand.u32 $0x7FFFFFFF, v32;
	v21 =	vmul.f32 v10, v12;
	v25 =	vmul.f32 v20, v16;
	v26 =	vld [tilespmem:s25+$0xFFFFFFC0]  }
0x9c: {  	v35 =	vand.u32 $0x7FFFFFFF, v16;
	v16 =	vsub.f32 v7, v36;
	v31 =	vmul.f32 v17, v22;
	s25 =	sadd.s32 $0x100, s25;
	v32 =	vld [tilespmem:s3+$0xFFFFFFD0]  }
0x9d: {  	v7 =	vand.u32 $0x7FFFFFFF, v22;
	v50 =	vsub.f32 v30, v33;
	v24 =	vsub.f32 v24, v34  }
0x9e: {  	v14 =	vadd.f32 v35, v14;
	v20 =	vand.u32 $0x7FFFFFFF, v20;
	v51 =	vld [tilespmem:s3+$0xFFFFFFF0];
	v7 =	vadd.f32 v7, v18  }
0x9f: {  	v17 =	vand.u32 $0x7FFFFFFF, v17;
	v23 =	vsub.f32 v23, v28;
	v27 =	vsub.f32 v29, v27  }
0xa0: {  	v13 =	vand.u32 $0x7FFFFFFF, v13;
	v14 =	vadd.f32 v20, v14;
	v7 =	vadd.f32 v17, v7  }
0xa1: {  	v12 =	vand.u32 $0x7FFFFFFF, v12;
	v52 =	vsub.f32 v26, v25;
	v53 =	vsub.f32 v32, v31  }
0xa2: {  	v10 =	vand.u32 $0x7FFFFFFF, v10;
	v13 =	vadd.f32 v13, v14;
	v7 =	vadd.f32 v12, v7  }
0xa3: {  	v54 =	vmul.f32 v52, v52;
	v56 =	vsub.f32 v51, v21;
	v55 =	vmul.f32 v53, v53  }
0xa4: {  	v57 =	vmul.f32 v27, v27;
	v13 =	vadd.f32 v19, v13;
	v7 =	vadd.f32 v10, v7  }
0xa5: {  	v5 =	vadd.f32 v54, v5;
	v58 =	vmul.f32 v56, v56;
	v6 =	vadd.f32 v55, v6  }
0xa6: {  	v59 =	vmul.f32 v50, v50;
	v11 =	vadd.f32 v11, v13;
	v7 =	vadd.f32 v15, v7  }
0xa7: {  	v60 =	vmul.f32 v23, v23;
	v5 =	vadd.f32 v57, v5;
	v6 =	vadd.f32 v58, v6  }
0xa8: {  	v61 =	vmul.f32 v16, v16;
	v8 =	vadd.f32 v8, v11;
	v7 =	vadd.f32 v9, v7  }
0xa9: {  	v62 =	vmul.f32 v24, v24;
	v5 =	vadd.f32 v59, v5;
	v6 =	vadd.f32 v60, v6  }
0xaa: {  	v63 =	vand.u32 $0x7FFFFFFF, v1;
	v4 =	vadd.f32 v4, v8;
	v7 =	vadd.f32 v2, v7  }
0xab: {  	v3 =	vand.u32 $0x7FFFFFFF, v3;
	s0 =	simm.s32 $0x18700;
	v1 =	vadd.f32 v61, v5;
	v2 =	vadd.f32 v62, v6  }
0xac: {  	s3 =	simm.s32 $0x10;
	s28 =	sadd.s32 $0x0, s10;
	s25 =	simm.s32 $0x18800;
	v5 =	vadd.f32 v63, v4;
	v3 =	vadd.f32 v3, v7  }
.LBB2_16:
0xad: {  	[tilespmem:s0], [sflag:$0x2] =	stream.linear.gather [hbm4b:s28+s5], $0x80, $0x38;
	[tilespmem:$0x1E800] =	vst v63  }
0xae: {  	s28 =	smov.u32 s3;
	s0 =	smov.u32 s25;
	p0 =	sne.s32 s3, $0x1F0  }
.Ltmp7:
0xaf: {  	s3 =	sadd.s32 $0x10, s3;
	(pc) =	sbr.rel @p0 .LBB2_16-.Ltmp7, $2  }
0xb0: {  	_ =	sdelay $0x2  }
0xb1: {  	s25 =	sadd.s32 $0x100, s25;
	s28 =	sadd.s32 s28, s10  }
0xb2: {  	[tilespmem:s0], [sflag:$0x2] =	stream.linear.gather [hbm4b:s28+s5], $0x80, $0x38;
	[tilespmem:$0x1E800] =	vst v63  }
0xb3: {  	s0 =	simm.s32 $0x1A700  }
0xb4: {  	s3 =	simm.s32 $0x10;
	s28 =	sadd.s32 $0x0, s11;
	s25 =	simm.s32 $0x1A800  }
.LBB2_18:
0xb5: {  	[tilespmem:s0], [sflag:$0x2] =	stream.linear.gather [hbm4b:s28+s5], $0x80, $0x38;
	[tilespmem:$0x1E800] =	vst v63  }
0xb6: {  	s28 =	smov.u32 s3;
	s0 =	smov.u32 s25;
	p0 =	sne.s32 s3, $0x1F0  }
.Ltmp8:
0xb7: {  	s3 =	sadd.s32 $0x10, s3;
	(pc) =	sbr.rel @p0 .LBB2_18-.Ltmp8, $2  }
0xb8: {  	_ =	sdelay $0x2  }
0xb9: {  	s25 =	sadd.s32 $0x100, s25;
	s28 =	sadd.s32 s28, s11  }
0xba: {  	[tilespmem:s0], [sflag:$0x2] =	stream.linear.gather [hbm4b:s28+s5], $0x80, $0x38;
	[tilespmem:$0x1E800] =	vst v63  }
0xbb: {  	s0 =	simm.s32 $0x1C700  }
0xbc: {  	s3 =	simm.s32 $0x10;
	s28 =	sadd.s32 $0x0, s12;
	s25 =	simm.s32 $0x1C800  }
.LBB2_20:
0xbd: {  	[tilespmem:s0], [sflag:$0x2] =	stream.linear.gather [hbm4b:s28+s5], $0x80, $0x38;
	[tilespmem:$0x1E800] =	vst v63  }
0xbe: {  	s28 =	smov.u32 s3;
	s0 =	smov.u32 s25;
	p0 =	sne.s32 s3, $0x1F0  }
.Ltmp9:
0xbf: {  	s3 =	sadd.s32 $0x10, s3;
	(pc) =	sbr.rel @p0 .LBB2_20-.Ltmp9, $2  }
0xc0: {  	_ =	sdelay $0x2  }
0xc1: {  	s25 =	sadd.s32 $0x100, s25;
	s28 =	sadd.s32 s28, s12  }
0xc2: {  	[tilespmem:s0], [sflag:$0x2] =	stream.linear.gather [hbm4b:s28+s5], $0x80, $0x38;
	[tilespmem:$0x1E800] =	vst v63  }
0xc3: {  	_ =	swait.ge [sflag:s24], $0x1000  }
0xc4: {  	[sflag:s24] =	ssyncset.done $0x0  }
0xc5: {  	[sflag:s24] =	ssyncadd.s32 $0xFFFFF000  }
0xc6: {  	_ =	swait.ge [sflag:s24], $0x1000  }
0xc7: {  	[sflag:s24] =	ssyncset.done $0x0  }
0xc8: {  	[sflag:s24] =	ssyncadd.s32 $0xFFFFF000  }
0xc9: {  	_ =	swait.ge [sflag:s24], $0x1000  }
0xca: {  	[sflag:s24] =	ssyncset.done $0x0  }
0xcb: {  	s3 =	simm.s32 $0x1C7F0;
	[sflag:s24] =	ssyncadd.s32 $0xFFFFF000  }
0xcc: {  	s30 =	simm.s32 $0x187F0;
	v9 =	vld [tilespmem:s3+$0xFFFFFFF0]  }
0xcd: {  	s0 =	simm.s32 $0x1A7F0;
	v4 =	vld [tilespmem:s30+$0xFFFFFFF0]  }
0xce: {  	v6 =	vld [tilespmem:s0+$0xFFFFFFF0]  }
0xcf: {  	v7 =	vld [tilespmem:s30+$0x0]  }
0xd0: {  	v8 =	vld [tilespmem:s0+$0x0]  }
0xd1: {  	v10 =	vld [tilespmem:s30+$0xFFFFFFD0]  }
0xd2: {  	v11 =	vld [tilespmem:s0+$0xFFFFFFD0]  }
0xd3: {  	v12 =	vld [tilespmem:s30+$0xFFFFFFE0]  }
0xd4: {  	v13 =	vld [tilespmem:s0+$0xFFFFFFE0]  }
0xd5: {  	v14 =	vld [tilespmem:s0+$0xFFFFFFB0]  }
0xd6: {  	v15 =	vld [tilespmem:s0+$0xFFFFFFC0]  }
0xd7: {  	v16 =	vld [tilespmem:s30+$0xFFFFFFB0]  }
0xd8: {  	v17 =	vld [tilespmem:s30+$0xFFFFFFC0]  }
0xd9: {  	v18 =	vld [tilespmem:s0+$0xFFFFFF90]  }
0xda: {  	v19 =	vld [tilespmem:s0+$0xFFFFFFA0]  }
0xdb: {  	v21 =	vld [tilespmem:s30+$0xFFFFFF90]  }
0xdc: {  	v22 =	vld [tilespmem:s30+$0xFFFFFFA0]  }
0xdd: {  	v24 =	vld [tilespmem:s3+$0x0]  }
0xde: {  	v23 =	vld.idx.msk [tilespmem:v4+s5+$0x0], $0xffff  }
0xdf: {  	v6 =	vld.idx.msk [tilespmem:v6+s5+$0x0], $0xffff  }
0xe0: {  	v25 =	vld.idx.msk [tilespmem:v7+s5+$0x0], $0xffff  }
0xe1: {  	v4 =	vld.idx.msk [tilespmem:v8+s5+$0x0], $0xffff  }
0xe2: {  	v26 =	vld.idx.msk [tilespmem:v10+s5+$0x0], $0xffff  }
0xe3: {  	v27 =	vld.idx.msk [tilespmem:v11+s5+$0x0], $0xffff  }
0xe4: {  	v31 =	vld.idx.msk [tilespmem:v12+s5+$0x0], $0xffff  }
0xe5: {  	v30 =	vld.idx.msk [tilespmem:v13+s5+$0x0], $0xffff  }
0xe6: {  	v32 =	vld.idx.msk [tilespmem:v14+s5+$0x0], $0xffff  }
0xe7: {  	v12 =	vld.idx.msk [tilespmem:v15+s5+$0x0], $0xffff  }
0xe8: {  	v15 =	vld.idx.msk [tilespmem:v16+s5+$0x0], $0xffff  }
0xe9: {  	v14 =	vld.idx.msk [tilespmem:v17+s5+$0x0], $0xffff  }
0xea: {  	v20 =	vld.idx.msk [tilespmem:v18+s5+$0x0], $0xffff  }
0xeb: {  	v18 =	vld.idx.msk [tilespmem:v19+s5+$0x0], $0xffff  }
0xec: {  	v17 =	vld.idx.msk [tilespmem:v21+s5+$0x0], $0xffff  }
0xed: {  	v22 =	vld.idx.msk [tilespmem:v22+s5+$0x0], $0xffff;
	v7 =	vand.u32 $0x7FFFFFFF, v23;
	v8 =	vand.u32 $0x7FFFFFFF, v25  }
0xee: {  	v28 =	vld [tilespmem:s3+$0xFFFFFFD0];
	v10 =	vand.u32 $0x7FFFFFFF, v27;
	v11 =	vand.u32 $0x7FFFFFFF, v30;
	v36 =	vmul.f32 v6, v23  }
0xef: {  	v33 =	vmul.f32 v27, v26;
	v13 =	vand.u32 $0x7FFFFFFF, v26;
	v23 =	vld [tilespmem:s3+$0xFFFFFFE0];
	v34 =	vmul.f32 v4, v25  }
0xf0: {  	v27 =	vld [tilespmem:s3+$0xFFFFFFB0];
	v29 =	vmul.f32 v32, v15;
	v30 =	vmul.f32 v30, v31;
	v16 =	vand.u32 $0x7FFFFFFF, v31  }
0xf1: {  	v25 =	vld [tilespmem:s3+$0xFFFFFF90];
	v26 =	vmul.f32 v20, v17;
	v19 =	vand.u32 $0x7FFFFFFF, v32;
	v21 =	vmul.f32 v12, v14  }
0xf2: {  	s31 =	simm.s32 $0x0;
	s25 =	simm.s32 $0x1C8F0;
	v35 =	vand.u32 $0x7FFFFFFF, v17;
	v31 =	vld [tilespmem:s3+$0xFFFFFFA0];
	v32 =	vmul.f32 v18, v22;
	v17 =	vsub.f32 v9, v36  }
.LBB2_22:
0xf3: {  	v9 =	vld [tilespmem:s25+$0xFFFFFFF0];
	v22 =	vand.u32 $0x7FFFFFFF, v22;
	v28 =	vsub.f32 v28, v33;
	v24 =	vsub.f32 v24, v34  }
0xf4: {  	v5 =	vadd.f32 v35, v5;
	v20 =	vand.u32 $0x7FFFFFFF, v20;
	s30 =	sadd.s32 $0x100, s30;
	v3 =	vadd.f32 v22, v3;
	v22 =	vld [tilespmem:s3+$0xFFFFFFC0];
	s3 =	smov.u32 s25  }
0xf5: {  	v18 =	vand.u32 $0x7FFFFFFF, v18;
	s0 =	sadd.s32 $0x100, s0;
	v23 =	vsub.f32 v23, v30;
	v33 =	vld [tilespmem:s30+$0xFFFFFFF0];
	v27 =	vsub.f32 v27, v29  }
0xf6: {  	v15 =	vand.u32 $0x7FFFFFFF, v15;
	v5 =	vadd.f32 v20, v5;
	v29 =	vld [tilespmem:s0+$0xFFFFFFF0];
	v3 =	vadd.f32 v18, v3  }
0xf7: {  	v14 =	vand.u32 $0x7FFFFFFF, v14;
	v20 =	vsub.f32 v25, v26;
	v18 =	vld [tilespmem:s30+$0x0];
	v25 =	vsub.f32 v31, v32  }
0xf8: {  	v12 =	vand.u32 $0x7FFFFFFF, v12;
	v5 =	vadd.f32 v15, v5;
	v26 =	vld [tilespmem:s0+$0x0];
	v3 =	vadd.f32 v14, v3  }
0xf9: {  	v15 =	vmul.f32 v20, v20;
	v14 =	vld [tilespmem:s30+$0xFFFFFFD0];
	v20 =	vmul.f32 v25, v25;
	v21 =	vsub.f32 v22, v21  }
0xfa: {  	v25 =	vmul.f32 v27, v27;
	v5 =	vadd.f32 v19, v5;
	v22 =	vld [tilespmem:s0+$0xFFFFFFD0];
	v3 =	vadd.f32 v12, v3  }
0xfb: {  	v1 =	vadd.f32 v15, v1;
	v12 =	vld [tilespmem:s30+$0xFFFFFFE0];
	v2 =	vadd.f32 v20, v2;
	v15 =	vmul.f32 v21, v21  }
0xfc: {  	v20 =	vmul.f32 v28, v28;
	v5 =	vadd.f32 v13, v5;
	v19 =	vld [tilespmem:s0+$0xFFFFFFE0];
	v3 =	vadd.f32 v16, v3  }
0xfd: {  	v1 =	vadd.f32 v25, v1;
	v13 =	vld [tilespmem:s0+$0xFFFFFFB0];
	v2 =	vadd.f32 v15, v2;
	v15 =	vmul.f32 v23, v23  }
0xfe: {  	v5 =	vadd.f32 v10, v5;
	v10 =	vmul.f32 v17, v17;
	v16 =	vld [tilespmem:s0+$0xFFFFFFC0];
	v3 =	vadd.f32 v11, v3  }
0xff: {  	v1 =	vadd.f32 v20, v1;
	v11 =	vld [tilespmem:s30+$0xFFFFFFB0];
	v2 =	vadd.f32 v15, v2;
	v15 =	vmul.f32 v24, v24  }
0x100: {  	v6 =	vand.u32 $0x7FFFFFFF, v6;
	v5 =	vadd.f32 v7, v5;
	v17 =	vld [tilespmem:s30+$0xFFFFFFC0];
	v3 =	vadd.f32 v8, v3  }
0x101: {  	v4 =	vand.u32 $0x7FFFFFFF, v4;
	v1 =	vadd.f32 v10, v1;
	v7 =	vld [tilespmem:s0+$0xFFFFFF90];
	v2 =	vadd.f32 v15, v2  }
0x102: {  	v5 =	vadd.f32 v6, v5;
	v8 =	vld [tilespmem:s0+$0xFFFFFFA0];
	v3 =	vadd.f32 v4, v3  }
0x103: {  	v10 =	vld [tilespmem:s30+$0xFFFFFF90]  }
0x104: {  	v21 =	vld [tilespmem:s30+$0xFFFFFFA0]  }
0x105: {  	v23 =	vld.idx.msk [tilespmem:v33+s5+$0x0], $0xffff  }
0x106: {  	v6 =	vld.idx.msk [tilespmem:v29+s5+$0x0], $0xffff  }
0x107: {  	v25 =	vld.idx.msk [tilespmem:v18+s5+$0x0], $0xffff  }
0x108: {  	v4 =	vld.idx.msk [tilespmem:v26+s5+$0x0], $0xffff  }
0x109: {  	v26 =	vld.idx.msk [tilespmem:v14+s5+$0x0], $0xffff  }
0x10a: {  	v27 =	vld.idx.msk [tilespmem:v22+s5+$0x0], $0xffff  }
0x10b: {  	v31 =	vld.idx.msk [tilespmem:v12+s5+$0x0], $0xffff  }
0x10c: {  	v19 =	vld.idx.msk [tilespmem:v19+s5+$0x0], $0xffff  }
0x10d: {  	s31 =	sadd.s32 $0x80, s31;
	v32 =	vld.idx.msk [tilespmem:v13+s5+$0x0], $0xffff  }
0x10e: {  	p0 =	slt.u32 s31, $0xF80;
	v12 =	vld.idx.msk [tilespmem:v16+s5+$0x0], $0xffff  }
0x10f: {  	v15 =	vld.idx.msk [tilespmem:v11+s5+$0x0], $0xffff  }
0x110: {  	v14 =	vld.idx.msk [tilespmem:v17+s5+$0x0], $0xffff  }
0x111: {  	v20 =	vld.idx.msk [tilespmem:v7+s5+$0x0], $0xffff  }
0x112: {  	v18 =	vld.idx.msk [tilespmem:v8+s5+$0x0], $0xffff  }
0x113: {  	v17 =	vld.idx.msk [tilespmem:v10+s5+$0x0], $0xffff  }
0x114: {  	v22 =	vld.idx.msk [tilespmem:v21+s5+$0x0], $0xffff  }
0x115: {  	v7 =	vand.u32 $0x7FFFFFFF, v23;
	v8 =	vand.u32 $0x7FFFFFFF, v25;
	v24 =	vld [tilespmem:s25+$0x0]  }
.Ltmp10:
0x116: {  	v36 =	vmul.f32 v6, v23;
	v11 =	vand.u32 $0x7FFFFFFF, v19;
	v10 =	vand.u32 $0x7FFFFFFF, v27;
	v28 =	vld [tilespmem:s25+$0xFFFFFFD0];
	(pc) =	sbr.rel @p0 .LBB2_22-.Ltmp10, $4  }
0x117: {  	v34 =	vmul.f32 v4, v25;
	v13 =	vand.u32 $0x7FFFFFFF, v26;
	v33 =	vmul.f32 v27, v26;
	v23 =	vld [tilespmem:s25+$0xFFFFFFE0]  }
0x118: {  	v16 =	vand.u32 $0x7FFFFFFF, v31;
	v30 =	vmul.f32 v19, v31;
	v29 =	vmul.f32 v32, v15;
	v27 =	vld [tilespmem:s25+$0xFFFFFFB0]  }
0x119: {  	v19 =	vand.u32 $0x7FFFFFFF, v32;
	v21 =	vmul.f32 v12, v14;
	v26 =	vmul.f32 v20, v17;
	v25 =	vld [tilespmem:s25+$0xFFFFFF90]  }
0x11a: {  	v35 =	vand.u32 $0x7FFFFFFF, v17;
	v17 =	vsub.f32 v9, v36;
	v32 =	vmul.f32 v18, v22;
	s25 =	sadd.s32 $0x100, s25;
	v31 =	vld [tilespmem:s3+$0xFFFFFFA0]  }
0x11b: {  	v9 =	vand.u32 $0x7FFFFFFF, v22;
	v53 =	vsub.f32 v28, v33;
	v24 =	vsub.f32 v24, v34  }
0x11c: {  	v5 =	vadd.f32 v35, v5;
	v20 =	vand.u32 $0x7FFFFFFF, v20;
	v54 =	vld [tilespmem:s3+$0xFFFFFFC0];
	v3 =	vadd.f32 v9, v3  }
0x11d: {  	v18 =	vand.u32 $0x7FFFFFFF, v18;
	v23 =	vsub.f32 v23, v30;
	v27 =	vsub.f32 v27, v29  }
0x11e: {  	v15 =	vand.u32 $0x7FFFFFFF, v15;
	v5 =	vadd.f32 v20, v5;
	v3 =	vadd.f32 v18, v3  }
0x11f: {  	v14 =	vand.u32 $0x7FFFFFFF, v14;
	v55 =	vsub.f32 v25, v26;
	v56 =	vsub.f32 v31, v32  }
0x120: {  	v12 =	vand.u32 $0x7FFFFFFF, v12;
	v5 =	vadd.f32 v15, v5;
	v3 =	vadd.f32 v14, v3  }
0x121: {  	v57 =	vmul.f32 v55, v55;
	v9 =	vsub.f32 v54, v21;
	v58 =	vmul.f32 v56, v56  }
0x122: {  	v59 =	vmul.f32 v27, v27;
	v5 =	vadd.f32 v19, v5;
	v3 =	vadd.f32 v12, v3  }
0x123: {  	v1 =	vadd.f32 v57, v1;
	v9 =	vmul.f32 v9, v9;
	v2 =	vadd.f32 v58, v2  }
0x124: {  	v60 =	vmul.f32 v53, v53;
	v5 =	vadd.f32 v13, v5;
	v3 =	vadd.f32 v16, v3  }
0x125: {  	v61 =	vmul.f32 v23, v23;
	v1 =	vadd.f32 v59, v1;
	v2 =	vadd.f32 v9, v2  }
0x126: {  	v62 =	vmul.f32 v17, v17;
	v5 =	vadd.f32 v10, v5;
	v3 =	vadd.f32 v11, v3  }
0x127: {  	v63 =	vmul.f32 v24, v24;
	v1 =	vadd.f32 v60, v1;
	v9 =	vadd.f32 v61, v2  }
0x128: {  	v6 =	vand.u32 $0x7FFFFFFF, v6;
	v5 =	vadd.f32 v7, v5;
	v3 =	vadd.f32 v8, v3  }
0x129: {  	s0 =	simm.s32 $0x18780;
	v7 =	vand.u32 $0x7FFFFFFF, v4;
	v2 =	vadd.f32 v62, v1;
	v1 =	vadd.f32 v63, v9  }
0x12a: {  	s3 =	simm.s32 $0x10;
	s28 =	sadd.s32 $0x0, s13;
	s25 =	simm.s32 $0x18880;
	v4 =	vadd.f32 v6, v5;
	v6 =	vadd.f32 v7, v3  }
.LBB2_24:
0x12b: {  	[tilespmem:s0], [sflag:$0x3] =	stream.linear.gather [hbm4b:s28+s5], $0x80, $0x38;
	[tilespmem:$0x1E800] =	vst v63  }
0x12c: {  	s28 =	smov.u32 s3;
	s0 =	smov.u32 s25;
	p0 =	sne.s32 s3, $0x1F0  }
.Ltmp11:
0x12d: {  	s3 =	sadd.s32 $0x10, s3;
	(pc) =	sbr.rel @p0 .LBB2_24-.Ltmp11, $2  }
0x12e: {  	_ =	sdelay $0x2  }
0x12f: {  	s25 =	sadd.s32 $0x100, s25;
	s28 =	sadd.s32 s28, s13  }
0x130: {  	[tilespmem:s0], [sflag:$0x3] =	stream.linear.gather [hbm4b:s28+s5], $0x80, $0x38;
	[tilespmem:$0x1E800] =	vst v63  }
0x131: {  	s0 =	simm.s32 $0x1A780  }
0x132: {  	s3 =	simm.s32 $0x10;
	s28 =	sadd.s32 $0x0, s14;
	s25 =	simm.s32 $0x1A880  }
.LBB2_26:
0x133: {  	[tilespmem:s0], [sflag:$0x3] =	stream.linear.gather [hbm4b:s28+s5], $0x80, $0x38;
	[tilespmem:$0x1E800] =	vst v63  }
0x134: {  	s28 =	smov.u32 s3;
	s0 =	smov.u32 s25;
	p0 =	sne.s32 s3, $0x1F0  }
.Ltmp12:
0x135: {  	s3 =	sadd.s32 $0x10, s3;
	(pc) =	sbr.rel @p0 .LBB2_26-.Ltmp12, $2  }
0x136: {  	_ =	sdelay $0x2  }
0x137: {  	s25 =	sadd.s32 $0x100, s25;
	s28 =	sadd.s32 s28, s14  }
0x138: {  	[tilespmem:s0], [sflag:$0x3] =	stream.linear.gather [hbm4b:s28+s5], $0x80, $0x38;
	[tilespmem:$0x1E800] =	vst v63  }
0x139: {  	s0 =	simm.s32 $0x1C780  }
0x13a: {  	s3 =	simm.s32 $0x10;
	s28 =	sadd.s32 $0x0, s15;
	s25 =	simm.s32 $0x1C880  }
.LBB2_28:
0x13b: {  	[tilespmem:s0], [sflag:$0x3] =	stream.linear.gather [hbm4b:s28+s5], $0x80, $0x38;
	[tilespmem:$0x1E800] =	vst v63  }
0x13c: {  	s28 =	smov.u32 s3;
	s0 =	smov.u32 s25;
	p0 =	sne.s32 s3, $0x1F0  }
.Ltmp13:
0x13d: {  	s3 =	sadd.s32 $0x10, s3;
	(pc) =	sbr.rel @p0 .LBB2_28-.Ltmp13, $2  }
0x13e: {  	_ =	sdelay $0x2  }
0x13f: {  	s25 =	sadd.s32 $0x100, s25;
	s28 =	sadd.s32 s28, s15  }
0x140: {  	[tilespmem:s0], [sflag:$0x3] =	stream.linear.gather [hbm4b:s28+s5], $0x80, $0x38;
	[tilespmem:$0x1E800] =	vst v63  }
0x141: {  	_ =	swait.ge [sflag:s22], $0x1000  }
0x142: {  	[sflag:s22] =	ssyncset.done $0x0  }
0x143: {  	[sflag:s22] =	ssyncadd.s32 $0xFFFFF000  }
0x144: {  	_ =	swait.ge [sflag:s22], $0x1000  }
0x145: {  	[sflag:s22] =	ssyncset.done $0x0  }
0x146: {  	[sflag:s22] =	ssyncadd.s32 $0xFFFFF000  }
0x147: {  	_ =	swait.ge [sflag:s22], $0x1000  }
0x148: {  	[sflag:s22] =	ssyncset.done $0x0  }
0x149: {  	s3 =	simm.s32 $0x1C740;
	[sflag:s22] =	ssyncadd.s32 $0xFFFFF000  }
0x14a: {  	s30 =	simm.s32 $0x18740;
	v15 =	vld [tilespmem:s3+$0x20]  }
0x14b: {  	s0 =	simm.s32 $0x1A740;
	v3 =	vld [tilespmem:s30+$0x20]  }
0x14c: {  	v5 =	vld [tilespmem:s0+$0x20]  }
0x14d: {  	v7 =	vld [tilespmem:s30+$0x30]  }
0x14e: {  	v8 =	vld [tilespmem:s0+$0x30]  }
0x14f: {  	v9 =	vld [tilespmem:s30+$0x0]  }
0x150: {  	v10 =	vld [tilespmem:s0+$0x0]  }
0x151: {  	v11 =	vld [tilespmem:s30+$0x10]  }
0x152: {  	v12 =	vld [tilespmem:s0+$0x10]  }
0x153: {  	v13 =	vld [tilespmem:s0+$0xFFFFFFE0]  }
0x154: {  	v14 =	vld [tilespmem:s0+$0xFFFFFFF0]  }
0x155: {  	v16 =	vld [tilespmem:s30+$0xFFFFFFE0]  }
0x156: {  	v18 =	vld [tilespmem:s30+$0xFFFFFFF0]  }
0x157: {  	v19 =	vld [tilespmem:s0+$0xFFFFFFC0]  }
0x158: {  	v21 =	vld [tilespmem:s0+$0xFFFFFFD0]  }
0x159: {  	v22 =	vld [tilespmem:s30+$0xFFFFFFC0]  }
0x15a: {  	v23 =	vld [tilespmem:s30+$0xFFFFFFD0]  }
0x15b: {  	v25 =	vld [tilespmem:s3+$0x30]  }
0x15c: {  	v24 =	vld.idx.msk [tilespmem:v3+s5+$0x0], $0xffff  }
0x15d: {  	v5 =	vld.idx.msk [tilespmem:v5+s5+$0x0], $0xffff  }
0x15e: {  	v26 =	vld.idx.msk [tilespmem:v7+s5+$0x0], $0xffff  }
0x15f: {  	v3 =	vld.idx.msk [tilespmem:v8+s5+$0x0], $0xffff  }
0x160: {  	v27 =	vld.idx.msk [tilespmem:v9+s5+$0x0], $0xffff  }
0x161: {  	v28 =	vld.idx.msk [tilespmem:v10+s5+$0x0], $0xffff  }
0x162: {  	v31 =	vld.idx.msk [tilespmem:v11+s5+$0x0], $0xffff  }
0x163: {  	v29 =	vld.idx.msk [tilespmem:v12+s5+$0x0], $0xffff  }
0x164: {  	v35 =	vld.idx.msk [tilespmem:v13+s5+$0x0], $0xffff  }
0x165: {  	v11 =	vld.idx.msk [tilespmem:v14+s5+$0x0], $0xffff  }
0x166: {  	v17 =	vld.idx.msk [tilespmem:v16+s5+$0x0], $0xffff  }
0x167: {  	v13 =	vld.idx.msk [tilespmem:v18+s5+$0x0], $0xffff  }
0x168: {  	v20 =	vld.idx.msk [tilespmem:v19+s5+$0x0], $0xffff  }
0x169: {  	v18 =	vld.idx.msk [tilespmem:v21+s5+$0x0], $0xffff  }
0x16a: {  	v16 =	vld.idx.msk [tilespmem:v22+s5+$0x0], $0xffff  }
0x16b: {  	v22 =	vld.idx.msk [tilespmem:v23+s5+$0x0], $0xffff;
	v8 =	vand.u32 $0x7FFFFFFF, v24;
	v7 =	vand.u32 $0x7FFFFFFF, v26  }
0x16c: {  	v30 =	vld [tilespmem:s3+$0x0];
	v10 =	vand.u32 $0x7FFFFFFF, v28;
	v9 =	vand.u32 $0x7FFFFFFF, v29;
	v36 =	vmul.f32 v5, v24  }
0x16d: {  	v23 =	vld [tilespmem:s3+$0x10];
	v33 =	vmul.f32 v28, v27;
	v12 =	vand.u32 $0x7FFFFFFF, v27;
	v34 =	vmul.f32 v3, v26  }
0x16e: {  	v28 =	vld [tilespmem:s3+$0xFFFFFFE0];
	v32 =	vmul.f32 v35, v17;
	v29 =	vmul.f32 v29, v31;
	v14 =	vand.u32 $0x7FFFFFFF, v31  }
0x16f: {  	v24 =	vld [tilespmem:s3+$0xFFFFFFC0];
	v26 =	vmul.f32 v20, v16;
	v19 =	vand.u32 $0x7FFFFFFF, v35;
	v21 =	vmul.f32 v11, v13  }
0x170: {  	s31 =	simm.s32 $0x0;
	s25 =	simm.s32 $0x1C840;
	v35 =	vand.u32 $0x7FFFFFFF, v16;
	v27 =	vld [tilespmem:s3+$0xFFFFFFD0];
	v31 =	vmul.f32 v18, v22;
	v16 =	vsub.f32 v15, v36  }
.LBB2_30:
0x171: {  	v15 =	vld [tilespmem:s25+$0x20];
	v22 =	vand.u32 $0x7FFFFFFF, v22;
	v30 =	vsub.f32 v30, v33;
	v25 =	vsub.f32 v25, v34  }
0x172: {  	v4 =	vadd.f32 v35, v4;
	v20 =	vand.u32 $0x7FFFFFFF, v20;
	s30 =	sadd.s32 $0x100, s30;
	v6 =	vadd.f32 v22, v6;
	v22 =	vld [tilespmem:s3+$0xFFFFFFF0];
	s3 =	smov.u32 s25  }
0x173: {  	v18 =	vand.u32 $0x7FFFFFFF, v18;
	s0 =	sadd.s32 $0x100, s0;
	v23 =	vsub.f32 v23, v29;
	v33 =	vld [tilespmem:s30+$0x20];
	v28 =	vsub.f32 v28, v32  }
0x174: {  	v17 =	vand.u32 $0x7FFFFFFF, v17;
	v4 =	vadd.f32 v20, v4;
	v29 =	vld [tilespmem:s0+$0x20];
	v6 =	vadd.f32 v18, v6  }
0x175: {  	v13 =	vand.u32 $0x7FFFFFFF, v13;
	v20 =	vsub.f32 v24, v26;
	v18 =	vld [tilespmem:s30+$0x30];
	v24 =	vsub.f32 v27, v31  }
0x176: {  	v11 =	vand.u32 $0x7FFFFFFF, v11;
	v4 =	vadd.f32 v17, v4;
	v26 =	vld [tilespmem:s0+$0x30];
	v6 =	vadd.f32 v13, v6  }
0x177: {  	v17 =	vmul.f32 v20, v20;
	v13 =	vld [tilespmem:s30+$0x0];
	v20 =	vmul.f32 v24, v24;
	v21 =	vsub.f32 v22, v21  }
0x178: {  	v24 =	vmul.f32 v28, v28;
	v4 =	vadd.f32 v19, v4;
	v22 =	vld [tilespmem:s0+$0x0];
	v6 =	vadd.f32 v11, v6  }
0x179: {  	v2 =	vadd.f32 v17, v2;
	v11 =	vld [tilespmem:s30+$0x10];
	v1 =	vadd.f32 v20, v1;
	v17 =	vmul.f32 v21, v21  }
0x17a: {  	v20 =	vmul.f32 v30, v30;
	v4 =	vadd.f32 v12, v4;
	v19 =	vld [tilespmem:s0+$0x10];
	v6 =	vadd.f32 v14, v6  }
0x17b: {  	v2 =	vadd.f32 v24, v2;
	v14 =	vmul.f32 v23, v23;
	v12 =	vld [tilespmem:s0+$0xFFFFFFE0];
	v1 =	vadd.f32 v17, v1  }
0x17c: {  	v4 =	vadd.f32 v10, v4;
	v17 =	vld [tilespmem:s0+$0xFFFFFFF0];
	v6 =	vadd.f32 v9, v6;
	v9 =	vmul.f32 v16, v16  }
0x17d: {  	v2 =	vadd.f32 v20, v2;
	v10 =	vld [tilespmem:s30+$0xFFFFFFE0];
	v1 =	vadd.f32 v14, v1;
	v14 =	vmul.f32 v25, v25  }
0x17e: {  	v5 =	vand.u32 $0x7FFFFFFF, v5;
	v4 =	vadd.f32 v8, v4;
	v16 =	vld [tilespmem:s30+$0xFFFFFFF0];
	v6 =	vadd.f32 v7, v6  }
0x17f: {  	v3 =	vand.u32 $0x7FFFFFFF, v3;
	v2 =	vadd.f32 v9, v2;
	v7 =	vld [tilespmem:s0+$0xFFFFFFC0];
	v1 =	vadd.f32 v14, v1  }
0x180: {  	v4 =	vadd.f32 v5, v4;
	v8 =	vld [tilespmem:s0+$0xFFFFFFD0];
	v6 =	vadd.f32 v3, v6  }
0x181: {  	v9 =	vld [tilespmem:s30+$0xFFFFFFC0]  }
0x182: {  	v14 =	vld [tilespmem:s30+$0xFFFFFFD0]  }
0x183: {  	v21 =	vld.idx.msk [tilespmem:v33+s5+$0x0], $0xffff  }
0x184: {  	v5 =	vld.idx.msk [tilespmem:v29+s5+$0x0], $0xffff  }
0x185: {  	v24 =	vld.idx.msk [tilespmem:v18+s5+$0x0], $0xffff  }
0x186: {  	v3 =	vld.idx.msk [tilespmem:v26+s5+$0x0], $0xffff  }
0x187: {  	v23 =	vld.idx.msk [tilespmem:v13+s5+$0x0], $0xffff  }
0x188: {  	v26 =	vld.idx.msk [tilespmem:v22+s5+$0x0], $0xffff  }
0x189: {  	v27 =	vld.idx.msk [tilespmem:v11+s5+$0x0], $0xffff  }
0x18a: {  	v19 =	vld.idx.msk [tilespmem:v19+s5+$0x0], $0xffff  }
0x18b: {  	s31 =	sadd.s32 $0x80, s31;
	v31 =	vld.idx.msk [tilespmem:v12+s5+$0x0], $0xffff  }
0x18c: {  	p0 =	slt.u32 s31, $0xF80;
	v11 =	vld.idx.msk [tilespmem:v17+s5+$0x0], $0xffff  }
0x18d: {  	v17 =	vld.idx.msk [tilespmem:v10+s5+$0x0], $0xffff  }
0x18e: {  	v13 =	vld.idx.msk [tilespmem:v16+s5+$0x0], $0xffff  }
0x18f: {  	v20 =	vld.idx.msk [tilespmem:v7+s5+$0x0], $0xffff  }
0x190: {  	v18 =	vld.idx.msk [tilespmem:v8+s5+$0x0], $0xffff  }
0x191: {  	v16 =	vld.idx.msk [tilespmem:v9+s5+$0x0], $0xffff  }
0x192: {  	v22 =	vld.idx.msk [tilespmem:v14+s5+$0x0], $0xffff  }
0x193: {  	v7 =	vand.u32 $0x7FFFFFFF, v24;
	v8 =	vand.u32 $0x7FFFFFFF, v21;
	v25 =	vld [tilespmem:s25+$0x30]  }
.Ltmp14:
0x194: {  	v36 =	vmul.f32 v5, v21;
	v10 =	vand.u32 $0x7FFFFFFF, v26;
	v9 =	vand.u32 $0x7FFFFFFF, v19;
	v30 =	vld [tilespmem:s25+$0x0];
	(pc) =	sbr.rel @p0 .LBB2_30-.Ltmp14, $4  }
0x195: {  	v34 =	vmul.f32 v3, v24;
	v12 =	vand.u32 $0x7FFFFFFF, v23;
	v33 =	vmul.f32 v26, v23;
	v23 =	vld [tilespmem:s25+$0x10]  }
0x196: {  	v29 =	vmul.f32 v19, v27;
	v32 =	vmul.f32 v31, v17;
	v14 =	vand.u32 $0x7FFFFFFF, v27;
	v28 =	vld [tilespmem:s25+$0xFFFFFFE0]  }
0x197: {  	v19 =	vand.u32 $0x7FFFFFFF, v31;
	v21 =	vmul.f32 v11, v13;
	v26 =	vmul.f32 v20, v16;
	v24 =	vld [tilespmem:s25+$0xFFFFFFC0]  }
0x198: {  	v35 =	vand.u32 $0x7FFFFFFF, v16;
	v16 =	vsub.f32 v15, v36;
	v31 =	vmul.f32 v18, v22;
	s25 =	sadd.s32 $0x100, s25;
	v27 =	vld [tilespmem:s3+$0xFFFFFFD0]  }
0x199: {  	v15 =	vld [tilespmem:s3+$0xFFFFFFF0];
	_ =	swait.ge [sflag:s24], $0x1000  }
0x19a: {  	[sflag:s24] =	ssyncset.done $0x0  }
0x19b: {  	[sflag:s24] =	ssyncadd.s32 $0xFFFFF000  }
0x19c: {  	_ =	swait.ge [sflag:s24], $0x1000  }
0x19d: {  	[sflag:s24] =	ssyncset.done $0x0  }
0x19e: {  	[sflag:s24] =	ssyncadd.s32 $0xFFFFF000  }
0x19f: {  	_ =	swait.ge [sflag:s24], $0x1000  }
0x1a0: {  	[sflag:s24] =	ssyncset.done $0x0  }
0x1a1: {  	s30 =	simm.s32 $0x1C7F0;
	[sflag:s24] =	ssyncadd.s32 $0xFFFFF000  }
0x1a2: {  	s31 =	simm.s32 $0x187F0;
	v36 =	vld [tilespmem:s30+$0xFFFFFFF0]  }
0x1a3: {  	s3 =	simm.s32 $0x1A7F0;
	v37 =	vld [tilespmem:s31+$0xFFFFFFF0]  }
0x1a4: {  	v38 =	vld [tilespmem:s3+$0xFFFFFFF0]  }
0x1a5: {  	v39 =	vld [tilespmem:s31+$0x0]  }
0x1a6: {  	v40 =	vld [tilespmem:s3+$0x0]  }
0x1a7: {  	v41 =	vld [tilespmem:s31+$0xFFFFFFD0]  }
0x1a8: {  	v42 =	vld [tilespmem:s3+$0xFFFFFFD0]  }
0x1a9: {  	v43 =	vld [tilespmem:s31+$0xFFFFFFE0]  }
0x1aa: {  	v44 =	vld [tilespmem:s3+$0xFFFFFFE0]  }
0x1ab: {  	v45 =	vld [tilespmem:s3+$0xFFFFFFB0]  }
0x1ac: {  	v46 =	vld [tilespmem:s3+$0xFFFFFFC0]  }
0x1ad: {  	v62 =	vadd.f32 v35, v4;
	v22 =	vand.u32 $0x7FFFFFFF, v22;
	v47 =	vld [tilespmem:s31+$0xFFFFFFB0]  }
0x1ae: {  	v22 =	vadd.f32 v22, v6;
	v6 =	vand.u32 $0x7FFFFFFF, v20;
	v48 =	vld [tilespmem:s31+$0xFFFFFFC0]  }
0x1af: {  	v18 =	vand.u32 $0x7FFFFFFF, v18;
	v23 =	vsub.f32 v23, v29;
	v29 =	vadd.f32 v6, v62;
	v49 =	vld [tilespmem:s3+$0xFFFFFF90]  }
0x1b0: {  	v17 =	vand.u32 $0x7FFFFFFF, v17;
	v18 =	vadd.f32 v18, v22;
	v22 =	vsub.f32 v24, v26;
	v50 =	vld [tilespmem:s3+$0xFFFFFFA0]  }
0x1b1: {  	v24 =	vsub.f32 v27, v31;
	v17 =	vadd.f32 v17, v29;
	v51 =	vld [tilespmem:s31+$0xFFFFFF90]  }
0x1b2: {  	v52 =	vld [tilespmem:s31+$0xFFFFFFA0]  }
0x1b3: {  	v17 =	vadd.f32 v19, v17;
	v19 =	vmul.f32 v24, v24;
	v24 =	vld [tilespmem:s30+$0x0]  }
0x1b4: {  	v61 =	vld.idx.msk [tilespmem:v37+s5+$0x0], $0xffff  }
0x1b5: {  	v4 =	vld.idx.msk [tilespmem:v38+s5+$0x0], $0xffff  }
0x1b6: {  	v20 =	vld.idx.msk [tilespmem:v39+s5+$0x0], $0xffff  }
0x1b7: {  	v6 =	vld.idx.msk [tilespmem:v40+s5+$0x0], $0xffff  }
0x1b8: {  	v30 =	vsub.f32 v30, v33;
	v13 =	vand.u32 $0x7FFFFFFF, v13;
	v26 =	vld.idx.msk [tilespmem:v41+s5+$0x0], $0xffff  }
0x1b9: {  	v28 =	vsub.f32 v28, v32;
	v13 =	vadd.f32 v13, v18;
	v18 =	vmul.f32 v22, v22;
	v27 =	vld.idx.msk [tilespmem:v42+s5+$0x0], $0xffff  }
0x1ba: {  	v25 =	vsub.f32 v25, v34;
	v11 =	vand.u32 $0x7FFFFFFF, v11;
	v15 =	vsub.f32 v15, v21;
	v21 =	vld.idx.msk [tilespmem:v43+s5+$0x0], $0xffff  }
0x1bb: {  	v13 =	vadd.f32 v11, v13;
	v2 =	vadd.f32 v18, v2;
	v18 =	vmul.f32 v28, v28;
	v31 =	vld.idx.msk [tilespmem:v44+s5+$0x0], $0xffff  }
0x1bc: {  	v15 =	vmul.f32 v15, v15;
	v1 =	vadd.f32 v19, v1;
	v17 =	vadd.f32 v12, v17;
	v63 =	vld.idx.msk [tilespmem:v45+s5+$0x0], $0xffff  }
0x1bd: {  	v19 =	vmul.f32 v30, v30;
	v13 =	vadd.f32 v14, v13;
	v2 =	vadd.f32 v18, v2;
	v11 =	vld.idx.msk [tilespmem:v46+s5+$0x0], $0xffff  }
0x1be: {  	v14 =	vmul.f32 v23, v23;
	v1 =	vadd.f32 v15, v1;
	v15 =	vadd.f32 v10, v17;
	v12 =	vld.idx.msk [tilespmem:v47+s5+$0x0], $0xffff  }
0x1bf: {  	v9 =	vadd.f32 v9, v13;
	v13 =	vmul.f32 v16, v16;
	v2 =	vadd.f32 v19, v2;
	v10 =	vld.idx.msk [tilespmem:v48+s5+$0x0], $0xffff  }
0x1c0: {  	v16 =	vmul.f32 v25, v25;
	v14 =	vadd.f32 v14, v1;
	v8 =	vadd.f32 v8, v15;
	v19 =	vld.idx.msk [tilespmem:v49+s5+$0x0], $0xffff  }
0x1c1: {  	v5 =	vand.u32 $0x7FFFFFFF, v5;
	v7 =	vadd.f32 v7, v9;
	v1 =	vadd.f32 v13, v2;
	v18 =	vld.idx.msk [tilespmem:v50+s5+$0x0], $0xffff  }
0x1c2: {  	v3 =	vand.u32 $0x7FFFFFFF, v3;
	v2 =	vadd.f32 v16, v14;
	v15 =	vadd.f32 v5, v8;
	v17 =	vld.idx.msk [tilespmem:v51+s5+$0x0], $0xffff  }
0x1c3: {  	v14 =	vadd.f32 v3, v7;
	v22 =	vld.idx.msk [tilespmem:v52+s5+$0x0], $0xffff;
	v3 =	vand.u32 $0x7FFFFFFF, v61;
	v5 =	vand.u32 $0x7FFFFFFF, v20  }
0x1c4: {  	v28 =	vld [tilespmem:s30+$0xFFFFFFD0];
	v8 =	vand.u32 $0x7FFFFFFF, v27;
	v9 =	vand.u32 $0x7FFFFFFF, v31;
	v7 =	vmul.f32 v4, v61  }
0x1c5: {  	v23 =	vld [tilespmem:s30+$0xFFFFFFE0];
	v33 =	vmul.f32 v27, v26;
	v13 =	vand.u32 $0x7FFFFFFF, v26;
	v34 =	vmul.f32 v6, v20  }
0x1c6: {  	v27 =	vld [tilespmem:s30+$0xFFFFFFB0];
	v29 =	vmul.f32 v63, v12;
	v30 =	vmul.f32 v31, v21;
	v16 =	vand.u32 $0x7FFFFFFF, v21  }
0x1c7: {  	v25 =	vld [tilespmem:s30+$0xFFFFFF90];
	v26 =	vmul.f32 v19, v17;
	v20 =	vand.u32 $0x7FFFFFFF, v63;
	v21 =	vmul.f32 v11, v10  }
0x1c8: {  	s0 =	simm.s32 $0x0;
	s25 =	simm.s32 $0x1C8F0;
	v35 =	vand.u32 $0x7FFFFFFF, v17;
	v31 =	vld [tilespmem:s30+$0xFFFFFFA0];
	v32 =	vmul.f32 v18, v22;
	v17 =	vsub.f32 v36, v7  }
.LBB2_32:
0x1c9: {  	v7 =	vld [tilespmem:s25+$0xFFFFFFF0];
	v22 =	vand.u32 $0x7FFFFFFF, v22;
	v28 =	vsub.f32 v28, v33;
	v24 =	vsub.f32 v24, v34  }
0x1ca: {  	v15 =	vadd.f32 v35, v15;
	v19 =	vand.u32 $0x7FFFFFFF, v19;
	s31 =	sadd.s32 $0x100, s31;
	v14 =	vadd.f32 v22, v14;
	v22 =	vld [tilespmem:s30+$0xFFFFFFC0];
	s30 =	smov.u32 s25  }
0x1cb: {  	v18 =	vand.u32 $0x7FFFFFFF, v18;
	s3 =	sadd.s32 $0x100, s3;
	v23 =	vsub.f32 v23, v30;
	v33 =	vld [tilespmem:s31+$0xFFFFFFF0];
	v27 =	vsub.f32 v27, v29  }
0x1cc: {  	v12 =	vand.u32 $0x7FFFFFFF, v12;
	v15 =	vadd.f32 v19, v15;
	v29 =	vld [tilespmem:s3+$0xFFFFFFF0];
	v14 =	vadd.f32 v18, v14  }
0x1cd: {  	v10 =	vand.u32 $0x7FFFFFFF, v10;
	v19 =	vsub.f32 v25, v26;
	v18 =	vld [tilespmem:s31+$0x0];
	v25 =	vsub.f32 v31, v32  }
0x1ce: {  	v11 =	vand.u32 $0x7FFFFFFF, v11;
	v12 =	vadd.f32 v12, v15;
	v26 =	vld [tilespmem:s3+$0x0];
	v10 =	vadd.f32 v10, v14  }
0x1cf: {  	v14 =	vmul.f32 v19, v19;
	v30 =	vld [tilespmem:s31+$0xFFFFFFD0];
	v15 =	vmul.f32 v25, v25;
	v19 =	vsub.f32 v22, v21  }
0x1d0: {  	v22 =	vmul.f32 v27, v27;
	v12 =	vadd.f32 v20, v12;
	v21 =	vld [tilespmem:s3+$0xFFFFFFD0];
	v10 =	vadd.f32 v11, v10  }
0x1d1: {  	v1 =	vadd.f32 v14, v1;
	v11 =	vld [tilespmem:s31+$0xFFFFFFE0];
	v2 =	vadd.f32 v15, v2;
	v14 =	vmul.f32 v19, v19  }
0x1d2: {  	v15 =	vmul.f32 v28, v28;
	v12 =	vadd.f32 v13, v12;
	v19 =	vld [tilespmem:s3+$0xFFFFFFE0];
	v10 =	vadd.f32 v16, v10  }
0x1d3: {  	v1 =	vadd.f32 v22, v1;
	v13 =	vld [tilespmem:s3+$0xFFFFFFB0];
	v2 =	vadd.f32 v14, v2;
	v14 =	vmul.f32 v23, v23  }
0x1d4: {  	v8 =	vadd.f32 v8, v12;
	v16 =	vld [tilespmem:s3+$0xFFFFFFC0];
	v9 =	vadd.f32 v9, v10;
	v10 =	vmul.f32 v17, v17  }
0x1d5: {  	v1 =	vadd.f32 v15, v1;
	v12 =	vld [tilespmem:s31+$0xFFFFFFB0];
	v2 =	vadd.f32 v14, v2;
	v14 =	vmul.f32 v24, v24  }
0x1d6: {  	v4 =	vand.u32 $0x7FFFFFFF, v4;
	v3 =	vadd.f32 v3, v8;
	v17 =	vld [tilespmem:s31+$0xFFFFFFC0];
	v5 =	vadd.f32 v5, v9  }
0x1d7: {  	v6 =	vand.u32 $0x7FFFFFFF, v6;
	v1 =	vadd.f32 v10, v1;
	v8 =	vld [tilespmem:s3+$0xFFFFFF90];
	v2 =	vadd.f32 v14, v2  }
0x1d8: {  	v15 =	vadd.f32 v4, v3;
	v9 =	vld [tilespmem:s3+$0xFFFFFFA0];
	v14 =	vadd.f32 v6, v5  }
0x1d9: {  	v3 =	vld [tilespmem:s31+$0xFFFFFF90]  }
0x1da: {  	v5 =	vld [tilespmem:s31+$0xFFFFFFA0]  }
0x1db: {  	v20 =	vld.idx.msk [tilespmem:v33+s5+$0x0], $0xffff  }
0x1dc: {  	v4 =	vld.idx.msk [tilespmem:v29+s5+$0x0], $0xffff  }
0x1dd: {  	v25 =	vld.idx.msk [tilespmem:v18+s5+$0x0], $0xffff  }
0x1de: {  	v6 =	vld.idx.msk [tilespmem:v26+s5+$0x0], $0xffff  }
0x1df: {  	v23 =	vld.idx.msk [tilespmem:v30+s5+$0x0], $0xffff  }
0x1e0: {  	v21 =	vld.idx.msk [tilespmem:v21+s5+$0x0], $0xffff  }
0x1e1: {  	v26 =	vld.idx.msk [tilespmem:v11+s5+$0x0], $0xffff  }
0x1e2: {  	v30 =	vld.idx.msk [tilespmem:v19+s5+$0x0], $0xffff  }
0x1e3: {  	s0 =	sadd.s32 $0x80, s0;
	v31 =	vld.idx.msk [tilespmem:v13+s5+$0x0], $0xffff  }
0x1e4: {  	p0 =	slt.u32 s0, $0xF80;
	v11 =	vld.idx.msk [tilespmem:v16+s5+$0x0], $0xffff  }
0x1e5: {  	v12 =	vld.idx.msk [tilespmem:v12+s5+$0x0], $0xffff  }
0x1e6: {  	v10 =	vld.idx.msk [tilespmem:v17+s5+$0x0], $0xffff  }
0x1e7: {  	v19 =	vld.idx.msk [tilespmem:v8+s5+$0x0], $0xffff  }
0x1e8: {  	v18 =	vld.idx.msk [tilespmem:v9+s5+$0x0], $0xffff  }
0x1e9: {  	v17 =	vld.idx.msk [tilespmem:v3+s5+$0x0], $0xffff  }
0x1ea: {  	v22 =	vld.idx.msk [tilespmem:v5+s5+$0x0], $0xffff  }
0x1eb: {  	v3 =	vand.u32 $0x7FFFFFFF, v20;
	v5 =	vand.u32 $0x7FFFFFFF, v25;
	v24 =	vld [tilespmem:s25+$0x0]  }
.Ltmp15:
0x1ec: {  	v36 =	vmul.f32 v4, v20;
	v8 =	vand.u32 $0x7FFFFFFF, v21;
	v9 =	vand.u32 $0x7FFFFFFF, v30;
	v28 =	vld [tilespmem:s25+$0xFFFFFFD0];
	(pc) =	sbr.rel @p0 .LBB2_32-.Ltmp15, $4  }
0x1ed: {  	v34 =	vmul.f32 v6, v25;
	v13 =	vand.u32 $0x7FFFFFFF, v23;
	v33 =	vmul.f32 v21, v23;
	v23 =	vld [tilespmem:s25+$0xFFFFFFE0]  }
0x1ee: {  	v16 =	vand.u32 $0x7FFFFFFF, v26;
	v30 =	vmul.f32 v30, v26;
	v29 =	vmul.f32 v31, v12;
	v27 =	vld [tilespmem:s25+$0xFFFFFFB0]  }
0x1ef: {  	v20 =	vand.u32 $0x7FFFFFFF, v31;
	v21 =	vmul.f32 v11, v10;
	v26 =	vmul.f32 v19, v17;
	v25 =	vld [tilespmem:s25+$0xFFFFFF90]  }
0x1f0: {  	v35 =	vand.u32 $0x7FFFFFFF, v17;
	v17 =	vsub.f32 v7, v36;
	v32 =	vmul.f32 v18, v22;
	s25 =	sadd.s32 $0x100, s25;
	v31 =	vld [tilespmem:s30+$0xFFFFFFA0]  }
0x1f1: {  	v7 =	vand.u32 $0x7FFFFFFF, v22;
	v51 =	vsub.f32 v28, v33;
	v24 =	vsub.f32 v24, v34  }
0x1f2: {  	v15 =	vadd.f32 v35, v15;
	v19 =	vand.u32 $0x7FFFFFFF, v19;
	v52 =	vld [tilespmem:s30+$0xFFFFFFC0];
	v7 =	vadd.f32 v7, v14  }
0x1f3: {  	v18 =	vand.u32 $0x7FFFFFFF, v18;
	v23 =	vsub.f32 v23, v30;
	v27 =	vsub.f32 v27, v29  }
0x1f4: {  	v12 =	vand.u32 $0x7FFFFFFF, v12;
	v15 =	vadd.f32 v19, v15;
	v7 =	vadd.f32 v18, v7  }
0x1f5: {  	v10 =	vand.u32 $0x7FFFFFFF, v10;
	v53 =	vsub.f32 v25, v26;
	v54 =	vsub.f32 v31, v32  }
0x1f6: {  	v55 =	vand.u32 $0x7FFFFFFF, v11;
	v12 =	vadd.f32 v12, v15;
	v7 =	vadd.f32 v10, v7  }
0x1f7: {  	v56 =	vmul.f32 v53, v53;
	v14 =	vsub.f32 v52, v21;
	v57 =	vmul.f32 v54, v54  }
0x1f8: {  	v58 =	vmul.f32 v27, v27;
	v12 =	vadd.f32 v20, v12;
	v7 =	vadd.f32 v55, v7  }
0x1f9: {  	v1 =	vadd.f32 v56, v1;
	v59 =	vmul.f32 v14, v14;
	v2 =	vadd.f32 v57, v2  }
0x1fa: {  	v60 =	vmul.f32 v51, v51;
	v12 =	vadd.f32 v13, v12;
	v7 =	vadd.f32 v16, v7  }
0x1fb: {  	v61 =	vmul.f32 v23, v23;
	v1 =	vadd.f32 v58, v1;
	v2 =	vadd.f32 v59, v2  }
0x1fc: {  	v62 =	vmul.f32 v17, v17;
	v8 =	vadd.f32 v8, v12;
	v7 =	vadd.f32 v9, v7  }
0x1fd: {  	v63 =	vmul.f32 v24, v24;
	v1 =	vadd.f32 v60, v1;
	v2 =	vadd.f32 v61, v2  }
0x1fe: {  	v4 =	vand.u32 $0x7FFFFFFF, v4;
	v3 =	vadd.f32 v3, v8;
	v5 =	vadd.f32 v5, v7  }
0x1ff: {  	s0 =	simm.s32 $0x0;
	v6 =	vand.u32 $0x7FFFFFFF, v6;
	s3 =	simm.s32 $0x18700;
	s25 =	simm.s32 $0x0;
	v1 =	vadd.f32 v62, v1;
	v2 =	vadd.f32 v63, v2  }
0x200: {  	[tilespmem:s0], [sflag:$0x1] =	stream.strided.gather [hbm4b:s17+s20], $0x18700, s21, s20, $0x38;
	v4 =	vadd.f32 v4, v3;
	v3 =	vadd.f32 v6, v5;
	[tilespmem:$0x1E800] =	vst v63  }
.LBB2_34:
0x201: {  	p0 =	sne.s32 s25, $0x1F0  }
.Ltmp16:
0x202: {  	_ = 	snop;
	(pc) =	sbr.rel @p0 .LBB2_34-.Ltmp16, $4  }
0x203: {  	_ = 	snop  }
0x204: {  	s28 =	sadd.s32 s25, s2  }
0x205: {  	[tilespmem:s3], [sflag:$0x2] =	stream.linear.gather [hbm4b:s28+s0], $0x80, $0x38;
	[tilespmem:$0x1E800] =	vst v63  }
0x206: {  	s25 =	sadd.s32 $0x10, s25;
	s3 =	sadd.s32 $0x100, s3  }
0x207: {  	s25 =	simm.s32 $0x1A700  }
.LBB2_36:
0x208: {  	p0 =	sne.s32 s0, $0x1F0  }
.Ltmp17:
0x209: {  	_ = 	snop;
	(pc) =	sbr.rel @p0 .LBB2_36-.Ltmp17, $4  }
0x20a: {  	_ = 	snop  }
0x20b: {  	s28 =	sadd.s32 s0, s4;
	s3 =	simm.s32 $0x0  }
0x20c: {  	[tilespmem:s25], [sflag:$0x2] =	stream.linear.gather [hbm4b:s28+s3], $0x80, $0x38;
	[tilespmem:$0x1E800] =	vst v63  }
0x20d: {  	s0 =	sadd.s32 $0x10, s0;
	s25 =	sadd.s32 $0x100, s25  }
0x20e: {  	s0 =	simm.s32 $0x1C700;
	s25 =	simm.s32 $0x0  }
.LBB2_38:
0x20f: {  	p0 =	sne.s32 s25, $0x1F0  }
.Ltmp18:
0x210: {  	_ = 	snop;
	(pc) =	sbr.rel @p0 .LBB2_38-.Ltmp18, $4  }
0x211: {  	_ = 	snop  }
0x212: {  	s28 =	sadd.s32 s25, s1  }
0x213: {  	[tilespmem:s0], [sflag:$0x2] =	stream.linear.gather [hbm4b:s28+s3], $0x80, $0x38;
	[tilespmem:$0x1E800] =	vst v63  }
0x214: {  	s25 =	sadd.s32 $0x10, s25;
	s0 =	sadd.s32 $0x100, s0  }
0x215: {  	s25 =	simm.s32 $0x18780  }
.LBB2_40:
0x216: {  	p0 =	sne.s32 s3, $0x1F0  }
.Ltmp19:
0x217: {  	_ = 	snop;
	(pc) =	sbr.rel @p0 .LBB2_40-.Ltmp19, $4  }
0x218: {  	_ = 	snop  }
0x219: {  	s28 =	sadd.s32 s3, s7;
	s0 =	simm.s32 $0x0  }
0x21a: {  	[tilespmem:s25], [sflag:$0x3] =	stream.linear.gather [hbm4b:s28+s0], $0x80, $0x38;
	[tilespmem:$0x1E800] =	vst v63  }
0x21b: {  	s3 =	sadd.s32 $0x10, s3;
	s25 =	sadd.s32 $0x100, s25  }
0x21c: {  	s3 =	simm.s32 $0x1A780;
	s25 =	simm.s32 $0x0  }
.LBB2_42:
0x21d: {  	p0 =	sne.s32 s25, $0x1F0  }
.Ltmp20:
0x21e: {  	_ = 	snop;
	(pc) =	sbr.rel @p0 .LBB2_42-.Ltmp20, $4  }
0x21f: {  	_ = 	snop  }
0x220: {  	s28 =	sadd.s32 s25, s8  }
0x221: {  	[tilespmem:s3], [sflag:$0x3] =	stream.linear.gather [hbm4b:s28+s0], $0x80, $0x38;
	[tilespmem:$0x1E800] =	vst v63  }
0x222: {  	s25 =	sadd.s32 $0x10, s25;
	s3 =	sadd.s32 $0x100, s3  }
0x223: {  	s0 =	simm.s32 $0x1C780  }
0x224: {  	s3 =	simm.s32 $0x10;
	s28 =	sadd.s32 $0x0, s9;
	s25 =	simm.s32 $0x1C880  }
.LBB2_44:
0x225: {  	[tilespmem:s0], [sflag:$0x3] =	stream.linear.gather [hbm4b:s28+s5], $0x80, $0x38;
	[tilespmem:$0x1E800] =	vst v63  }
0x226: {  	s28 =	smov.u32 s3;
	s0 =	smov.u32 s25;
	p0 =	sne.s32 s3, $0x1F0  }
.Ltmp21:
0x227: {  	s3 =	sadd.s32 $0x10, s3;
	(pc) =	sbr.rel @p0 .LBB2_44-.Ltmp21, $2  }
0x228: {  	_ =	sdelay $0x2  }
0x229: {  	s25 =	sadd.s32 $0x100, s25;
	s28 =	sadd.s32 s28, s9  }
0x22a: {  	[tilespmem:s0], [sflag:$0x3] =	stream.linear.gather [hbm4b:s28+s5], $0x80, $0x38;
	[tilespmem:$0x1E800] =	vst v63  }
0x22b: {  	_ =	swait.ge [sflag:s22], $0x1000  }
0x22c: {  	[sflag:s22] =	ssyncset.done $0x0  }
0x22d: {  	[sflag:s22] =	ssyncadd.s32 $0xFFFFF000  }
0x22e: {  	_ =	swait.ge [sflag:s22], $0x1000  }
0x22f: {  	[sflag:s22] =	ssyncset.done $0x0  }
0x230: {  	[sflag:s22] =	ssyncadd.s32 $0xFFFFF000  }
0x231: {  	_ =	swait.ge [sflag:s22], $0x1000  }
0x232: {  	[sflag:s22] =	ssyncset.done $0x0  }
0x233: {  	[sflag:s22] =	ssyncadd.s32 $0xFFFFF000  }
0x234: {  	_ =	swait.ge [sflag:s23], $0x18700  }
0x235: {  	[sflag:s23] =	ssyncset.done $0x0  }
0x236: {  	s3 =	simm.s32 $0x1C740;
	[sflag:s23] =	ssyncadd.s32 $0xFFFE7900  }
0x237: {  	s31 =	simm.s32 $0x18740;
	v9 =	vld [tilespmem:s3+$0x20]  }
0x238: {  	s0 =	simm.s32 $0x1A740;
	v5 =	vld [tilespmem:s31+$0x20]  }
0x239: {  	v6 =	vld [tilespmem:s0+$0x20]  }
0x23a: {  	v7 =	vld [tilespmem:s31+$0x30]  }
0x23b: {  	v8 =	vld [tilespmem:s0+$0x30]  }
0x23c: {  	v10 =	vld [tilespmem:s31+$0x0]  }
0x23d: {  	v11 =	vld [tilespmem:s0+$0x0]  }
0x23e: {  	v12 =	vld [tilespmem:s31+$0x10]  }
0x23f: {  	v13 =	vld [tilespmem:s0+$0x10]  }
0x240: {  	v14 =	vld [tilespmem:s0+$0xFFFFFFE0]  }
0x241: {  	v15 =	vld [tilespmem:s0+$0xFFFFFFF0]  }
0x242: {  	v16 =	vld [tilespmem:s31+$0xFFFFFFE0]  }
0x243: {  	v17 =	vld [tilespmem:s31+$0xFFFFFFF0]  }
0x244: {  	v18 =	vld [tilespmem:s0+$0xFFFFFFC0]  }
0x245: {  	v19 =	vld [tilespmem:s0+$0xFFFFFFD0]  }
0x246: {  	v21 =	vld [tilespmem:s31+$0xFFFFFFC0]  }
0x247: {  	v22 =	vld [tilespmem:s31+$0xFFFFFFD0]  }
0x248: {  	s30 =	simm.s32 $0x0;
	v24 =	vld [tilespmem:s3+$0x30]  }
0x249: {  	v23 =	vld.idx.msk [tilespmem:v5+s30+$0x0], $0xffff  }
0x24a: {  	v6 =	vld.idx.msk [tilespmem:v6+s30+$0x0], $0xffff  }
0x24b: {  	v25 =	vld.idx.msk [tilespmem:v7+s30+$0x0], $0xffff  }
0x24c: {  	v5 =	vld.idx.msk [tilespmem:v8+s30+$0x0], $0xffff  }
0x24d: {  	v26 =	vld.idx.msk [tilespmem:v10+s30+$0x0], $0xffff  }
0x24e: {  	v27 =	vld.idx.msk [tilespmem:v11+s30+$0x0], $0xffff  }
0x24f: {  	v31 =	vld.idx.msk [tilespmem:v12+s30+$0x0], $0xffff  }
0x250: {  	v30 =	vld.idx.msk [tilespmem:v13+s30+$0x0], $0xffff  }
0x251: {  	v32 =	vld.idx.msk [tilespmem:v14+s30+$0x0], $0xffff  }
0x252: {  	v12 =	vld.idx.msk [tilespmem:v15+s30+$0x0], $0xffff  }
0x253: {  	v15 =	vld.idx.msk [tilespmem:v16+s30+$0x0], $0xffff  }
0x254: {  	v14 =	vld.idx.msk [tilespmem:v17+s30+$0x0], $0xffff  }
0x255: {  	v20 =	vld.idx.msk [tilespmem:v18+s30+$0x0], $0xffff  }
0x256: {  	v18 =	vld.idx.msk [tilespmem:v19+s30+$0x0], $0xffff  }
0x257: {  	v17 =	vld.idx.msk [tilespmem:v21+s30+$0x0], $0xffff  }
0x258: {  	v22 =	vld.idx.msk [tilespmem:v22+s30+$0x0], $0xffff;
	v7 =	vand.u32 $0x7FFFFFFF, v23;
	v8 =	vand.u32 $0x7FFFFFFF, v25  }
0x259: {  	v28 =	vld [tilespmem:s3+$0x0];
	v10 =	vand.u32 $0x7FFFFFFF, v27;
	v11 =	vand.u32 $0x7FFFFFFF, v30;
	v36 =	vmul.f32 v6, v23  }
0x25a: {  	v33 =	vmul.f32 v27, v26;
	v13 =	vand.u32 $0x7FFFFFFF, v26;
	v23 =	vld [tilespmem:s3+$0x10];
	v34 =	vmul.f32 v5, v25  }
0x25b: {  	v27 =	vld [tilespmem:s3+$0xFFFFFFE0];
	v29 =	vmul.f32 v32, v15;
	v30 =	vmul.f32 v30, v31;
	v16 =	vand.u32 $0x7FFFFFFF, v31  }
0x25c: {  	v25 =	vld [tilespmem:s3+$0xFFFFFFC0];
	v26 =	vmul.f32 v20, v17;
	v19 =	vand.u32 $0x7FFFFFFF, v32;
	v21 =	vmul.f32 v12, v14  }
0x25d: {  	s25 =	simm.s32 $0x0;
	s28 =	simm.s32 $0x1C840;
	v35 =	vand.u32 $0x7FFFFFFF, v17;
	v31 =	vld [tilespmem:s3+$0xFFFFFFD0];
	v32 =	vmul.f32 v18, v22;
	v17 =	vsub.f32 v9, v36  }
.LBB2_46:
0x25e: {  	v9 =	vld [tilespmem:s28+$0x20];
	v22 =	vand.u32 $0x7FFFFFFF, v22;
	v28 =	vsub.f32 v28, v33;
	v24 =	vsub.f32 v24, v34  }
0x25f: {  	v4 =	vadd.f32 v35, v4;
	v20 =	vand.u32 $0x7FFFFFFF, v20;
	s31 =	sadd.s32 $0x100, s31;
	v3 =	vadd.f32 v22, v3;
	v22 =	vld [tilespmem:s3+$0xFFFFFFF0];
	s3 =	smov.u32 s28  }
0x260: {  	v18 =	vand.u32 $0x7FFFFFFF, v18;
	s0 =	sadd.s32 $0x100, s0;
	v23 =	vsub.f32 v23, v30;
	v33 =	vld [tilespmem:s31+$0x20];
	v27 =	vsub.f32 v27, v29  }
0x261: {  	v15 =	vand.u32 $0x7FFFFFFF, v15;
	v4 =	vadd.f32 v20, v4;
	v29 =	vld [tilespmem:s0+$0x20];
	v3 =	vadd.f32 v18, v3  }
0x262: {  	v14 =	vand.u32 $0x7FFFFFFF, v14;
	v20 =	vsub.f32 v25, v26;
	v18 =	vld [tilespmem:s31+$0x30];
	v25 =	vsub.f32 v31, v32  }
0x263: {  	v12 =	vand.u32 $0x7FFFFFFF, v12;
	v4 =	vadd.f32 v15, v4;
	v26 =	vld [tilespmem:s0+$0x30];
	v3 =	vadd.f32 v14, v3  }
0x264: {  	v15 =	vmul.f32 v20, v20;
	v14 =	vld [tilespmem:s31+$0x0];
	v20 =	vmul.f32 v25, v25;
	v21 =	vsub.f32 v22, v21  }
0x265: {  	v25 =	vmul.f32 v27, v27;
	v4 =	vadd.f32 v19, v4;
	v22 =	vld [tilespmem:s0+$0x0];
	v3 =	vadd.f32 v12, v3  }
0x266: {  	v1 =	vadd.f32 v15, v1;
	v12 =	vld [tilespmem:s31+$0x10];
	v2 =	vadd.f32 v20, v2;
	v15 =	vmul.f32 v21, v21  }
0x267: {  	v20 =	vmul.f32 v28, v28;
	v4 =	vadd.f32 v13, v4;
	v19 =	vld [tilespmem:s0+$0x10];
	v3 =	vadd.f32 v16, v3  }
0x268: {  	v1 =	vadd.f32 v25, v1;
	v13 =	vld [tilespmem:s0+$0xFFFFFFE0];
	v2 =	vadd.f32 v15, v2;
	v15 =	vmul.f32 v23, v23  }
0x269: {  	v4 =	vadd.f32 v10, v4;
	v10 =	vmul.f32 v17, v17;
	v16 =	vld [tilespmem:s0+$0xFFFFFFF0];
	v3 =	vadd.f32 v11, v3  }
0x26a: {  	v1 =	vadd.f32 v20, v1;
	v11 =	vld [tilespmem:s31+$0xFFFFFFE0];
	v2 =	vadd.f32 v15, v2;
	v15 =	vmul.f32 v24, v24  }
0x26b: {  	v6 =	vand.u32 $0x7FFFFFFF, v6;
	v4 =	vadd.f32 v7, v4;
	v17 =	vld [tilespmem:s31+$0xFFFFFFF0];
	v3 =	vadd.f32 v8, v3  }
0x26c: {  	v5 =	vand.u32 $0x7FFFFFFF, v5;
	v1 =	vadd.f32 v10, v1;
	v7 =	vld [tilespmem:s0+$0xFFFFFFC0];
	v2 =	vadd.f32 v15, v2  }
0x26d: {  	v4 =	vadd.f32 v6, v4;
	v8 =	vld [tilespmem:s0+$0xFFFFFFD0];
	v3 =	vadd.f32 v5, v3  }
0x26e: {  	v10 =	vld [tilespmem:s31+$0xFFFFFFC0]  }
0x26f: {  	v21 =	vld [tilespmem:s31+$0xFFFFFFD0]  }
0x270: {  	v23 =	vld.idx.msk [tilespmem:v33+s30+$0x0], $0xffff  }
0x271: {  	v6 =	vld.idx.msk [tilespmem:v29+s30+$0x0], $0xffff  }
0x272: {  	v25 =	vld.idx.msk [tilespmem:v18+s30+$0x0], $0xffff  }
0x273: {  	v5 =	vld.idx.msk [tilespmem:v26+s30+$0x0], $0xffff  }
0x274: {  	v26 =	vld.idx.msk [tilespmem:v14+s30+$0x0], $0xffff  }
0x275: {  	v27 =	vld.idx.msk [tilespmem:v22+s30+$0x0], $0xffff  }
0x276: {  	v31 =	vld.idx.msk [tilespmem:v12+s30+$0x0], $0xffff  }
0x277: {  	v19 =	vld.idx.msk [tilespmem:v19+s30+$0x0], $0xffff  }
0x278: {  	s25 =	sadd.s32 $0x80, s25;
	v32 =	vld.idx.msk [tilespmem:v13+s30+$0x0], $0xffff  }
0x279: {  	p0 =	slt.u32 s25, $0xF80;
	v12 =	vld.idx.msk [tilespmem:v16+s30+$0x0], $0xffff  }
0x27a: {  	v15 =	vld.idx.msk [tilespmem:v11+s30+$0x0], $0xffff  }
0x27b: {  	v14 =	vld.idx.msk [tilespmem:v17+s30+$0x0], $0xffff  }
0x27c: {  	v20 =	vld.idx.msk [tilespmem:v7+s30+$0x0], $0xffff  }
0x27d: {  	v18 =	vld.idx.msk [tilespmem:v8+s30+$0x0], $0xffff  }
0x27e: {  	v17 =	vld.idx.msk [tilespmem:v10+s30+$0x0], $0xffff  }
0x27f: {  	v22 =	vld.idx.msk [tilespmem:v21+s30+$0x0], $0xffff  }
0x280: {  	v7 =	vand.u32 $0x7FFFFFFF, v23;
	v8 =	vand.u32 $0x7FFFFFFF, v25;
	v24 =	vld [tilespmem:s28+$0x30]  }
.Ltmp22:
0x281: {  	v36 =	vmul.f32 v6, v23;
	v11 =	vand.u32 $0x7FFFFFFF, v19;
	v10 =	vand.u32 $0x7FFFFFFF, v27;
	v28 =	vld [tilespmem:s28+$0x0];
	(pc) =	sbr.rel @p0 .LBB2_46-.Ltmp22, $4  }
0x282: {  	v34 =	vmul.f32 v5, v25;
	v13 =	vand.u32 $0x7FFFFFFF, v26;
	v33 =	vmul.f32 v27, v26;
	v23 =	vld [tilespmem:s28+$0x10]  }
0x283: {  	v16 =	vand.u32 $0x7FFFFFFF, v31;
	v30 =	vmul.f32 v19, v31;
	v29 =	vmul.f32 v32, v15;
	v27 =	vld [tilespmem:s28+$0xFFFFFFE0]  }
0x284: {  	v19 =	vand.u32 $0x7FFFFFFF, v32;
	v21 =	vmul.f32 v12, v14;
	v26 =	vmul.f32 v20, v17;
	v25 =	vld [tilespmem:s28+$0xFFFFFFC0]  }
0x285: {  	v35 =	vand.u32 $0x7FFFFFFF, v17;
	v17 =	vsub.f32 v9, v36;
	v32 =	vmul.f32 v18, v22;
	s28 =	sadd.s32 $0x100, s28;
	v31 =	vld [tilespmem:s3+$0xFFFFFFD0]  }
0x286: {  	v9 =	vand.u32 $0x7FFFFFFF, v22;
	v53 =	vsub.f32 v28, v33;
	v24 =	vsub.f32 v24, v34  }
0x287: {  	v4 =	vadd.f32 v35, v4;
	v20 =	vand.u32 $0x7FFFFFFF, v20;
	v54 =	vld [tilespmem:s3+$0xFFFFFFF0];
	v3 =	vadd.f32 v9, v3  }
0x288: {  	v18 =	vand.u32 $0x7FFFFFFF, v18;
	v23 =	vsub.f32 v23, v30;
	v27 =	vsub.f32 v27, v29  }
0x289: {  	v15 =	vand.u32 $0x7FFFFFFF, v15;
	v4 =	vadd.f32 v20, v4;
	v3 =	vadd.f32 v18, v3  }
0x28a: {  	v14 =	vand.u32 $0x7FFFFFFF, v14;
	v55 =	vsub.f32 v25, v26;
	v56 =	vsub.f32 v31, v32  }
0x28b: {  	v12 =	vand.u32 $0x7FFFFFFF, v12;
	v4 =	vadd.f32 v15, v4;
	v3 =	vadd.f32 v14, v3  }
0x28c: {  	v57 =	vmul.f32 v55, v55;
	v9 =	vsub.f32 v54, v21;
	v58 =	vmul.f32 v56, v56  }
0x28d: {  	v59 =	vmul.f32 v27, v27;
	v4 =	vadd.f32 v19, v4;
	v3 =	vadd.f32 v12, v3  }
0x28e: {  	v1 =	vadd.f32 v57, v1;
	v9 =	vmul.f32 v9, v9;
	v2 =	vadd.f32 v58, v2  }
0x28f: {  	v60 =	vmul.f32 v53, v53;
	v4 =	vadd.f32 v13, v4;
	v3 =	vadd.f32 v16, v3  }
0x290: {  	v61 =	vmul.f32 v23, v23;
	v1 =	vadd.f32 v59, v1;
	v2 =	vadd.f32 v9, v2  }
0x291: {  	v62 =	vmul.f32 v17, v17;
	v4 =	vadd.f32 v10, v4;
	v3 =	vadd.f32 v11, v3  }
0x292: {  	v63 =	vmul.f32 v24, v24;
	v1 =	vadd.f32 v60, v1;
	v2 =	vadd.f32 v61, v2  }
0x293: {  	v6 =	vand.u32 $0x7FFFFFFF, v6;
	v4 =	vadd.f32 v7, v4;
	v3 =	vadd.f32 v8, v3  }
0x294: {  	v5 =	vand.u32 $0x7FFFFFFF, v5;
	v1 =	vadd.f32 v62, v1;
	v2 =	vadd.f32 v63, v2  }
0x295: {  	s0 =	simm.s32 $0x18700;
	s3 =	simm.s32 $0x0;
	v6 =	vadd.f32 v6, v4;
	v5 =	vadd.f32 v5, v3  }
.LBB2_48:
0x296: {  	p0 =	sne.s32 s3, $0x1F0  }
.Ltmp23:
0x297: {  	_ = 	snop;
	(pc) =	sbr.rel @p0 .LBB2_48-.Ltmp23, $4  }
0x298: {  	_ = 	snop  }
0x299: {  	s25 =	sadd.s32 s3, s10  }
0x29a: {  	[tilespmem:s0], [sflag:$0x2] =	stream.linear.gather [hbm4b:s25+s30], $0x80, $0x38;
	[tilespmem:$0x1E800] =	vst v63  }
0x29b: {  	s3 =	sadd.s32 $0x10, s3;
	s0 =	sadd.s32 $0x100, s0  }
0x29c: {  	s0 =	simm.s32 $0x1A700  }
.LBB2_50:
0x29d: {  	p0 =	sne.s32 s30, $0x1F0  }
.Ltmp24:
0x29e: {  	_ = 	snop;
	(pc) =	sbr.rel @p0 .LBB2_50-.Ltmp24, $4  }
0x29f: {  	_ = 	snop  }
0x2a0: {  	s3 =	sadd.s32 s30, s11;
	s25 =	simm.s32 $0x0  }
0x2a1: {  	[tilespmem:s0], [sflag:$0x2] =	stream.linear.gather [hbm4b:s3+s25], $0x80, $0x38;
	[tilespmem:$0x1E800] =	vst v63  }
0x2a2: {  	s30 =	sadd.s32 $0x10, s30;
	s0 =	sadd.s32 $0x100, s0  }
0x2a3: {  	s0 =	simm.s32 $0x1C700  }
0x2a4: {  	s3 =	simm.s32 $0x10;
	s28 =	sadd.s32 $0x0, s12;
	s25 =	simm.s32 $0x1C800  }
.LBB2_52:
0x2a5: {  	[tilespmem:s0], [sflag:$0x2] =	stream.linear.gather [hbm4b:s28+s5], $0x80, $0x38;
	[tilespmem:$0x1E800] =	vst v63  }
0x2a6: {  	s28 =	smov.u32 s3;
	s0 =	smov.u32 s25;
	p0 =	sne.s32 s3, $0x1F0  }
.Ltmp25:
0x2a7: {  	s3 =	sadd.s32 $0x10, s3;
	(pc) =	sbr.rel @p0 .LBB2_52-.Ltmp25, $2  }
0x2a8: {  	_ =	sdelay $0x2  }
0x2a9: {  	s25 =	sadd.s32 $0x100, s25;
	s28 =	sadd.s32 s28, s12  }
0x2aa: {  	[tilespmem:s0], [sflag:$0x2] =	stream.linear.gather [hbm4b:s28+s5], $0x80, $0x38;
	[tilespmem:$0x1E800] =	vst v63  }
0x2ab: {  	_ =	swait.ge [sflag:s24], $0x1000  }
0x2ac: {  	[sflag:s24] =	ssyncset.done $0x0  }
0x2ad: {  	[sflag:s24] =	ssyncadd.s32 $0xFFFFF000  }
0x2ae: {  	_ =	swait.ge [sflag:s24], $0x1000  }
0x2af: {  	[sflag:s24] =	ssyncset.done $0x0  }
0x2b0: {  	[sflag:s24] =	ssyncadd.s32 $0xFFFFF000  }
0x2b1: {  	_ =	swait.ge [sflag:s24], $0x1000  }
0x2b2: {  	[sflag:s24] =	ssyncset.done $0x0  }
0x2b3: {  	s3 =	simm.s32 $0x1C7F0;
	[sflag:s24] =	ssyncadd.s32 $0xFFFFF000  }
0x2b4: {  	s31 =	simm.s32 $0x187F0;
	v9 =	vld [tilespmem:s3+$0xFFFFFFF0]  }
0x2b5: {  	s0 =	simm.s32 $0x1A7F0;
	v3 =	vld [tilespmem:s31+$0xFFFFFFF0]  }
0x2b6: {  	v4 =	vld [tilespmem:s0+$0xFFFFFFF0]  }
0x2b7: {  	v7 =	vld [tilespmem:s31+$0x0]  }
0x2b8: {  	v8 =	vld [tilespmem:s0+$0x0]  }
0x2b9: {  	v10 =	vld [tilespmem:s31+$0xFFFFFFD0]  }
0x2ba: {  	v11 =	vld [tilespmem:s0+$0xFFFFFFD0]  }
0x2bb: {  	v12 =	vld [tilespmem:s31+$0xFFFFFFE0]  }
0x2bc: {  	v13 =	vld [tilespmem:s0+$0xFFFFFFE0]  }
0x2bd: {  	v14 =	vld [tilespmem:s0+$0xFFFFFFB0]  }
0x2be: {  	v15 =	vld [tilespmem:s0+$0xFFFFFFC0]  }
0x2bf: {  	v16 =	vld [tilespmem:s31+$0xFFFFFFB0]  }
0x2c0: {  	v17 =	vld [tilespmem:s31+$0xFFFFFFC0]  }
0x2c1: {  	v18 =	vld [tilespmem:s0+$0xFFFFFF90]  }
0x2c2: {  	v19 =	vld [tilespmem:s0+$0xFFFFFFA0]  }
0x2c3: {  	v21 =	vld [tilespmem:s31+$0xFFFFFF90]  }
0x2c4: {  	v22 =	vld [tilespmem:s31+$0xFFFFFFA0]  }
0x2c5: {  	s30 =	simm.s32 $0x0;
	v24 =	vld [tilespmem:s3+$0x0]  }
0x2c6: {  	v23 =	vld.idx.msk [tilespmem:v3+s30+$0x0], $0xffff  }
0x2c7: {  	v4 =	vld.idx.msk [tilespmem:v4+s30+$0x0], $0xffff  }
0x2c8: {  	v25 =	vld.idx.msk [tilespmem:v7+s30+$0x0], $0xffff  }
0x2c9: {  	v3 =	vld.idx.msk [tilespmem:v8+s30+$0x0], $0xffff  }
0x2ca: {  	v26 =	vld.idx.msk [tilespmem:v10+s30+$0x0], $0xffff  }
0x2cb: {  	v27 =	vld.idx.msk [tilespmem:v11+s30+$0x0], $0xffff  }
0x2cc: {  	v31 =	vld.idx.msk [tilespmem:v12+s30+$0x0], $0xffff  }
0x2cd: {  	v30 =	vld.idx.msk [tilespmem:v13+s30+$0x0], $0xffff  }
0x2ce: {  	v32 =	vld.idx.msk [tilespmem:v14+s30+$0x0], $0xffff  }
0x2cf: {  	v12 =	vld.idx.msk [tilespmem:v15+s30+$0x0], $0xffff  }
0x2d0: {  	v15 =	vld.idx.msk [tilespmem:v16+s30+$0x0], $0xffff  }
0x2d1: {  	v14 =	vld.idx.msk [tilespmem:v17+s30+$0x0], $0xffff  }
0x2d2: {  	v20 =	vld.idx.msk [tilespmem:v18+s30+$0x0], $0xffff  }
0x2d3: {  	v18 =	vld.idx.msk [tilespmem:v19+s30+$0x0], $0xffff  }
0x2d4: {  	v17 =	vld.idx.msk [tilespmem:v21+s30+$0x0], $0xffff  }
0x2d5: {  	v22 =	vld.idx.msk [tilespmem:v22+s30+$0x0], $0xffff;
	v7 =	vand.u32 $0x7FFFFFFF, v23;
	v8 =	vand.u32 $0x7FFFFFFF, v25  }
0x2d6: {  	v28 =	vld [tilespmem:s3+$0xFFFFFFD0];
	v10 =	vand.u32 $0x7FFFFFFF, v27;
	v11 =	vand.u32 $0x7FFFFFFF, v30;
	v36 =	vmul.f32 v4, v23  }
0x2d7: {  	v33 =	vmul.f32 v27, v26;
	v13 =	vand.u32 $0x7FFFFFFF, v26;
	v23 =	vld [tilespmem:s3+$0xFFFFFFE0];
	v34 =	vmul.f32 v3, v25  }
0x2d8: {  	v27 =	vld [tilespmem:s3+$0xFFFFFFB0];
	v29 =	vmul.f32 v32, v15;
	v30 =	vmul.f32 v30, v31;
	v16 =	vand.u32 $0x7FFFFFFF, v31  }
0x2d9: {  	v25 =	vld [tilespmem:s3+$0xFFFFFF90];
	v26 =	vmul.f32 v20, v17;
	v19 =	vand.u32 $0x7FFFFFFF, v32;
	v21 =	vmul.f32 v12, v14  }
0x2da: {  	s25 =	simm.s32 $0x0;
	s28 =	simm.s32 $0x1C8F0;
	v35 =	vand.u32 $0x7FFFFFFF, v17;
	v31 =	vld [tilespmem:s3+$0xFFFFFFA0];
	v32 =	vmul.f32 v18, v22;
	v17 =	vsub.f32 v9, v36  }
.LBB2_54:
0x2db: {  	v9 =	vld [tilespmem:s28+$0xFFFFFFF0];
	v22 =	vand.u32 $0x7FFFFFFF, v22;
	v28 =	vsub.f32 v28, v33;
	v24 =	vsub.f32 v24, v34  }
0x2dc: {  	v6 =	vadd.f32 v35, v6;
	v20 =	vand.u32 $0x7FFFFFFF, v20;
	s31 =	sadd.s32 $0x100, s31;
	v5 =	vadd.f32 v22, v5;
	v22 =	vld [tilespmem:s3+$0xFFFFFFC0];
	s3 =	smov.u32 s28  }
0x2dd: {  	v18 =	vand.u32 $0x7FFFFFFF, v18;
	s0 =	sadd.s32 $0x100, s0;
	v23 =	vsub.f32 v23, v30;
	v33 =	vld [tilespmem:s31+$0xFFFFFFF0];
	v27 =	vsub.f32 v27, v29  }
0x2de: {  	v15 =	vand.u32 $0x7FFFFFFF, v15;
	v6 =	vadd.f32 v20, v6;
	v29 =	vld [tilespmem:s0+$0xFFFFFFF0];
	v5 =	vadd.f32 v18, v5  }
0x2df: {  	v14 =	vand.u32 $0x7FFFFFFF, v14;
	v20 =	vsub.f32 v25, v26;
	v18 =	vld [tilespmem:s31+$0x0];
	v25 =	vsub.f32 v31, v32  }
0x2e0: {  	v12 =	vand.u32 $0x7FFFFFFF, v12;
	v6 =	vadd.f32 v15, v6;
	v26 =	vld [tilespmem:s0+$0x0];
	v5 =	vadd.f32 v14, v5  }
0x2e1: {  	v15 =	vmul.f32 v20, v20;
	v14 =	vld [tilespmem:s31+$0xFFFFFFD0];
	v20 =	vmul.f32 v25, v25;
	v21 =	vsub.f32 v22, v21  }
0x2e2: {  	v25 =	vmul.f32 v27, v27;
	v6 =	vadd.f32 v19, v6;
	v22 =	vld [tilespmem:s0+$0xFFFFFFD0];
	v5 =	vadd.f32 v12, v5  }
0x2e3: {  	v1 =	vadd.f32 v15, v1;
	v12 =	vld [tilespmem:s31+$0xFFFFFFE0];
	v2 =	vadd.f32 v20, v2;
	v15 =	vmul.f32 v21, v21  }
0x2e4: {  	v20 =	vmul.f32 v28, v28;
	v6 =	vadd.f32 v13, v6;
	v19 =	vld [tilespmem:s0+$0xFFFFFFE0];
	v5 =	vadd.f32 v16, v5  }
0x2e5: {  	v1 =	vadd.f32 v25, v1;
	v13 =	vld [tilespmem:s0+$0xFFFFFFB0];
	v2 =	vadd.f32 v15, v2;
	v15 =	vmul.f32 v23, v23  }
0x2e6: {  	v6 =	vadd.f32 v10, v6;
	v10 =	vmul.f32 v17, v17;
	v16 =	vld [tilespmem:s0+$0xFFFFFFC0];
	v5 =	vadd.f32 v11, v5  }
0x2e7: {  	v1 =	vadd.f32 v20, v1;
	v11 =	vld [tilespmem:s31+$0xFFFFFFB0];
	v2 =	vadd.f32 v15, v2;
	v15 =	vmul.f32 v24, v24  }
0x2e8: {  	v4 =	vand.u32 $0x7FFFFFFF, v4;
	v6 =	vadd.f32 v7, v6;
	v17 =	vld [tilespmem:s31+$0xFFFFFFC0];
	v5 =	vadd.f32 v8, v5  }
0x2e9: {  	v3 =	vand.u32 $0x7FFFFFFF, v3;
	v1 =	vadd.f32 v10, v1;
	v7 =	vld [tilespmem:s0+$0xFFFFFF90];
	v2 =	vadd.f32 v15, v2  }
0x2ea: {  	v6 =	vadd.f32 v4, v6;
	v8 =	vld [tilespmem:s0+$0xFFFFFFA0];
	v5 =	vadd.f32 v3, v5  }
0x2eb: {  	v10 =	vld [tilespmem:s31+$0xFFFFFF90]  }
0x2ec: {  	v21 =	vld [tilespmem:s31+$0xFFFFFFA0]  }
0x2ed: {  	v23 =	vld.idx.msk [tilespmem:v33+s30+$0x0], $0xffff  }
0x2ee: {  	v4 =	vld.idx.msk [tilespmem:v29+s30+$0x0], $0xffff  }
0x2ef: {  	v25 =	vld.idx.msk [tilespmem:v18+s30+$0x0], $0xffff  }
0x2f0: {  	v3 =	vld.idx.msk [tilespmem:v26+s30+$0x0], $0xffff  }
0x2f1: {  	v26 =	vld.idx.msk [tilespmem:v14+s30+$0x0], $0xffff  }
0x2f2: {  	v27 =	vld.idx.msk [tilespmem:v22+s30+$0x0], $0xffff  }
0x2f3: {  	v31 =	vld.idx.msk [tilespmem:v12+s30+$0x0], $0xffff  }
0x2f4: {  	v19 =	vld.idx.msk [tilespmem:v19+s30+$0x0], $0xffff  }
0x2f5: {  	s25 =	sadd.s32 $0x80, s25;
	v32 =	vld.idx.msk [tilespmem:v13+s30+$0x0], $0xffff  }
0x2f6: {  	p0 =	slt.u32 s25, $0xF80;
	v12 =	vld.idx.msk [tilespmem:v16+s30+$0x0], $0xffff  }
0x2f7: {  	v15 =	vld.idx.msk [tilespmem:v11+s30+$0x0], $0xffff  }
0x2f8: {  	v14 =	vld.idx.msk [tilespmem:v17+s30+$0x0], $0xffff  }
0x2f9: {  	v20 =	vld.idx.msk [tilespmem:v7+s30+$0x0], $0xffff  }
0x2fa: {  	v18 =	vld.idx.msk [tilespmem:v8+s30+$0x0], $0xffff  }
0x2fb: {  	v17 =	vld.idx.msk [tilespmem:v10+s30+$0x0], $0xffff  }
0x2fc: {  	v22 =	vld.idx.msk [tilespmem:v21+s30+$0x0], $0xffff  }
0x2fd: {  	v7 =	vand.u32 $0x7FFFFFFF, v23;
	v8 =	vand.u32 $0x7FFFFFFF, v25;
	v24 =	vld [tilespmem:s28+$0x0]  }
.Ltmp26:
0x2fe: {  	v36 =	vmul.f32 v4, v23;
	v11 =	vand.u32 $0x7FFFFFFF, v19;
	v10 =	vand.u32 $0x7FFFFFFF, v27;
	v28 =	vld [tilespmem:s28+$0xFFFFFFD0];
	(pc) =	sbr.rel @p0 .LBB2_54-.Ltmp26, $4  }
0x2ff: {  	v34 =	vmul.f32 v3, v25;
	v13 =	vand.u32 $0x7FFFFFFF, v26;
	v33 =	vmul.f32 v27, v26;
	v23 =	vld [tilespmem:s28+$0xFFFFFFE0]  }
0x300: {  	v16 =	vand.u32 $0x7FFFFFFF, v31;
	v30 =	vmul.f32 v19, v31;
	v29 =	vmul.f32 v32, v15;
	v27 =	vld [tilespmem:s28+$0xFFFFFFB0]  }
0x301: {  	v19 =	vand.u32 $0x7FFFFFFF, v32;
	v21 =	vmul.f32 v12, v14;
	v26 =	vmul.f32 v20, v17;
	v25 =	vld [tilespmem:s28+$0xFFFFFF90]  }
0x302: {  	v35 =	vand.u32 $0x7FFFFFFF, v17;
	v17 =	vsub.f32 v9, v36;
	v32 =	vmul.f32 v18, v22;
	s28 =	sadd.s32 $0x100, s28;
	v31 =	vld [tilespmem:s3+$0xFFFFFFA0]  }
0x303: {  	v9 =	vand.u32 $0x7FFFFFFF, v22;
	v53 =	vsub.f32 v28, v33;
	v24 =	vsub.f32 v24, v34  }
0x304: {  	v6 =	vadd.f32 v35, v6;
	v20 =	vand.u32 $0x7FFFFFFF, v20;
	v54 =	vld [tilespmem:s3+$0xFFFFFFC0];
	v5 =	vadd.f32 v9, v5  }
0x305: {  	v18 =	vand.u32 $0x7FFFFFFF, v18;
	v23 =	vsub.f32 v23, v30;
	v27 =	vsub.f32 v27, v29  }
0x306: {  	v15 =	vand.u32 $0x7FFFFFFF, v15;
	v6 =	vadd.f32 v20, v6;
	v5 =	vadd.f32 v18, v5  }
0x307: {  	v14 =	vand.u32 $0x7FFFFFFF, v14;
	v55 =	vsub.f32 v25, v26;
	v56 =	vsub.f32 v31, v32  }
0x308: {  	v12 =	vand.u32 $0x7FFFFFFF, v12;
	v6 =	vadd.f32 v15, v6;
	v5 =	vadd.f32 v14, v5  }
0x309: {  	v57 =	vmul.f32 v55, v55;
	v9 =	vsub.f32 v54, v21;
	v58 =	vmul.f32 v56, v56  }
0x30a: {  	v59 =	vmul.f32 v27, v27;
	v6 =	vadd.f32 v19, v6;
	v5 =	vadd.f32 v12, v5  }
0x30b: {  	v1 =	vadd.f32 v57, v1;
	v9 =	vmul.f32 v9, v9;
	v2 =	vadd.f32 v58, v2  }
0x30c: {  	v60 =	vmul.f32 v53, v53;
	v6 =	vadd.f32 v13, v6;
	v5 =	vadd.f32 v16, v5  }
0x30d: {  	v61 =	vmul.f32 v23, v23;
	v1 =	vadd.f32 v59, v1;
	v2 =	vadd.f32 v9, v2  }
0x30e: {  	v62 =	vmul.f32 v17, v17;
	v6 =	vadd.f32 v10, v6;
	v5 =	vadd.f32 v11, v5  }
0x30f: {  	v63 =	vmul.f32 v24, v24;
	v1 =	vadd.f32 v60, v1;
	v9 =	vadd.f32 v61, v2  }
0x310: {  	v4 =	vand.u32 $0x7FFFFFFF, v4;
	v6 =	vadd.f32 v7, v6;
	v7 =	vadd.f32 v8, v5  }
0x311: {  	v3 =	vand.u32 $0x7FFFFFFF, v3;
	v2 =	vadd.f32 v62, v1;
	v1 =	vadd.f32 v63, v9  }
0x312: {  	s0 =	simm.s32 $0x18780;
	s3 =	simm.s32 $0x0;
	v5 =	vadd.f32 v4, v6;
	v6 =	vadd.f32 v3, v7  }
.LBB2_56:
0x313: {  	p0 =	sne.s32 s3, $0x1F0  }
.Ltmp27:
0x314: {  	_ = 	snop;
	(pc) =	sbr.rel @p0 .LBB2_56-.Ltmp27, $4  }
0x315: {  	_ = 	snop  }
0x316: {  	s25 =	sadd.s32 s3, s13  }
0x317: {  	[tilespmem:s0], [sflag:$0x3] =	stream.linear.gather [hbm4b:s25+s30], $0x80, $0x38;
	[tilespmem:$0x1E800] =	vst v63  }
0x318: {  	s3 =	sadd.s32 $0x10, s3;
	s0 =	sadd.s32 $0x100, s0  }
0x319: {  	s0 =	simm.s32 $0x1A780  }
.LBB2_58:
0x31a: {  	p0 =	sne.s32 s30, $0x1F0  }
.Ltmp28:
0x31b: {  	_ = 	snop;
	(pc) =	sbr.rel @p0 .LBB2_58-.Ltmp28, $4  }
0x31c: {  	_ = 	snop  }
0x31d: {  	s3 =	sadd.s32 s30, s14;
	s25 =	simm.s32 $0x0  }
0x31e: {  	[tilespmem:s0], [sflag:$0x3] =	stream.linear.gather [hbm4b:s3+s25], $0x80, $0x38;
	[tilespmem:$0x1E800] =	vst v63  }
0x31f: {  	s30 =	sadd.s32 $0x10, s30;
	s0 =	sadd.s32 $0x100, s0  }
0x320: {  	s0 =	simm.s32 $0x1C780  }
0x321: {  	s3 =	simm.s32 $0x10;
	s28 =	sadd.s32 $0x0, s15;
	s25 =	simm.s32 $0x1C880  }
.LBB2_60:
0x322: {  	[tilespmem:s0], [sflag:$0x3] =	stream.linear.gather [hbm4b:s28+s5], $0x80, $0x38;
	[tilespmem:$0x1E800] =	vst v63  }
0x323: {  	s28 =	smov.u32 s3;
	s0 =	smov.u32 s25;
	p0 =	sne.s32 s3, $0x1F0  }
.Ltmp29:
0x324: {  	s3 =	sadd.s32 $0x10, s3;
	(pc) =	sbr.rel @p0 .LBB2_60-.Ltmp29, $2  }
0x325: {  	_ =	sdelay $0x2  }
0x326: {  	s25 =	sadd.s32 $0x100, s25;
	s28 =	sadd.s32 s28, s15  }
0x327: {  	[tilespmem:s0], [sflag:$0x3] =	stream.linear.gather [hbm4b:s28+s5], $0x80, $0x38;
	[tilespmem:$0x1E800] =	vst v63  }
0x328: {  	_ =	swait.ge [sflag:s22], $0x1000  }
0x329: {  	[sflag:s22] =	ssyncset.done $0x0  }
0x32a: {  	[sflag:s22] =	ssyncadd.s32 $0xFFFFF000  }
0x32b: {  	_ =	swait.ge [sflag:s22], $0x1000  }
0x32c: {  	[sflag:s22] =	ssyncset.done $0x0  }
0x32d: {  	[sflag:s22] =	ssyncadd.s32 $0xFFFFF000  }
0x32e: {  	_ =	swait.ge [sflag:s22], $0x1000  }
0x32f: {  	[sflag:s22] =	ssyncset.done $0x0  }
0x330: {  	s3 =	simm.s32 $0x1C740;
	[sflag:s22] =	ssyncadd.s32 $0xFFFFF000  }
0x331: {  	s30 =	simm.s32 $0x18740;
	v15 =	vld [tilespmem:s3+$0x20]  }
0x332: {  	s0 =	simm.s32 $0x1A740;
	v3 =	vld [tilespmem:s30+$0x20]  }
0x333: {  	v4 =	vld [tilespmem:s0+$0x20]  }
0x334: {  	v7 =	vld [tilespmem:s30+$0x30]  }
0x335: {  	v8 =	vld [tilespmem:s0+$0x30]  }
0x336: {  	v9 =	vld [tilespmem:s30+$0x0]  }
0x337: {  	v10 =	vld [tilespmem:s0+$0x0]  }
0x338: {  	v11 =	vld [tilespmem:s30+$0x10]  }
0x339: {  	v12 =	vld [tilespmem:s0+$0x10]  }
0x33a: {  	v13 =	vld [tilespmem:s0+$0xFFFFFFE0]  }
0x33b: {  	v14 =	vld [tilespmem:s0+$0xFFFFFFF0]  }
0x33c: {  	v16 =	vld [tilespmem:s30+$0xFFFFFFE0]  }
0x33d: {  	v18 =	vld [tilespmem:s30+$0xFFFFFFF0]  }
0x33e: {  	v19 =	vld [tilespmem:s0+$0xFFFFFFC0]  }
0x33f: {  	v21 =	vld [tilespmem:s0+$0xFFFFFFD0]  }
0x340: {  	v22 =	vld [tilespmem:s30+$0xFFFFFFC0]  }
0x341: {  	v23 =	vld [tilespmem:s30+$0xFFFFFFD0]  }
0x342: {  	v25 =	vld [tilespmem:s3+$0x30]  }
0x343: {  	v24 =	vld.idx.msk [tilespmem:v3+s5+$0x0], $0xffff  }
0x344: {  	v4 =	vld.idx.msk [tilespmem:v4+s5+$0x0], $0xffff  }
0x345: {  	v26 =	vld.idx.msk [tilespmem:v7+s5+$0x0], $0xffff  }
0x346: {  	v3 =	vld.idx.msk [tilespmem:v8+s5+$0x0], $0xffff  }
0x347: {  	v27 =	vld.idx.msk [tilespmem:v9+s5+$0x0], $0xffff  }
0x348: {  	v28 =	vld.idx.msk [tilespmem:v10+s5+$0x0], $0xffff  }
0x349: {  	v31 =	vld.idx.msk [tilespmem:v11+s5+$0x0], $0xffff  }
0x34a: {  	v29 =	vld.idx.msk [tilespmem:v12+s5+$0x0], $0xffff  }
0x34b: {  	v35 =	vld.idx.msk [tilespmem:v13+s5+$0x0], $0xffff  }
0x34c: {  	v11 =	vld.idx.msk [tilespmem:v14+s5+$0x0], $0xffff  }
0x34d: {  	v17 =	vld.idx.msk [tilespmem:v16+s5+$0x0], $0xffff  }
0x34e: {  	v13 =	vld.idx.msk [tilespmem:v18+s5+$0x0], $0xffff  }
0x34f: {  	v20 =	vld.idx.msk [tilespmem:v19+s5+$0x0], $0xffff  }
0x350: {  	v18 =	vld.idx.msk [tilespmem:v21+s5+$0x0], $0xffff  }
0x351: {  	v16 =	vld.idx.msk [tilespmem:v22+s5+$0x0], $0xffff  }
0x352: {  	v22 =	vld.idx.msk [tilespmem:v23+s5+$0x0], $0xffff;
	v8 =	vand.u32 $0x7FFFFFFF, v24;
	v7 =	vand.u32 $0x7FFFFFFF, v26  }
0x353: {  	v30 =	vld [tilespmem:s3+$0x0];
	v10 =	vand.u32 $0x7FFFFFFF, v28;
	v9 =	vand.u32 $0x7FFFFFFF, v29;
	v36 =	vmul.f32 v4, v24  }
0x354: {  	v23 =	vld [tilespmem:s3+$0x10];
	v33 =	vmul.f32 v28, v27;
	v12 =	vand.u32 $0x7FFFFFFF, v27;
	v34 =	vmul.f32 v3, v26  }
0x355: {  	v28 =	vld [tilespmem:s3+$0xFFFFFFE0];
	v32 =	vmul.f32 v35, v17;
	v29 =	vmul.f32 v29, v31;
	v14 =	vand.u32 $0x7FFFFFFF, v31  }
0x356: {  	v24 =	vld [tilespmem:s3+$0xFFFFFFC0];
	v26 =	vmul.f32 v20, v16;
	v19 =	vand.u32 $0x7FFFFFFF, v35;
	v21 =	vmul.f32 v11, v13  }
0x357: {  	s25 =	simm.s32 $0x0;
	s28 =	simm.s32 $0x1C840;
	v35 =	vand.u32 $0x7FFFFFFF, v16;
	v27 =	vld [tilespmem:s3+$0xFFFFFFD0];
	v31 =	vmul.f32 v18, v22;
	v16 =	vsub.f32 v15, v36  }
.LBB2_62:
0x358: {  	v15 =	vld [tilespmem:s28+$0x20];
	v22 =	vand.u32 $0x7FFFFFFF, v22;
	v30 =	vsub.f32 v30, v33;
	v25 =	vsub.f32 v25, v34  }
0x359: {  	v5 =	vadd.f32 v35, v5;
	v20 =	vand.u32 $0x7FFFFFFF, v20;
	s30 =	sadd.s32 $0x100, s30;
	v6 =	vadd.f32 v22, v6;
	v22 =	vld [tilespmem:s3+$0xFFFFFFF0];
	s3 =	smov.u32 s28  }
0x35a: {  	v18 =	vand.u32 $0x7FFFFFFF, v18;
	s0 =	sadd.s32 $0x100, s0;
	v23 =	vsub.f32 v23, v29;
	v33 =	vld [tilespmem:s30+$0x20];
	v28 =	vsub.f32 v28, v32  }
0x35b: {  	v17 =	vand.u32 $0x7FFFFFFF, v17;
	v5 =	vadd.f32 v20, v5;
	v29 =	vld [tilespmem:s0+$0x20];
	v6 =	vadd.f32 v18, v6  }
0x35c: {  	v13 =	vand.u32 $0x7FFFFFFF, v13;
	v20 =	vsub.f32 v24, v26;
	v18 =	vld [tilespmem:s30+$0x30];
	v24 =	vsub.f32 v27, v31  }
0x35d: {  	v11 =	vand.u32 $0x7FFFFFFF, v11;
	v5 =	vadd.f32 v17, v5;
	v26 =	vld [tilespmem:s0+$0x30];
	v6 =	vadd.f32 v13, v6  }
0x35e: {  	v17 =	vmul.f32 v20, v20;
	v13 =	vld [tilespmem:s30+$0x0];
	v20 =	vmul.f32 v24, v24;
	v21 =	vsub.f32 v22, v21  }
0x35f: {  	v24 =	vmul.f32 v28, v28;
	v5 =	vadd.f32 v19, v5;
	v22 =	vld [tilespmem:s0+$0x0];
	v6 =	vadd.f32 v11, v6  }
0x360: {  	v2 =	vadd.f32 v17, v2;
	v11 =	vld [tilespmem:s30+$0x10];
	v1 =	vadd.f32 v20, v1;
	v17 =	vmul.f32 v21, v21  }
0x361: {  	v20 =	vmul.f32 v30, v30;
	v5 =	vadd.f32 v12, v5;
	v19 =	vld [tilespmem:s0+$0x10];
	v6 =	vadd.f32 v14, v6  }
0x362: {  	v2 =	vadd.f32 v24, v2;
	v14 =	vmul.f32 v23, v23;
	v12 =	vld [tilespmem:s0+$0xFFFFFFE0];
	v1 =	vadd.f32 v17, v1  }
0x363: {  	v5 =	vadd.f32 v10, v5;
	v17 =	vld [tilespmem:s0+$0xFFFFFFF0];
	v6 =	vadd.f32 v9, v6;
	v9 =	vmul.f32 v16, v16  }
0x364: {  	v2 =	vadd.f32 v20, v2;
	v10 =	vld [tilespmem:s30+$0xFFFFFFE0];
	v1 =	vadd.f32 v14, v1;
	v14 =	vmul.f32 v25, v25  }
0x365: {  	v4 =	vand.u32 $0x7FFFFFFF, v4;
	v5 =	vadd.f32 v8, v5;
	v16 =	vld [tilespmem:s30+$0xFFFFFFF0];
	v6 =	vadd.f32 v7, v6  }
0x366: {  	v3 =	vand.u32 $0x7FFFFFFF, v3;
	v2 =	vadd.f32 v9, v2;
	v7 =	vld [tilespmem:s0+$0xFFFFFFC0];
	v1 =	vadd.f32 v14, v1  }
0x367: {  	v5 =	vadd.f32 v4, v5;
	v8 =	vld [tilespmem:s0+$0xFFFFFFD0];
	v6 =	vadd.f32 v3, v6  }
0x368: {  	v9 =	vld [tilespmem:s30+$0xFFFFFFC0]  }
0x369: {  	v14 =	vld [tilespmem:s30+$0xFFFFFFD0]  }
0x36a: {  	v21 =	vld.idx.msk [tilespmem:v33+s5+$0x0], $0xffff  }
0x36b: {  	v4 =	vld.idx.msk [tilespmem:v29+s5+$0x0], $0xffff  }
0x36c: {  	v24 =	vld.idx.msk [tilespmem:v18+s5+$0x0], $0xffff  }
0x36d: {  	v3 =	vld.idx.msk [tilespmem:v26+s5+$0x0], $0xffff  }
0x36e: {  	v23 =	vld.idx.msk [tilespmem:v13+s5+$0x0], $0xffff  }
0x36f: {  	v26 =	vld.idx.msk [tilespmem:v22+s5+$0x0], $0xffff  }
0x370: {  	v27 =	vld.idx.msk [tilespmem:v11+s5+$0x0], $0xffff  }
0x371: {  	v19 =	vld.idx.msk [tilespmem:v19+s5+$0x0], $0xffff  }
0x372: {  	s25 =	sadd.s32 $0x80, s25;
	v31 =	vld.idx.msk [tilespmem:v12+s5+$0x0], $0xffff  }
0x373: {  	p0 =	slt.u32 s25, $0xF80;
	v11 =	vld.idx.msk [tilespmem:v17+s5+$0x0], $0xffff  }
0x374: {  	v17 =	vld.idx.msk [tilespmem:v10+s5+$0x0], $0xffff  }
0x375: {  	v13 =	vld.idx.msk [tilespmem:v16+s5+$0x0], $0xffff  }
0x376: {  	v20 =	vld.idx.msk [tilespmem:v7+s5+$0x0], $0xffff  }
0x377: {  	v18 =	vld.idx.msk [tilespmem:v8+s5+$0x0], $0xffff  }
0x378: {  	v16 =	vld.idx.msk [tilespmem:v9+s5+$0x0], $0xffff  }
0x379: {  	v22 =	vld.idx.msk [tilespmem:v14+s5+$0x0], $0xffff  }
0x37a: {  	v7 =	vand.u32 $0x7FFFFFFF, v24;
	v8 =	vand.u32 $0x7FFFFFFF, v21;
	v25 =	vld [tilespmem:s28+$0x30]  }
.Ltmp30:
0x37b: {  	v36 =	vmul.f32 v4, v21;
	v10 =	vand.u32 $0x7FFFFFFF, v26;
	v9 =	vand.u32 $0x7FFFFFFF, v19;
	v30 =	vld [tilespmem:s28+$0x0];
	(pc) =	sbr.rel @p0 .LBB2_62-.Ltmp30, $4  }
0x37c: {  	v34 =	vmul.f32 v3, v24;
	v12 =	vand.u32 $0x7FFFFFFF, v23;
	v33 =	vmul.f32 v26, v23;
	v23 =	vld [tilespmem:s28+$0x10]  }
0x37d: {  	v29 =	vmul.f32 v19, v27;
	v32 =	vmul.f32 v31, v17;
	v14 =	vand.u32 $0x7FFFFFFF, v27;
	v28 =	vld [tilespmem:s28+$0xFFFFFFE0]  }
0x37e: {  	v19 =	vand.u32 $0x7FFFFFFF, v31;
	v21 =	vmul.f32 v11, v13;
	v26 =	vmul.f32 v20, v16;
	v24 =	vld [tilespmem:s28+$0xFFFFFFC0]  }
0x37f: {  	v35 =	vand.u32 $0x7FFFFFFF, v16;
	v16 =	vsub.f32 v15, v36;
	v31 =	vmul.f32 v18, v22;
	s28 =	sadd.s32 $0x100, s28;
	v27 =	vld [tilespmem:s3+$0xFFFFFFD0]  }
0x380: {  	v15 =	vld [tilespmem:s3+$0xFFFFFFF0];
	_ =	swait.ge [sflag:s24], $0x1000  }
0x381: {  	[sflag:s24] =	ssyncset.done $0x0  }
0x382: {  	[sflag:s24] =	ssyncadd.s32 $0xFFFFF000  }
0x383: {  	_ =	swait.ge [sflag:s24], $0x1000  }
0x384: {  	[sflag:s24] =	ssyncset.done $0x0  }
0x385: {  	[sflag:s24] =	ssyncadd.s32 $0xFFFFF000  }
0x386: {  	_ =	swait.ge [sflag:s24], $0x1000  }
0x387: {  	[sflag:s24] =	ssyncset.done $0x0  }
0x388: {  	s30 =	simm.s32 $0x1C7F0;
	[sflag:s24] =	ssyncadd.s32 $0xFFFFF000  }
0x389: {  	s31 =	simm.s32 $0x187F0;
	v36 =	vld [tilespmem:s30+$0xFFFFFFF0]  }
0x38a: {  	s3 =	simm.s32 $0x1A7F0;
	v37 =	vld [tilespmem:s31+$0xFFFFFFF0]  }
0x38b: {  	v38 =	vld [tilespmem:s3+$0xFFFFFFF0]  }
0x38c: {  	v39 =	vld [tilespmem:s31+$0x0]  }
0x38d: {  	v40 =	vld [tilespmem:s3+$0x0]  }
0x38e: {  	v41 =	vld [tilespmem:s31+$0xFFFFFFD0]  }
0x38f: {  	v42 =	vld [tilespmem:s3+$0xFFFFFFD0]  }
0x390: {  	v43 =	vld [tilespmem:s31+$0xFFFFFFE0]  }
0x391: {  	v44 =	vld [tilespmem:s3+$0xFFFFFFE0]  }
0x392: {  	v45 =	vld [tilespmem:s3+$0xFFFFFFB0]  }
0x393: {  	v46 =	vld [tilespmem:s3+$0xFFFFFFC0]  }
0x394: {  	v62 =	vadd.f32 v35, v5;
	v22 =	vand.u32 $0x7FFFFFFF, v22;
	v47 =	vld [tilespmem:s31+$0xFFFFFFB0]  }
0x395: {  	v22 =	vadd.f32 v22, v6;
	v6 =	vand.u32 $0x7FFFFFFF, v20;
	v48 =	vld [tilespmem:s31+$0xFFFFFFC0]  }
0x396: {  	v18 =	vand.u32 $0x7FFFFFFF, v18;
	v23 =	vsub.f32 v23, v29;
	v29 =	vadd.f32 v6, v62;
	v49 =	vld [tilespmem:s3+$0xFFFFFF90]  }
0x397: {  	v17 =	vand.u32 $0x7FFFFFFF, v17;
	v18 =	vadd.f32 v18, v22;
	v22 =	vsub.f32 v24, v26;
	v50 =	vld [tilespmem:s3+$0xFFFFFFA0]  }
0x398: {  	v24 =	vsub.f32 v27, v31;
	v17 =	vadd.f32 v17, v29;
	v51 =	vld [tilespmem:s31+$0xFFFFFF90]  }
0x399: {  	v52 =	vld [tilespmem:s31+$0xFFFFFFA0]  }
0x39a: {  	v17 =	vadd.f32 v19, v17;
	v19 =	vmul.f32 v24, v24;
	v24 =	vld [tilespmem:s30+$0x0]  }
0x39b: {  	v61 =	vld.idx.msk [tilespmem:v37+s5+$0x0], $0xffff  }
0x39c: {  	v5 =	vld.idx.msk [tilespmem:v38+s5+$0x0], $0xffff  }
0x39d: {  	v20 =	vld.idx.msk [tilespmem:v39+s5+$0x0], $0xffff  }
0x39e: {  	v6 =	vld.idx.msk [tilespmem:v40+s5+$0x0], $0xffff  }
0x39f: {  	v30 =	vsub.f32 v30, v33;
	v13 =	vand.u32 $0x7FFFFFFF, v13;
	v26 =	vld.idx.msk [tilespmem:v41+s5+$0x0], $0xffff  }
0x3a0: {  	v28 =	vsub.f32 v28, v32;
	v13 =	vadd.f32 v13, v18;
	v18 =	vmul.f32 v22, v22;
	v27 =	vld.idx.msk [tilespmem:v42+s5+$0x0], $0xffff  }
0x3a1: {  	v25 =	vsub.f32 v25, v34;
	v11 =	vand.u32 $0x7FFFFFFF, v11;
	v15 =	vsub.f32 v15, v21;
	v21 =	vld.idx.msk [tilespmem:v43+s5+$0x0], $0xffff  }
0x3a2: {  	v13 =	vadd.f32 v11, v13;
	v2 =	vadd.f32 v18, v2;
	v18 =	vmul.f32 v28, v28;
	v31 =	vld.idx.msk [tilespmem:v44+s5+$0x0], $0xffff  }
0x3a3: {  	v15 =	vmul.f32 v15, v15;
	v1 =	vadd.f32 v19, v1;
	v17 =	vadd.f32 v12, v17;
	v63 =	vld.idx.msk [tilespmem:v45+s5+$0x0], $0xffff  }
0x3a4: {  	v19 =	vmul.f32 v30, v30;
	v13 =	vadd.f32 v14, v13;
	v2 =	vadd.f32 v18, v2;
	v11 =	vld.idx.msk [tilespmem:v46+s5+$0x0], $0xffff  }
0x3a5: {  	v14 =	vmul.f32 v23, v23;
	v1 =	vadd.f32 v15, v1;
	v15 =	vadd.f32 v10, v17;
	v12 =	vld.idx.msk [tilespmem:v47+s5+$0x0], $0xffff  }
0x3a6: {  	v9 =	vadd.f32 v9, v13;
	v13 =	vmul.f32 v16, v16;
	v2 =	vadd.f32 v19, v2;
	v10 =	vld.idx.msk [tilespmem:v48+s5+$0x0], $0xffff  }
0x3a7: {  	v16 =	vmul.f32 v25, v25;
	v14 =	vadd.f32 v14, v1;
	v8 =	vadd.f32 v8, v15;
	v19 =	vld.idx.msk [tilespmem:v49+s5+$0x0], $0xffff  }
0x3a8: {  	v4 =	vand.u32 $0x7FFFFFFF, v4;
	v7 =	vadd.f32 v7, v9;
	v1 =	vadd.f32 v13, v2;
	v18 =	vld.idx.msk [tilespmem:v50+s5+$0x0], $0xffff  }
0x3a9: {  	v3 =	vand.u32 $0x7FFFFFFF, v3;
	v2 =	vadd.f32 v16, v14;
	v15 =	vadd.f32 v4, v8;
	v17 =	vld.idx.msk [tilespmem:v51+s5+$0x0], $0xffff  }
0x3aa: {  	v14 =	vadd.f32 v3, v7;
	v22 =	vld.idx.msk [tilespmem:v52+s5+$0x0], $0xffff;
	v3 =	vand.u32 $0x7FFFFFFF, v61;
	v4 =	vand.u32 $0x7FFFFFFF, v20  }
0x3ab: {  	v28 =	vld [tilespmem:s30+$0xFFFFFFD0];
	v8 =	vand.u32 $0x7FFFFFFF, v27;
	v9 =	vand.u32 $0x7FFFFFFF, v31;
	v7 =	vmul.f32 v5, v61  }
0x3ac: {  	v23 =	vld [tilespmem:s30+$0xFFFFFFE0];
	v33 =	vmul.f32 v27, v26;
	v13 =	vand.u32 $0x7FFFFFFF, v26;
	v34 =	vmul.f32 v6, v20  }
0x3ad: {  	v27 =	vld [tilespmem:s30+$0xFFFFFFB0];
	v29 =	vmul.f32 v63, v12;
	v30 =	vmul.f32 v31, v21;
	v16 =	vand.u32 $0x7FFFFFFF, v21  }
0x3ae: {  	v25 =	vld [tilespmem:s30+$0xFFFFFF90];
	v26 =	vmul.f32 v19, v17;
	v20 =	vand.u32 $0x7FFFFFFF, v63;
	v21 =	vmul.f32 v11, v10  }
0x3af: {  	s0 =	simm.s32 $0x0;
	s25 =	simm.s32 $0x1C8F0;
	v35 =	vand.u32 $0x7FFFFFFF, v17;
	v31 =	vld [tilespmem:s30+$0xFFFFFFA0];
	v32 =	vmul.f32 v18, v22;
	v17 =	vsub.f32 v36, v7  }
.LBB2_64:
0x3b0: {  	v7 =	vld [tilespmem:s25+$0xFFFFFFF0];
	v22 =	vand.u32 $0x7FFFFFFF, v22;
	v28 =	vsub.f32 v28, v33;
	v24 =	vsub.f32 v24, v34  }
0x3b1: {  	v15 =	vadd.f32 v35, v15;
	v19 =	vand.u32 $0x7FFFFFFF, v19;
	s31 =	sadd.s32 $0x100, s31;
	v14 =	vadd.f32 v22, v14;
	v22 =	vld [tilespmem:s30+$0xFFFFFFC0];
	s30 =	smov.u32 s25  }
0x3b2: {  	v18 =	vand.u32 $0x7FFFFFFF, v18;
	s3 =	sadd.s32 $0x100, s3;
	v23 =	vsub.f32 v23, v30;
	v33 =	vld [tilespmem:s31+$0xFFFFFFF0];
	v27 =	vsub.f32 v27, v29  }
0x3b3: {  	v12 =	vand.u32 $0x7FFFFFFF, v12;
	v15 =	vadd.f32 v19, v15;
	v29 =	vld [tilespmem:s3+$0xFFFFFFF0];
	v14 =	vadd.f32 v18, v14  }
0x3b4: {  	v10 =	vand.u32 $0x7FFFFFFF, v10;
	v19 =	vsub.f32 v25, v26;
	v18 =	vld [tilespmem:s31+$0x0];
	v25 =	vsub.f32 v31, v32  }
0x3b5: {  	v11 =	vand.u32 $0x7FFFFFFF, v11;
	v12 =	vadd.f32 v12, v15;
	v26 =	vld [tilespmem:s3+$0x0];
	v10 =	vadd.f32 v10, v14  }
0x3b6: {  	v14 =	vmul.f32 v19, v19;
	v30 =	vld [tilespmem:s31+$0xFFFFFFD0];
	v15 =	vmul.f32 v25, v25;
	v19 =	vsub.f32 v22, v21  }
0x3b7: {  	v22 =	vmul.f32 v27, v27;
	v12 =	vadd.f32 v20, v12;
	v21 =	vld [tilespmem:s3+$0xFFFFFFD0];
	v10 =	vadd.f32 v11, v10  }
0x3b8: {  	v1 =	vadd.f32 v14, v1;
	v11 =	vld [tilespmem:s31+$0xFFFFFFE0];
	v2 =	vadd.f32 v15, v2;
	v14 =	vmul.f32 v19, v19  }
0x3b9: {  	v15 =	vmul.f32 v28, v28;
	v12 =	vadd.f32 v13, v12;
	v19 =	vld [tilespmem:s3+$0xFFFFFFE0];
	v10 =	vadd.f32 v16, v10  }
0x3ba: {  	v1 =	vadd.f32 v22, v1;
	v13 =	vld [tilespmem:s3+$0xFFFFFFB0];
	v2 =	vadd.f32 v14, v2;
	v14 =	vmul.f32 v23, v23  }
0x3bb: {  	v8 =	vadd.f32 v8, v12;
	v16 =	vld [tilespmem:s3+$0xFFFFFFC0];
	v9 =	vadd.f32 v9, v10;
	v10 =	vmul.f32 v17, v17  }
0x3bc: {  	v1 =	vadd.f32 v15, v1;
	v12 =	vld [tilespmem:s31+$0xFFFFFFB0];
	v2 =	vadd.f32 v14, v2;
	v14 =	vmul.f32 v24, v24  }
0x3bd: {  	v5 =	vand.u32 $0x7FFFFFFF, v5;
	v3 =	vadd.f32 v3, v8;
	v17 =	vld [tilespmem:s31+$0xFFFFFFC0];
	v4 =	vadd.f32 v4, v9  }
0x3be: {  	v6 =	vand.u32 $0x7FFFFFFF, v6;
	v1 =	vadd.f32 v10, v1;
	v8 =	vld [tilespmem:s3+$0xFFFFFF90];
	v2 =	vadd.f32 v14, v2  }
0x3bf: {  	v15 =	vadd.f32 v5, v3;
	v9 =	vld [tilespmem:s3+$0xFFFFFFA0];
	v14 =	vadd.f32 v6, v4  }
0x3c0: {  	v3 =	vld [tilespmem:s31+$0xFFFFFF90]  }
0x3c1: {  	v4 =	vld [tilespmem:s31+$0xFFFFFFA0]  }
0x3c2: {  	v20 =	vld.idx.msk [tilespmem:v33+s5+$0x0], $0xffff  }
0x3c3: {  	v5 =	vld.idx.msk [tilespmem:v29+s5+$0x0], $0xffff  }
0x3c4: {  	v25 =	vld.idx.msk [tilespmem:v18+s5+$0x0], $0xffff  }
0x3c5: {  	v6 =	vld.idx.msk [tilespmem:v26+s5+$0x0], $0xffff  }
0x3c6: {  	v23 =	vld.idx.msk [tilespmem:v30+s5+$0x0], $0xffff  }
0x3c7: {  	v21 =	vld.idx.msk [tilespmem:v21+s5+$0x0], $0xffff  }
0x3c8: {  	v26 =	vld.idx.msk [tilespmem:v11+s5+$0x0], $0xffff  }
0x3c9: {  	v30 =	vld.idx.msk [tilespmem:v19+s5+$0x0], $0xffff  }
0x3ca: {  	s0 =	sadd.s32 $0x80, s0;
	v31 =	vld.idx.msk [tilespmem:v13+s5+$0x0], $0xffff  }
0x3cb: {  	p0 =	slt.u32 s0, $0xF80;
	v11 =	vld.idx.msk [tilespmem:v16+s5+$0x0], $0xffff  }
0x3cc: {  	v12 =	vld.idx.msk [tilespmem:v12+s5+$0x0], $0xffff  }
0x3cd: {  	v10 =	vld.idx.msk [tilespmem:v17+s5+$0x0], $0xffff  }
0x3ce: {  	v19 =	vld.idx.msk [tilespmem:v8+s5+$0x0], $0xffff  }
0x3cf: {  	v18 =	vld.idx.msk [tilespmem:v9+s5+$0x0], $0xffff  }
0x3d0: {  	v17 =	vld.idx.msk [tilespmem:v3+s5+$0x0], $0xffff  }
0x3d1: {  	v22 =	vld.idx.msk [tilespmem:v4+s5+$0x0], $0xffff  }
0x3d2: {  	v3 =	vand.u32 $0x7FFFFFFF, v20;
	v4 =	vand.u32 $0x7FFFFFFF, v25;
	v24 =	vld [tilespmem:s25+$0x0]  }
.Ltmp31:
0x3d3: {  	v36 =	vmul.f32 v5, v20;
	v8 =	vand.u32 $0x7FFFFFFF, v21;
	v9 =	vand.u32 $0x7FFFFFFF, v30;
	v28 =	vld [tilespmem:s25+$0xFFFFFFD0];
	(pc) =	sbr.rel @p0 .LBB2_64-.Ltmp31, $4  }
0x3d4: {  	v34 =	vmul.f32 v6, v25;
	v13 =	vand.u32 $0x7FFFFFFF, v23;
	v33 =	vmul.f32 v21, v23;
	v23 =	vld [tilespmem:s25+$0xFFFFFFE0]  }
0x3d5: {  	v16 =	vand.u32 $0x7FFFFFFF, v26;
	v30 =	vmul.f32 v30, v26;
	v29 =	vmul.f32 v31, v12;
	v27 =	vld [tilespmem:s25+$0xFFFFFFB0]  }
0x3d6: {  	v20 =	vand.u32 $0x7FFFFFFF, v31;
	v21 =	vmul.f32 v11, v10;
	v26 =	vmul.f32 v19, v17;
	v25 =	vld [tilespmem:s25+$0xFFFFFF90]  }
0x3d7: {  	v35 =	vand.u32 $0x7FFFFFFF, v17;
	v17 =	vsub.f32 v7, v36;
	v32 =	vmul.f32 v18, v22;
	s25 =	sadd.s32 $0x100, s25;
	v31 =	vld [tilespmem:s30+$0xFFFFFFA0]  }
0x3d8: {  	v7 =	vand.u32 $0x7FFFFFFF, v22;
	v51 =	vsub.f32 v28, v33;
	v24 =	vsub.f32 v24, v34  }
0x3d9: {  	v15 =	vadd.f32 v35, v15;
	v19 =	vand.u32 $0x7FFFFFFF, v19;
	v52 =	vld [tilespmem:s30+$0xFFFFFFC0];
	v7 =	vadd.f32 v7, v14  }
0x3da: {  	v18 =	vand.u32 $0x7FFFFFFF, v18;
	v23 =	vsub.f32 v23, v30;
	v27 =	vsub.f32 v27, v29  }
0x3db: {  	v12 =	vand.u32 $0x7FFFFFFF, v12;
	v15 =	vadd.f32 v19, v15;
	v7 =	vadd.f32 v18, v7  }
0x3dc: {  	v10 =	vand.u32 $0x7FFFFFFF, v10;
	[tilespmem:$0x1E710] =	vst v0;
	v53 =	vsub.f32 v25, v26;
	v54 =	vsub.f32 v31, v32  }
0x3dd: {  	v55 =	vand.u32 $0x7FFFFFFF, v11;
	[tilespmem:$0x1E790] =	vst v0;
	v12 =	vadd.f32 v12, v15;
	v7 =	vadd.f32 v10, v7  }
0x3de: {  	[tilespmem:$0x1E720] =	vst v0;
	v56 =	vmul.f32 v53, v53;
	v14 =	vsub.f32 v52, v21;
	v57 =	vmul.f32 v54, v54  }
0x3df: {  	[tilespmem:$0x1E7A0] =	vst v0;
	v58 =	vmul.f32 v27, v27;
	v12 =	vadd.f32 v20, v12;
	v7 =	vadd.f32 v55, v7  }
0x3e0: {  	[tilespmem:$0x1E730] =	vst v0;
	v1 =	vadd.f32 v56, v1;
	v59 =	vmul.f32 v14, v14;
	v2 =	vadd.f32 v57, v2  }
0x3e1: {  	[tilespmem:$0x1E7B0] =	vst v0;
	v60 =	vmul.f32 v51, v51;
	v12 =	vadd.f32 v13, v12;
	v7 =	vadd.f32 v16, v7  }
0x3e2: {  	[tilespmem:$0x1E740] =	vst v0;
	v61 =	vmul.f32 v23, v23;
	v1 =	vadd.f32 v58, v1;
	v2 =	vadd.f32 v59, v2  }
0x3e3: {  	[tilespmem:$0x1E7C0] =	vst v0;
	v62 =	vmul.f32 v17, v17;
	v8 =	vadd.f32 v8, v12;
	v7 =	vadd.f32 v9, v7  }
0x3e4: {  	[tilespmem:$0x1E750] =	vst v0;
	v63 =	vmul.f32 v24, v24;
	v1 =	vadd.f32 v60, v1;
	v2 =	vadd.f32 v61, v2  }
0x3e5: {  	v5 =	vand.u32 $0x7FFFFFFF, v5;
	[tilespmem:$0x1E7D0] =	vst v0;
	v3 =	vadd.f32 v3, v8;
	v4 =	vadd.f32 v4, v7  }
0x3e6: {  	v6 =	vand.u32 $0x7FFFFFFF, v6;
	[tilespmem:$0x1E760] =	vst v0;
	v1 =	vadd.f32 v62, v1;
	v2 =	vadd.f32 v63, v2  }
0x3e7: {  	[tilespmem:$0x1E7E0] =	vst v0;
	v3 =	vadd.f32 v5, v3;
	v4 =	vadd.f32 v6, v4  }
0x3e8: {  	[tilespmem:$0x1E770] =	vst v0;
	v1 =	vadd.f32 v2, v1  }
0x3e9: {  	[tilespmem:$0x1E7F0] =	vst v0;
	v2 =	vadd.f32 v4, v3  }
0x3ea: {  	[tilespmem:$0x1E700] =	vst v1  }
0x3eb: {  	s0 =	simm.s32 $0x1E700;
	[tilespmem:$0x1E780] =	vst v2  }
0x3ec: {  	[hbm4b:s16+s5] =	stream.linear.scatter [tilespmem:s0], [sflag:$0x4], $0x80, $0x38;
	[tilespmem:$0x1E800] =	vst v63  }
0x3ed: {  	s29 =	sadd.s32 $0x1, s29;
	_ =	swait.ge [sflag:s26], $0x80  }
0x3ee: {  	p0 =	sne.s32 s29, s19;
	[sflag:s26] =	ssyncset.done $0x0  }
.Ltmp32:
0x3ef: {  	s31 =	simm.s32 $0x1E780;
	[sflag:s26] =	ssyncadd.s32 $0xFFFFFF80;
	(pc) =	sbr.rel @p0 .LBB2_1-.Ltmp32, $4  }
0x3f0: {  	[hbm4b:s18+s5] =	stream.linear.scatter [tilespmem:s31], [sflag:$0x4], $0x80, $0x38;
	[tilespmem:$0x1E800] =	vst v63  }
0x3f1: {  	_ =	swait.ge [sflag:s26], $0x80  }
0x3f2: {  	[sflag:s26] =	ssyncset.done $0x0  }
0x3f3: {  	[sflag:s26] =	ssyncadd.s32 $0xFFFFFF80  }
0x3f4: {  	_ =	sfence.sel $0x180000  }
0x3f5: {  	[bflag:$0x0] =	sbarrier.arrive $0xFFFF  }
0x3f6: {  	_ =	strace $0x90000047  }
0x3f7: {  	s0 =	stileid.u32;
	[bflag:$0x2] =	sbarrier.arrive $0xFFFF  }
0x3f8: {  	p0 =	sne.s32 s0, $0x0;
	s0 =	rddreg [dreg:$0x5]  }
0x3f9: {  	s0 =	sadd.s32 @!p0 $0x100000, s0  }
0x3fa: {  	[sflag:s0] =	ssyncadd.tile.s32 @!p0 $0x1;
	_ =	shalt  }
.Lfunc_end2:
_tile_overlayer_lowered:
.L_overlay_start_2:
0x3fb: {  	(tag) =	ssettag $0x2  }
0x3fc: {  	s0 =	rddreg [dreg:$0x0];
	s2 =	stileid.u32  }
0x3fd: {  	s1 =	rddreg [dreg:$0x1];
	p0 =	sne.s32 s2, $0x0  }
0x3fe: {  	s3 =	rddreg [dreg:$0x2];
	[bflag:$0x3] =	sbarrier.arrive $0xFFFF;
	s2 =	simm.s32 @!p0 $0x1C04  }
0x3ff: {  	[timem:s3], [sflag:s2] =	dma.local @!p0 [hbm:s0], s1  }
0x400: {  	s0 =	simm.s32 @!p0 $0x4  }
0x401: {  	_ =	swait.ge @!p0 [sflag:s0], s1  }
0x402: {  	s1 =	ssub.s32 @!p0 $0x0, s1;
	[sflag:s0] =	ssyncset.done @!p0 $0x0  }
0x403: {  	[sflag:s0] =	ssyncadd.s32 @!p0 s1  }
0x404: {  	[bflag:$0x3] =	sbarrier.arrive $0xFFFF  }
0x405: {  	_ =	shalt  }

</sc_bundles>
